<compile_context>
chip_gen: v7x
topology: tpu7x:2x2x1
jax: 0.10.2.dev20260603
libtpu: 0.0.44.dev20260713+nightly
codegen_flags: <defaults>
</compile_context>

<pallas_src>
import functools

import jax
import jax.numpy as jnp
from jax import lax
from jax.experimental import pallas as pl
from jax.experimental.pallas import tpu as pltpu
from jax.experimental.pallas import tpu_sc as plsc

B = 16384
F = 64
IDX_CHUNK = 128
RB = 8
L = 16


def _make_sc_factor_gather(num_cores, num_subcores):
    nw = num_cores * num_subcores
    bpw = B // nw
    nch = bpw // IDX_CHUNK
    mesh = plsc.VectorSubcoreMesh(core_axis_name="c", subcore_axis_name="s")

    @functools.partial(
        pl.kernel,
        mesh=mesh,
        compiler_params=pltpu.CompilerParams(use_tc_tiling_on_sc=False,
                                             needs_layout_passes=False),
        out_type=jax.ShapeDtypeStruct((B, 2 * F), jnp.float32),
        scratch_types=[
            pltpu.VMEM((nch, IDX_CHUNK), jnp.int32),
            pltpu.VMEM((nch, IDX_CHUNK), jnp.int32),
            pltpu.VMEM((bpw, F), jnp.float32),
            pltpu.VMEM((bpw, F), jnp.float32),
            pltpu.SemaphoreType.DMA,
            pltpu.SemaphoreType.DMA,
        ],
    )
    def sc_factors(uidx_hbm, iidx_hbm, uf_hbm, if_hbm, feat_out,
                   uidx_v, iidx_v, u_v, it_v, sem_u, sem_i):
        wid = lax.axis_index("s") * num_cores + lax.axis_index("c")
        base = wid * bpw
        pltpu.sync_copy(uidx_hbm.at[pl.ds(wid * nch, nch)], uidx_v)
        pltpu.sync_copy(iidx_hbm.at[pl.ds(wid * nch, nch)], iidx_v)
        copies = []
        for j in range(nch):
            rows = pl.ds(j * IDX_CHUNK, IDX_CHUNK)
            copies.append(pltpu.async_copy(uf_hbm.at[uidx_v.at[j]], u_v.at[rows], sem_u))
            copies.append(pltpu.async_copy(if_hbm.at[iidx_v.at[j]], it_v.at[rows], sem_i))
        for c in copies:
            c.wait()
        rows = pl.ds(base, bpw)
        pltpu.sync_copy(u_v, feat_out.at[rows, pl.ds(0, F)])
        pltpu.sync_copy(it_v, feat_out.at[rows, pl.ds(F, F)])

    return sc_factors


def _make_sc_linearize(num_cores, num_subcores, n):
    nw = num_cores * num_subcores
    rpw = n // nw
    mesh = plsc.VectorSubcoreMesh(core_axis_name="c", subcore_axis_name="s")

    @functools.partial(
        pl.kernel,
        mesh=mesh,
        compiler_params=pltpu.CompilerParams(use_tc_tiling_on_sc=False,
                                             needs_layout_passes=False),
        out_type=(jax.ShapeDtypeStruct((n, 1), jnp.float32),
                  jax.ShapeDtypeStruct((n, 1), jnp.float32)),
        scratch_types=[
            pltpu.VMEM((rpw, 1), jnp.float32),
            pltpu.VMEM((rpw, 1), jnp.float32),
        ],
    )
    def sc_linearize(a_hbm, b_hbm, a_out, b_out, a_v, b_v):
        wid = lax.axis_index("s") * num_cores + lax.axis_index("c")
        rows = pl.ds(wid * rpw, rpw)
        pltpu.sync_copy(a_hbm.at[rows], a_v)
        pltpu.sync_copy(b_hbm.at[rows], b_v)
        pltpu.sync_copy(a_v, a_out.at[rows])
        pltpu.sync_copy(b_v, b_out.at[rows])

    return sc_linearize


def _make_sc_bias_gather(num_cores, num_subcores):
    nw = num_cores * num_subcores
    bpw = B // nw
    nch = bpw // IDX_CHUNK
    mesh = plsc.VectorSubcoreMesh(core_axis_name="c", subcore_axis_name="s")

    @functools.partial(
        pl.kernel,
        mesh=mesh,
        compiler_params=pltpu.CompilerParams(use_tc_tiling_on_sc=False,
                                             needs_layout_passes=False),
        out_type=jax.ShapeDtypeStruct((B, RB), jnp.float32),
        scratch_types=[
            pltpu.VMEM((nch, IDX_CHUNK), jnp.int32),
            pltpu.VMEM((nch, IDX_CHUNK), jnp.int32),
            pltpu.VMEM((nch, IDX_CHUNK), jnp.int32),
            pltpu.VMEM((nch, IDX_CHUNK), jnp.int32),
            pltpu.VMEM((bpw, RB), jnp.float32),
            pltpu.VMEM((bpw, RB), jnp.float32),
            pltpu.VMEM((bpw, RB), jnp.float32),
            pltpu.SemaphoreType.DMA,
            pltpu.SemaphoreType.DMA,
        ],
    )
    def sc_bias(uidx_hbm, iidx_hbm, ub8_hbm, ib8_hbm, b8_out,
                uidx_v, iidx_v, uidx8_v, iidx8_v, ub_v, ib_v, b8_v,
                sem_ub, sem_ib):
        wid = lax.axis_index("s") * num_cores + lax.axis_index("c")
        base = wid * bpw
        pltpu.sync_copy(uidx_hbm.at[pl.ds(wid * nch, nch)], uidx_v)
        pltpu.sync_copy(iidx_hbm.at[pl.ds(wid * nch, nch)], iidx_v)
        for j in range(nch):
            for m in range(IDX_CHUNK // L):
                s = pl.ds(m * L, L)
                uidx8_v[j, s] = uidx_v[j, s] >> 3
                iidx8_v[j, s] = iidx_v[j, s] >> 3
        copies = []
        for j in range(nch):
            rows = pl.ds(j * IDX_CHUNK, IDX_CHUNK)
            copies.append(pltpu.async_copy(ub8_hbm.at[uidx8_v.at[j]], ub_v.at[rows], sem_ub))
            copies.append(pltpu.async_copy(ib8_hbm.at[iidx8_v.at[j]], ib_v.at[rows], sem_ib))
        for c in copies:
            c.wait()
        for g in range(bpw // L):
            rows16 = lax.iota(jnp.int32, L) + g * L
            sl = pl.ds((g % (IDX_CHUNK // L)) * L, L)
            uidx16 = uidx_v[g // (IDX_CHUNK // L), sl]
            iidx16 = iidx_v[g // (IDX_CHUNK // L), sl]
            ubv = plsc.load_gather(ub_v, [rows16, uidx16 & (RB - 1)])
            ibv = plsc.load_gather(ib_v, [rows16, iidx16 & (RB - 1)])
            plsc.store_scatter(b8_v, [rows16, jnp.zeros((L,), jnp.int32)], ubv)
            plsc.store_scatter(b8_v, [rows16, jnp.ones((L,), jnp.int32)], ibv)
        pltpu.sync_copy(b8_v, b8_out.at[pl.ds(base, bpw)])

    return sc_bias


def _mlp_body(feat_ref, b8_ref, w1cat_ref, w1ub_ref, w1ib_ref, b1_ref,
              w2_ref, b2_ref, w3_ref, b3_ref, w4_ref, b4_ref,
              sd_ref, out_ref):
    feat = feat_ref[...]
    b8 = b8_ref[...]
    ub = b8[:, 0:1]
    ib = b8[:, 1:2]

    def dot(a, b):
        return lax.dot_general(a, b, (((1,), (0,)), ((), ())),
                               preferred_element_type=jnp.float32)

    z1 = (dot(feat, w1cat_ref[...]) + ub * w1ub_ref[...] + ib * w1ib_ref[...]
          + b1_ref[...][None, :])
    x1 = jnp.maximum(z1, 0.0)
    x2 = jnp.maximum(dot(x1, w2_ref[...]) + b2_ref[...][None, :], 0.0)
    sd = jnp.sum(feat[:, :F] * feat[:, F:], axis=1, keepdims=True) + ub + ib
    x3 = dot(x2, w3_ref[...]) + b3_ref[...][None, :] + sd
    o = dot(x3, w4_ref[...]) + b4_ref[...][None, :]
    sd_ref[...] = sd
    out_ref[...] = o


def _mlp_call(feat, b8, weights, blk):
    grid = (B // blk,)
    row_spec = lambda w: pl.BlockSpec((blk, w), lambda i: (i, 0))
    full = lambda a: pl.BlockSpec(a.shape, lambda i: (0,) * a.ndim)
    return pl.pallas_call(
        _mlp_body,
        grid=grid,
        in_specs=[row_spec(2 * F), row_spec(RB)] + [full(w) for w in weights],
        out_specs=[pl.BlockSpec((blk, 1), lambda i: (i, 0)),
                   pl.BlockSpec((blk, 1), lambda i: (i, 0))],
        out_shape=[jax.ShapeDtypeStruct((B, 1), jnp.float32),
                   jax.ShapeDtypeStruct((B, 1), jnp.float32)],
        compiler_params=pltpu.CompilerParams(
            dimension_semantics=("arbitrary",)),
    )(feat, b8, *weights)


def kernel(item_in, user_in, user_factors, user_bias, item_factors, item_bias,
           W1, b1, W2, b2, W3, b3, W4, b4):
    info = plsc.get_sparse_core_info()
    uidx = user_in.reshape(B // IDX_CHUNK, IDX_CHUNK)
    iidx = item_in.reshape(B // IDX_CHUNK, IDX_CHUNK)
    sc_linearize = _make_sc_linearize(info.num_cores, info.num_subcores,
                                      user_bias.shape[0])
    ub_lin, ib_lin = sc_linearize(user_bias, item_bias)
    ub_tab = ub_lin.reshape(ub_lin.shape[0] // RB, RB)
    ib_tab = ib_lin.reshape(ib_lin.shape[0] // RB, RB)

    sc_factors = _make_sc_factor_gather(info.num_cores, info.num_subcores)
    sc_bias = _make_sc_bias_gather(info.num_cores, info.num_subcores)
    feat = sc_factors(uidx, iidx, user_factors, item_factors)
    b8 = sc_bias(uidx, iidx, ub_tab, ib_tab)

    HP = 128
    H = W2.shape[0]
    w1cat = jnp.zeros((2 * F, HP), jnp.float32).at[:, :H].set(
        jnp.concatenate([W1[0:F], W1[F + 1:2 * F + 1]], axis=0))
    w1ub = jnp.zeros((1, HP), jnp.float32).at[:, :H].set(W1[F:F + 1])
    w1ib = jnp.zeros((1, HP), jnp.float32).at[:, :H].set(W1[2 * F + 1:2 * F + 2])
    b1p = jnp.zeros((HP,), jnp.float32).at[:H].set(b1)
    w2p = jnp.zeros((HP, HP), jnp.float32).at[:H, :H].set(W2)
    b2p = jnp.zeros((HP,), jnp.float32).at[:H].set(b2)
    w3p = jnp.zeros((HP, HP), jnp.float32).at[:H, :H].set(W3)
    b3p = jnp.zeros((HP,), jnp.float32).at[:H].set(b3)
    w4p = jnp.zeros((HP, 1), jnp.float32).at[:H].set(W4)
    weights = (w1cat, w1ub, w1ib, b1p, w2p, b2p, w3p, b3p, w4p, b4)
    sd, out = _mlp_call(feat, b8, weights, blk=4096)
    return sd, out

# --- scband reference (transcript-rebuilt; emitter-appended) ---
"""Pipeline reference for scband-collaborative-filtering-30494267802273 (READ-ONLY COPY).

The authoritative reference and input builder live on the scoring server;
editing this copy changes nothing except your own understanding.
"""

import jax, jax.numpy as jnp
import numpy as np

NUM_USERS = 100000
NUM_ITEMS = 100000
F = 64
H = 100
B = 16384


def setup_inputs(seed: int = 0) -> dict:
    key = jax.random.key(seed)
    ks = jax.random.split(key, 16)
    item_in = jax.random.randint(ks[0], (B, 1), 0, NUM_ITEMS, dtype=jnp.int32)
    user_in = jax.random.randint(ks[1], (B, 1), 0, NUM_USERS, dtype=jnp.int32)
    user_factors = jax.random.normal(ks[2], (NUM_USERS, F), dtype=jnp.float32) * 0.05
    user_bias = jax.random.normal(ks[3], (NUM_USERS, 1), dtype=jnp.float32) * 0.05
    item_factors = jax.random.normal(ks[4], (NUM_ITEMS, F), dtype=jnp.float32) * 0.05
    item_bias = jax.random.normal(ks[5], (NUM_ITEMS, 1), dtype=jnp.float32) * 0.05
    D = 2 * F + 2
    W1 = jax.random.normal(ks[6], (D, H), dtype=jnp.float32) * (1.0 / np.sqrt(D))
    b1 = jnp.zeros((H,), dtype=jnp.float32)
    W2 = jax.random.normal(ks[7], (H, H), dtype=jnp.float32) * (1.0 / np.sqrt(H))
    b2 = jnp.zeros((H,), dtype=jnp.float32)
    W3 = jax.random.normal(ks[8], (H, H), dtype=jnp.float32) * (1.0 / np.sqrt(H))
    b3 = jnp.zeros((H,), dtype=jnp.float32)
    W4 = jax.random.normal(ks[9], (H, 1), dtype=jnp.float32) * (1.0 / np.sqrt(H))
    b4 = jnp.zeros((1,), dtype=jnp.float32)
    return {
        'item_in': item_in, 'user_in': user_in,
        'user_factors': user_factors, 'user_bias': user_bias,
        'item_factors': item_factors, 'item_bias': item_bias,
        'W1': W1, 'b1': b1, 'W2': W2, 'b2': b2,
        'W3': W3, 'b3': b3, 'W4': W4, 'b4': b4,
    }


def reference(item_in, user_in, user_factors, user_bias, item_factors, item_bias,
              W1, b1, W2, b2, W3, b3, W4, b4):
    item_idx = item_in[:, 0]
    user_idx = user_in[:, 0]
    # Embedding lookups (gather)
    u = jnp.take(user_factors, user_idx, axis=0)      # [B, F]
    ub = jnp.take(user_bias, user_idx, axis=0)        # [B, 1]
    it = jnp.take(item_factors, item_idx, axis=0)     # [B, F]
    ib = jnp.take(item_bias, item_idx, axis=0)        # [B, 1]
    # simple_dot = dot(user_pref, item_factors) + user_bias + item_bias
    simple_dot = jnp.sum(u * it, axis=-1, keepdims=True) + ub + ib  # [B, 1]
    # MLP branch on concatenated features
    x = jnp.concatenate([u, ub, it, ib], axis=-1)     # [B, 2F+2]
    x = jax.nn.relu(x @ W1 + b1)
    x = jax.nn.relu(x @ W2 + b2)
    # Dropout is inactive at inference
    x = x @ W3 + b3
    x = x + simple_dot                                 # broadcast add [B,H] + [B,1]
    out = x @ W4 + b4                                  # [B, 1]
    return (simple_dot, out)

if __name__ == "__main__":
    import jax
    _d = setup_inputs()
    print(jax.jit(kernel)(*tuple(_d.values())))

</pallas_src>

<mosaic_0001>
#map = affine_map<(d0, d1) -> (0, 0)>
module attributes {stable_mosaic.version = 14 : i64} {
  func.func @sc_linearize(%arg0: i32, %arg1: i32, %arg2: memref<100000x1xf32, #tpu.memory_space<hbm>>, %arg3: memref<100000x1xf32, #tpu.memory_space<hbm>>, %arg4: memref<100000x1xf32, #tpu.memory_space<hbm>>, %arg5: memref<100000x1xf32, #tpu.memory_space<hbm>>, %arg6: memref<3125x1xf32, #tpu.memory_space<vmem>>, %arg7: memref<3125x1xf32, #tpu.memory_space<vmem>>) attributes {dimension_semantics = [#tpu.dimension_semantics<core_parallel>, #tpu.dimension_semantics<subcore_parallel>], iteration_bounds = array<i64: 2, 16>, scalar_prefetch = 0 : i64, scratch_operands = 2 : i64, tpu.core_type = #tpu.core_type<sc_vector_subcore>, window_params = [{transform_indices = #map}, {transform_indices = #map}, {transform_indices = #map}, {transform_indices = #map}]} {
    %mul3A = arith.constant 2 : i32
    %mul3A_0 = arith.muli %arg1, %mul3A : i32
    %add3A = arith.addi %mul3A_0, %arg0 : i32
    %mul3A_1 = arith.constant 3125 : i32
    %mul3A_2 = arith.muli %add3A, %mul3A_1 : i32
    "tpu.region"() ({
      %run_scoped3A = tpu.sem_alloc : memref<!tpu.dma_semaphore, #tpu.memory_space<semaphore_mem>>
      %dma_start3A = arith.constant 0 : i32
      %dma_start3A_3 = tpu.memref_slice %arg2[%mul3A_2, %dma_start3A] : memref<100000x1xf32, #tpu.memory_space<hbm>> -> memref<3125x1xf32, #tpu.memory_space<hbm>>
      %dma_start3A_4 = arith.constant 0 : i32
      %dma_start3A_5 = tpu.memref_slice %arg2[%mul3A_2, %dma_start3A_4] : memref<100000x1xf32, #tpu.memory_space<hbm>> -> memref<3125x1xf32, #tpu.memory_space<hbm>>
      tpu.enqueue_dma source(%dma_start3A_5 : memref<3125x1xf32, #tpu.memory_space<hbm>>) target(%arg6 : memref<3125x1xf32, #tpu.memory_space<vmem>>) target_semaphore(%run_scoped3A : memref<!tpu.dma_semaphore, #tpu.memory_space<semaphore_mem>>)
      %dma_wait3A = arith.constant 0 : i32
      %dma_wait3A_6 = tpu.memref_slice %arg2[%mul3A_2, %dma_wait3A] : memref<100000x1xf32, #tpu.memory_space<hbm>> -> memref<3125x1xf32, #tpu.memory_space<hbm>>
      %dma_wait3A_7 = arith.constant 0 : i32
      %dma_wait3A_8 = tpu.memref_slice %arg2[%mul3A_2, %dma_wait3A_7] : memref<100000x1xf32, #tpu.memory_space<hbm>> -> memref<3125x1xf32, #tpu.memory_space<hbm>>
      tpu.wait_dma2 semaphore(%run_scoped3A : memref<!tpu.dma_semaphore, #tpu.memory_space<semaphore_mem>>) src(%dma_wait3A_8 : memref<3125x1xf32, #tpu.memory_space<hbm>>) dst(%arg6 : memref<3125x1xf32, #tpu.memory_space<vmem>>)
      tpu.yield
    }) : () -> ()
    "tpu.region"() ({
      %run_scoped3A = tpu.sem_alloc : memref<!tpu.dma_semaphore, #tpu.memory_space<semaphore_mem>>
      %dma_start3A = arith.constant 0 : i32
      %dma_start3A_3 = tpu.memref_slice %arg3[%mul3A_2, %dma_start3A] : memref<100000x1xf32, #tpu.memory_space<hbm>> -> memref<3125x1xf32, #tpu.memory_space<hbm>>
      %dma_start3A_4 = arith.constant 0 : i32
      %dma_start3A_5 = tpu.memref_slice %arg3[%mul3A_2, %dma_start3A_4] : memref<100000x1xf32, #tpu.memory_space<hbm>> -> memref<3125x1xf32, #tpu.memory_space<hbm>>
      tpu.enqueue_dma source(%dma_start3A_5 : memref<3125x1xf32, #tpu.memory_space<hbm>>) target(%arg7 : memref<3125x1xf32, #tpu.memory_space<vmem>>) target_semaphore(%run_scoped3A : memref<!tpu.dma_semaphore, #tpu.memory_space<semaphore_mem>>)
      %dma_wait3A = arith.constant 0 : i32
      %dma_wait3A_6 = tpu.memref_slice %arg3[%mul3A_2, %dma_wait3A] : memref<100000x1xf32, #tpu.memory_space<hbm>> -> memref<3125x1xf32, #tpu.memory_space<hbm>>
      %dma_wait3A_7 = arith.constant 0 : i32
      %dma_wait3A_8 = tpu.memref_slice %arg3[%mul3A_2, %dma_wait3A_7] : memref<100000x1xf32, #tpu.memory_space<hbm>> -> memref<3125x1xf32, #tpu.memory_space<hbm>>
      tpu.wait_dma2 semaphore(%run_scoped3A : memref<!tpu.dma_semaphore, #tpu.memory_space<semaphore_mem>>) src(%dma_wait3A_8 : memref<3125x1xf32, #tpu.memory_space<hbm>>) dst(%arg7 : memref<3125x1xf32, #tpu.memory_space<vmem>>)
      tpu.yield
    }) : () -> ()
    "tpu.region"() ({
      %run_scoped3A = tpu.sem_alloc : memref<!tpu.dma_semaphore, #tpu.memory_space<semaphore_mem>>
      %dma_start3A = arith.constant 0 : i32
      %dma_start3A_3 = tpu.memref_slice %arg4[%mul3A_2, %dma_start3A] : memref<100000x1xf32, #tpu.memory_space<hbm>> -> memref<3125x1xf32, #tpu.memory_space<hbm>>
      %dma_start3A_4 = arith.constant 0 : i32
      %dma_start3A_5 = tpu.memref_slice %arg4[%mul3A_2, %dma_start3A_4] : memref<100000x1xf32, #tpu.memory_space<hbm>> -> memref<3125x1xf32, #tpu.memory_space<hbm>>
      tpu.enqueue_dma source(%arg6 : memref<3125x1xf32, #tpu.memory_space<vmem>>) target(%dma_start3A_5 : memref<3125x1xf32, #tpu.memory_space<hbm>>) target_semaphore(%run_scoped3A : memref<!tpu.dma_semaphore, #tpu.memory_space<semaphore_mem>>)
      %dma_wait3A = arith.constant 0 : i32
      %dma_wait3A_6 = tpu.memref_slice %arg4[%mul3A_2, %dma_wait3A] : memref<100000x1xf32, #tpu.memory_space<hbm>> -> memref<3125x1xf32, #tpu.memory_space<hbm>>
      %dma_wait3A_7 = arith.constant 0 : i32
      %dma_wait3A_8 = tpu.memref_slice %arg4[%mul3A_2, %dma_wait3A_7] : memref<100000x1xf32, #tpu.memory_space<hbm>> -> memref<3125x1xf32, #tpu.memory_space<hbm>>
      tpu.wait_dma2 semaphore(%run_scoped3A : memref<!tpu.dma_semaphore, #tpu.memory_space<semaphore_mem>>) src(%arg6 : memref<3125x1xf32, #tpu.memory_space<vmem>>) dst(%dma_wait3A_8 : memref<3125x1xf32, #tpu.memory_space<hbm>>)
      tpu.yield
    }) : () -> ()
    "tpu.region"() ({
      %run_scoped3A = tpu.sem_alloc : memref<!tpu.dma_semaphore, #tpu.memory_space<semaphore_mem>>
      %dma_start3A = arith.constant 0 : i32
      %dma_start3A_3 = tpu.memref_slice %arg5[%mul3A_2, %dma_start3A] : memref<100000x1xf32, #tpu.memory_space<hbm>> -> memref<3125x1xf32, #tpu.memory_space<hbm>>
      %dma_start3A_4 = arith.constant 0 : i32
      %dma_start3A_5 = tpu.memref_slice %arg5[%mul3A_2, %dma_start3A_4] : memref<100000x1xf32, #tpu.memory_space<hbm>> -> memref<3125x1xf32, #tpu.memory_space<hbm>>
      tpu.enqueue_dma source(%arg7 : memref<3125x1xf32, #tpu.memory_space<vmem>>) target(%dma_start3A_5 : memref<3125x1xf32, #tpu.memory_space<hbm>>) target_semaphore(%run_scoped3A : memref<!tpu.dma_semaphore, #tpu.memory_space<semaphore_mem>>)
      %dma_wait3A = arith.constant 0 : i32
      %dma_wait3A_6 = tpu.memref_slice %arg5[%mul3A_2, %dma_wait3A] : memref<100000x1xf32, #tpu.memory_space<hbm>> -> memref<3125x1xf32, #tpu.memory_space<hbm>>
      %dma_wait3A_7 = arith.constant 0 : i32
      %dma_wait3A_8 = tpu.memref_slice %arg5[%mul3A_2, %dma_wait3A_7] : memref<100000x1xf32, #tpu.memory_space<hbm>> -> memref<3125x1xf32, #tpu.memory_space<hbm>>
      tpu.wait_dma2 semaphore(%run_scoped3A : memref<!tpu.dma_semaphore, #tpu.memory_space<semaphore_mem>>) src(%arg7 : memref<3125x1xf32, #tpu.memory_space<vmem>>) dst(%dma_wait3A_8 : memref<3125x1xf32, #tpu.memory_space<hbm>>)
      tpu.yield
    }) : () -> ()
    return
  }
}

#map = affine_map<(d0, d1) -> (0, 0)>
module attributes {stable_mosaic.version = 14 : i64} {
  func.func @sc_factors(%arg0: i32, %arg1: i32, %arg2: memref<128x128xi32, #tpu.memory_space<hbm>>, %arg3: memref<128x128xi32, #tpu.memory_space<hbm>>, %arg4: memref<100000x64xf32, #tpu.memory_space<hbm>>, %arg5: memref<100000x64xf32, #tpu.memory_space<hbm>>, %arg6: memref<16384x128xf32, #tpu.memory_space<hbm>>, %arg7: memref<4x128xi32, #tpu.memory_space<vmem>>, %arg8: memref<4x128xi32, #tpu.memory_space<vmem>>, %arg9: memref<512x64xf32, #tpu.memory_space<vmem>>, %arg10: memref<512x64xf32, #tpu.memory_space<vmem>>, %arg11: memref<!tpu.dma_semaphore, #tpu.memory_space<semaphore_mem>>, %arg12: memref<!tpu.dma_semaphore, #tpu.memory_space<semaphore_mem>>) attributes {dimension_semantics = [#tpu.dimension_semantics<core_parallel>, #tpu.dimension_semantics<subcore_parallel>], iteration_bounds = array<i64: 2, 16>, scalar_prefetch = 0 : i64, scratch_operands = 6 : i64, tpu.core_type = #tpu.core_type<sc_vector_subcore>, window_params = [{transform_indices = #map}, {transform_indices = #map}, {transform_indices = #map}, {transform_indices = #map}, {transform_indices = #map}]} {
    %mul3A = arith.constant 2 : i32
    %mul3A_0 = arith.muli %arg1, %mul3A : i32
    %add3A = arith.addi %mul3A_0, %arg0 : i32
    %mul3A_1 = arith.constant 512 : i32
    %mul3A_2 = arith.muli %add3A, %mul3A_1 : i32
    %mul3A_3 = arith.constant 4 : i32
    %mul3A_4 = arith.muli %add3A, %mul3A_3 : i32
    "tpu.region"() ({
      %run_scoped3A = tpu.sem_alloc : memref<!tpu.dma_semaphore, #tpu.memory_space<semaphore_mem>>
      %dma_start3A_165 = arith.constant 0 : i32
      %dma_start3A_166 = tpu.memref_slice %arg2[%mul3A_4, %dma_start3A_165] : memref<128x128xi32, #tpu.memory_space<hbm>> -> memref<4x128xi32, #tpu.memory_space<hbm>>
      %dma_start3A_167 = arith.constant 0 : i32
      %dma_start3A_168 = tpu.memref_slice %arg2[%mul3A_4, %dma_start3A_167] : memref<128x128xi32, #tpu.memory_space<hbm>> -> memref<4x128xi32, #tpu.memory_space<hbm>>
      tpu.enqueue_dma source(%dma_start3A_168 : memref<4x128xi32, #tpu.memory_space<hbm>>) target(%arg7 : memref<4x128xi32, #tpu.memory_space<vmem>>) target_semaphore(%run_scoped3A : memref<!tpu.dma_semaphore, #tpu.memory_space<semaphore_mem>>)
      %dma_wait3A_169 = arith.constant 0 : i32
      %dma_wait3A_170 = tpu.memref_slice %arg2[%mul3A_4, %dma_wait3A_169] : memref<128x128xi32, #tpu.memory_space<hbm>> -> memref<4x128xi32, #tpu.memory_space<hbm>>
      %dma_wait3A_171 = arith.constant 0 : i32
      %dma_wait3A_172 = tpu.memref_slice %arg2[%mul3A_4, %dma_wait3A_171] : memref<128x128xi32, #tpu.memory_space<hbm>> -> memref<4x128xi32, #tpu.memory_space<hbm>>
      tpu.wait_dma2 semaphore(%run_scoped3A : memref<!tpu.dma_semaphore, #tpu.memory_space<semaphore_mem>>) src(%dma_wait3A_172 : memref<4x128xi32, #tpu.memory_space<hbm>>) dst(%arg7 : memref<4x128xi32, #tpu.memory_space<vmem>>)
      tpu.yield
    }) : () -> ()
    %mul3A_5 = arith.constant 4 : i32
    %mul3A_6 = arith.muli %add3A, %mul3A_5 : i32
    "tpu.region"() ({
      %run_scoped3A = tpu.sem_alloc : memref<!tpu.dma_semaphore, #tpu.memory_space<semaphore_mem>>
      %dma_start3A_165 = arith.constant 0 : i32
      %dma_start3A_166 = tpu.memref_slice %arg3[%mul3A_6, %dma_start3A_165] : memref<128x128xi32, #tpu.memory_space<hbm>> -> memref<4x128xi32, #tpu.memory_space<hbm>>
      %dma_start3A_167 = arith.constant 0 : i32
      %dma_start3A_168 = tpu.memref_slice %arg3[%mul3A_6, %dma_start3A_167] : memref<128x128xi32, #tpu.memory_space<hbm>> -> memref<4x128xi32, #tpu.memory_space<hbm>>
      tpu.enqueue_dma source(%dma_start3A_168 : memref<4x128xi32, #tpu.memory_space<hbm>>) target(%arg8 : memref<4x128xi32, #tpu.memory_space<vmem>>) target_semaphore(%run_scoped3A : memref<!tpu.dma_semaphore, #tpu.memory_space<semaphore_mem>>)
      %dma_wait3A_169 = arith.constant 0 : i32
      %dma_wait3A_170 = tpu.memref_slice %arg3[%mul3A_6, %dma_wait3A_169] : memref<128x128xi32, #tpu.memory_space<hbm>> -> memref<4x128xi32, #tpu.memory_space<hbm>>
      %dma_wait3A_171 = arith.constant 0 : i32
      %dma_wait3A_172 = tpu.memref_slice %arg3[%mul3A_6, %dma_wait3A_171] : memref<128x128xi32, #tpu.memory_space<hbm>> -> memref<4x128xi32, #tpu.memory_space<hbm>>
      tpu.wait_dma2 semaphore(%run_scoped3A : memref<!tpu.dma_semaphore, #tpu.memory_space<semaphore_mem>>) src(%dma_wait3A_172 : memref<4x128xi32, #tpu.memory_space<hbm>>) dst(%arg8 : memref<4x128xi32, #tpu.memory_space<vmem>>)
      tpu.yield
    }) : () -> ()
    %dma_start3A = arith.constant 0 : i32
    %dma_start3A_7 = arith.constant 0 : i32
    %dma_start3A_8 = arith.constant 0 : i32
    %dma_start3A_9 = tpu.memref_slice %arg9[%dma_start3A_7, %dma_start3A_8] : memref<512x64xf32, #tpu.memory_space<vmem>> -> memref<128x64xf32, #tpu.memory_space<vmem>>
    %dma_start3A_10 = arith.constant 0 : i32
    %dma_start3A_11 = tpu.memref_slice %arg7[%dma_start3A, %dma_start3A_10] : memref<4x128xi32, #tpu.memory_space<vmem>> -> memref<1x128xi32, #tpu.memory_space<vmem>>
    %dma_start3A_12 = tpu.memref_squeeze %dma_start3A_11 : memref<1x128xi32, #tpu.memory_space<vmem>> -> memref<128xi32, #tpu.memory_space<vmem>>
    %dma_start3A_13 = arith.constant 0 : i32
    %dma_start3A_14 = arith.constant 0 : i32
    %dma_start3A_15 = tpu.memref_slice %arg4[%dma_start3A_13, %dma_start3A_14] : memref<100000x64xf32, #tpu.memory_space<hbm>> -> memref<100000x64xf32, #tpu.memory_space<hbm>>
    tpu.enqueue_indirect_dma source(%dma_start3A_15 : memref<100000x64xf32, #tpu.memory_space<hbm>>) target(%dma_start3A_9 : memref<128x64xf32, #tpu.memory_space<vmem>>) offsets(%dma_start3A_12 : memref<128xi32, #tpu.memory_space<vmem>>) semaphore(%arg11 : memref<!tpu.dma_semaphore, #tpu.memory_space<semaphore_mem>>)
    %dma_start3A_16 = arith.constant 0 : i32
    %dma_start3A_17 = arith.constant 0 : i32
    %dma_start3A_18 = arith.constant 0 : i32
    %dma_start3A_19 = tpu.memref_slice %arg10[%dma_start3A_17, %dma_start3A_18] : memref<512x64xf32, #tpu.memory_space<vmem>> -> memref<128x64xf32, #tpu.memory_space<vmem>>
    %dma_start3A_20 = arith.constant 0 : i32
    %dma_start3A_21 = tpu.memref_slice %arg8[%dma_start3A_16, %dma_start3A_20] : memref<4x128xi32, #tpu.memory_space<vmem>> -> memref<1x128xi32, #tpu.memory_space<vmem>>
    %dma_start3A_22 = tpu.memref_squeeze %dma_start3A_21 : memref<1x128xi32, #tpu.memory_space<vmem>> -> memref<128xi32, #tpu.memory_space<vmem>>
    %dma_start3A_23 = arith.constant 0 : i32
    %dma_start3A_24 = arith.constant 0 : i32
    %dma_start3A_25 = tpu.memref_slice %arg5[%dma_start3A_23, %dma_start3A_24] : memref<100000x64xf32, #tpu.memory_space<hbm>> -> memref<100000x64xf32, #tpu.memory_space<hbm>>
    tpu.enqueue_indirect_dma source(%dma_start3A_25 : memref<100000x64xf32, #tpu.memory_space<hbm>>) target(%dma_start3A_19 : memref<128x64xf32, #tpu.memory_space<vmem>>) offsets(%dma_start3A_22 : memref<128xi32, #tpu.memory_space<vmem>>) semaphore(%arg12 : memref<!tpu.dma_semaphore, #tpu.memory_space<semaphore_mem>>)
    %dma_start3A_26 = arith.constant 1 : i32
    %dma_start3A_27 = arith.constant 128 : i32
    %dma_start3A_28 = arith.constant 0 : i32
    %dma_start3A_29 = tpu.memref_slice %arg9[%dma_start3A_27, %dma_start3A_28] : memref<512x64xf32, #tpu.memory_space<vmem>> -> memref<128x64xf32, #tpu.memory_space<vmem>>
    %dma_start3A_30 = arith.constant 0 : i32
    %dma_start3A_31 = tpu.memref_slice %arg7[%dma_start3A_26, %dma_start3A_30] : memref<4x128xi32, #tpu.memory_space<vmem>> -> memref<1x128xi32, #tpu.memory_space<vmem>>
    %dma_start3A_32 = tpu.memref_squeeze %dma_start3A_31 : memref<1x128xi32, #tpu.memory_space<vmem>> -> memref<128xi32, #tpu.memory_space<vmem>>
    %dma_start3A_33 = arith.constant 0 : i32
    %dma_start3A_34 = arith.constant 0 : i32
    %dma_start3A_35 = tpu.memref_slice %arg4[%dma_start3A_33, %dma_start3A_34] : memref<100000x64xf32, #tpu.memory_space<hbm>> -> memref<100000x64xf32, #tpu.memory_space<hbm>>
    tpu.enqueue_indirect_dma source(%dma_start3A_35 : memref<100000x64xf32, #tpu.memory_space<hbm>>) target(%dma_start3A_29 : memref<128x64xf32, #tpu.memory_space<vmem>>) offsets(%dma_start3A_32 : memref<128xi32, #tpu.memory_space<vmem>>) semaphore(%arg11 : memref<!tpu.dma_semaphore, #tpu.memory_space<semaphore_mem>>)
    %dma_start3A_36 = arith.constant 1 : i32
    %dma_start3A_37 = arith.constant 128 : i32
    %dma_start3A_38 = arith.constant 0 : i32
    %dma_start3A_39 = tpu.memref_slice %arg10[%dma_start3A_37, %dma_start3A_38] : memref<512x64xf32, #tpu.memory_space<vmem>> -> memref<128x64xf32, #tpu.memory_space<vmem>>
    %dma_start3A_40 = arith.constant 0 : i32
    %dma_start3A_41 = tpu.memref_slice %arg8[%dma_start3A_36, %dma_start3A_40] : memref<4x128xi32, #tpu.memory_space<vmem>> -> memref<1x128xi32, #tpu.memory_space<vmem>>
    %dma_start3A_42 = tpu.memref_squeeze %dma_start3A_41 : memref<1x128xi32, #tpu.memory_space<vmem>> -> memref<128xi32, #tpu.memory_space<vmem>>
    %dma_start3A_43 = arith.constant 0 : i32
    %dma_start3A_44 = arith.constant 0 : i32
    %dma_start3A_45 = tpu.memref_slice %arg5[%dma_start3A_43, %dma_start3A_44] : memref<100000x64xf32, #tpu.memory_space<hbm>> -> memref<100000x64xf32, #tpu.memory_space<hbm>>
    tpu.enqueue_indirect_dma source(%dma_start3A_45 : memref<100000x64xf32, #tpu.memory_space<hbm>>) target(%dma_start3A_39 : memref<128x64xf32, #tpu.memory_space<vmem>>) offsets(%dma_start3A_42 : memref<128xi32, #tpu.memory_space<vmem>>) semaphore(%arg12 : memref<!tpu.dma_semaphore, #tpu.memory_space<semaphore_mem>>)
    %dma_start3A_46 = arith.constant 2 : i32
    %dma_start3A_47 = arith.constant 256 : i32
    %dma_start3A_48 = arith.constant 0 : i32
    %dma_start3A_49 = tpu.memref_slice %arg9[%dma_start3A_47, %dma_start3A_48] : memref<512x64xf32, #tpu.memory_space<vmem>> -> memref<128x64xf32, #tpu.memory_space<vmem>>
    %dma_start3A_50 = arith.constant 0 : i32
    %dma_start3A_51 = tpu.memref_slice %arg7[%dma_start3A_46, %dma_start3A_50] : memref<4x128xi32, #tpu.memory_space<vmem>> -> memref<1x128xi32, #tpu.memory_space<vmem>>
    %dma_start3A_52 = tpu.memref_squeeze %dma_start3A_51 : memref<1x128xi32, #tpu.memory_space<vmem>> -> memref<128xi32, #tpu.memory_space<vmem>>
    %dma_start3A_53 = arith.constant 0 : i32
    %dma_start3A_54 = arith.constant 0 : i32
    %dma_start3A_55 = tpu.memref_slice %arg4[%dma_start3A_53, %dma_start3A_54] : memref<100000x64xf32, #tpu.memory_space<hbm>> -> memref<100000x64xf32, #tpu.memory_space<hbm>>
    tpu.enqueue_indirect_dma source(%dma_start3A_55 : memref<100000x64xf32, #tpu.memory_space<hbm>>) target(%dma_start3A_49 : memref<128x64xf32, #tpu.memory_space<vmem>>) offsets(%dma_start3A_52 : memref<128xi32, #tpu.memory_space<vmem>>) semaphore(%arg11 : memref<!tpu.dma_semaphore, #tpu.memory_space<semaphore_mem>>)
    %dma_start3A_56 = arith.constant 2 : i32
    %dma_start3A_57 = arith.constant 256 : i32
    %dma_start3A_58 = arith.constant 0 : i32
    %dma_start3A_59 = tpu.memref_slice %arg10[%dma_start3A_57, %dma_start3A_58] : memref<512x64xf32, #tpu.memory_space<vmem>> -> memref<128x64xf32, #tpu.memory_space<vmem>>
    %dma_start3A_60 = arith.constant 0 : i32
    %dma_start3A_61 = tpu.memref_slice %arg8[%dma_start3A_56, %dma_start3A_60] : memref<4x128xi32, #tpu.memory_space<vmem>> -> memref<1x128xi32, #tpu.memory_space<vmem>>
    %dma_start3A_62 = tpu.memref_squeeze %dma_start3A_61 : memref<1x128xi32, #tpu.memory_space<vmem>> -> memref<128xi32, #tpu.memory_space<vmem>>
    %dma_start3A_63 = arith.constant 0 : i32
    %dma_start3A_64 = arith.constant 0 : i32
    %dma_start3A_65 = tpu.memref_slice %arg5[%dma_start3A_63, %dma_start3A_64] : memref<100000x64xf32, #tpu.memory_space<hbm>> -> memref<100000x64xf32, #tpu.memory_space<hbm>>
    tpu.enqueue_indirect_dma source(%dma_start3A_65 : memref<100000x64xf32, #tpu.memory_space<hbm>>) target(%dma_start3A_59 : memref<128x64xf32, #tpu.memory_space<vmem>>) offsets(%dma_start3A_62 : memref<128xi32, #tpu.memory_space<vmem>>) semaphore(%arg12 : memref<!tpu.dma_semaphore, #tpu.memory_space<semaphore_mem>>)
    %dma_start3A_66 = arith.constant 3 : i32
    %dma_start3A_67 = arith.constant 384 : i32
    %dma_start3A_68 = arith.constant 0 : i32
    %dma_start3A_69 = tpu.memref_slice %arg9[%dma_start3A_67, %dma_start3A_68] : memref<512x64xf32, #tpu.memory_space<vmem>> -> memref<128x64xf32, #tpu.memory_space<vmem>>
    %dma_start3A_70 = arith.constant 0 : i32
    %dma_start3A_71 = tpu.memref_slice %arg7[%dma_start3A_66, %dma_start3A_70] : memref<4x128xi32, #tpu.memory_space<vmem>> -> memref<1x128xi32, #tpu.memory_space<vmem>>
    %dma_start3A_72 = tpu.memref_squeeze %dma_start3A_71 : memref<1x128xi32, #tpu.memory_space<vmem>> -> memref<128xi32, #tpu.memory_space<vmem>>
    %dma_start3A_73 = arith.constant 0 : i32
    %dma_start3A_74 = arith.constant 0 : i32
    %dma_start3A_75 = tpu.memref_slice %arg4[%dma_start3A_73, %dma_start3A_74] : memref<100000x64xf32, #tpu.memory_space<hbm>> -> memref<100000x64xf32, #tpu.memory_space<hbm>>
    tpu.enqueue_indirect_dma source(%dma_start3A_75 : memref<100000x64xf32, #tpu.memory_space<hbm>>) target(%dma_start3A_69 : memref<128x64xf32, #tpu.memory_space<vmem>>) offsets(%dma_start3A_72 : memref<128xi32, #tpu.memory_space<vmem>>) semaphore(%arg11 : memref<!tpu.dma_semaphore, #tpu.memory_space<semaphore_mem>>)
    %dma_start3A_76 = arith.constant 3 : i32
    %dma_start3A_77 = arith.constant 384 : i32
    %dma_start3A_78 = arith.constant 0 : i32
    %dma_start3A_79 = tpu.memref_slice %arg10[%dma_start3A_77, %dma_start3A_78] : memref<512x64xf32, #tpu.memory_space<vmem>> -> memref<128x64xf32, #tpu.memory_space<vmem>>
    %dma_start3A_80 = arith.constant 0 : i32
    %dma_start3A_81 = tpu.memref_slice %arg8[%dma_start3A_76, %dma_start3A_80] : memref<4x128xi32, #tpu.memory_space<vmem>> -> memref<1x128xi32, #tpu.memory_space<vmem>>
    %dma_start3A_82 = tpu.memref_squeeze %dma_start3A_81 : memref<1x128xi32, #tpu.memory_space<vmem>> -> memref<128xi32, #tpu.memory_space<vmem>>
    %dma_start3A_83 = arith.constant 0 : i32
    %dma_start3A_84 = arith.constant 0 : i32
    %dma_start3A_85 = tpu.memref_slice %arg5[%dma_start3A_83, %dma_start3A_84] : memref<100000x64xf32, #tpu.memory_space<hbm>> -> memref<100000x64xf32, #tpu.memory_space<hbm>>
    tpu.enqueue_indirect_dma source(%dma_start3A_85 : memref<100000x64xf32, #tpu.memory_space<hbm>>) target(%dma_start3A_79 : memref<128x64xf32, #tpu.memory_space<vmem>>) offsets(%dma_start3A_82 : memref<128xi32, #tpu.memory_space<vmem>>) semaphore(%arg12 : memref<!tpu.dma_semaphore, #tpu.memory_space<semaphore_mem>>)
    %dma_wait3A = arith.constant 0 : i32
    %dma_wait3A_86 = arith.constant 0 : i32
    %dma_wait3A_87 = arith.constant 0 : i32
    %dma_wait3A_88 = tpu.memref_slice %arg9[%dma_wait3A_86, %dma_wait3A_87] : memref<512x64xf32, #tpu.memory_space<vmem>> -> memref<128x64xf32, #tpu.memory_space<vmem>>
    %dma_wait3A_89 = arith.constant 0 : i32
    %dma_wait3A_90 = tpu.memref_slice %arg7[%dma_wait3A, %dma_wait3A_89] : memref<4x128xi32, #tpu.memory_space<vmem>> -> memref<1x128xi32, #tpu.memory_space<vmem>>
    %dma_wait3A_91 = tpu.memref_squeeze %dma_wait3A_90 : memref<1x128xi32, #tpu.memory_space<vmem>> -> memref<128xi32, #tpu.memory_space<vmem>>
    %dma_wait3A_92 = arith.constant 0 : i32
    %dma_wait3A_93 = arith.constant 0 : i32
    %dma_wait3A_94 = tpu.memref_slice %arg4[%dma_wait3A_92, %dma_wait3A_93] : memref<100000x64xf32, #tpu.memory_space<hbm>> -> memref<100000x64xf32, #tpu.memory_space<hbm>>
    tpu.wait_indirect_dma semaphore(%arg11 : memref<!tpu.dma_semaphore, #tpu.memory_space<semaphore_mem>>) src(%dma_wait3A_94 : memref<100000x64xf32, #tpu.memory_space<hbm>>) dst(%dma_wait3A_88 : memref<128x64xf32, #tpu.memory_space<vmem>>)
    %dma_wait3A_95 = arith.constant 0 : i32
    %dma_wait3A_96 = arith.constant 0 : i32
    %dma_wait3A_97 = arith.constant 0 : i32
    %dma_wait3A_98 = tpu.memref_slice %arg10[%dma_wait3A_96, %dma_wait3A_97] : memref<512x64xf32, #tpu.memory_space<vmem>> -> memref<128x64xf32, #tpu.memory_space<vmem>>
    %dma_wait3A_99 = arith.constant 0 : i32
    %dma_wait3A_100 = tpu.memref_slice %arg8[%dma_wait3A_95, %dma_wait3A_99] : memref<4x128xi32, #tpu.memory_space<vmem>> -> memref<1x128xi32, #tpu.memory_space<vmem>>
    %dma_wait3A_101 = tpu.memref_squeeze %dma_wait3A_100 : memref<1x128xi32, #tpu.memory_space<vmem>> -> memref<128xi32, #tpu.memory_space<vmem>>
    %dma_wait3A_102 = arith.constant 0 : i32
    %dma_wait3A_103 = arith.constant 0 : i32
    %dma_wait3A_104 = tpu.memref_slice %arg5[%dma_wait3A_102, %dma_wait3A_103] : memref<100000x64xf32, #tpu.memory_space<hbm>> -> memref<100000x64xf32, #tpu.memory_space<hbm>>
    tpu.wait_indirect_dma semaphore(%arg12 : memref<!tpu.dma_semaphore, #tpu.memory_space<semaphore_mem>>) src(%dma_wait3A_104 : memref<100000x64xf32, #tpu.memory_space<hbm>>) dst(%dma_wait3A_98 : memref<128x64xf32, #tpu.memory_space<vmem>>)
    %dma_wait3A_105 = arith.constant 1 : i32
    %dma_wait3A_106 = arith.constant 128 : i32
    %dma_wait3A_107 = arith.constant 0 : i32
    %dma_wait3A_108 = tpu.memref_slice %arg9[%dma_wait3A_106, %dma_wait3A_107] : memref<512x64xf32, #tpu.memory_space<vmem>> -> memref<128x64xf32, #tpu.memory_space<vmem>>
    %dma_wait3A_109 = arith.constant 0 : i32
    %dma_wait3A_110 = tpu.memref_slice %arg7[%dma_wait3A_105, %dma_wait3A_109] : memref<4x128xi32, #tpu.memory_space<vmem>> -> memref<1x128xi32, #tpu.memory_space<vmem>>
    %dma_wait3A_111 = tpu.memref_squeeze %dma_wait3A_110 : memref<1x128xi32, #tpu.memory_space<vmem>> -> memref<128xi32, #tpu.memory_space<vmem>>
    %dma_wait3A_112 = arith.constant 0 : i32
    %dma_wait3A_113 = arith.constant 0 : i32
    %dma_wait3A_114 = tpu.memref_slice %arg4[%dma_wait3A_112, %dma_wait3A_113] : memref<100000x64xf32, #tpu.memory_space<hbm>> -> memref<100000x64xf32, #tpu.memory_space<hbm>>
    tpu.wait_indirect_dma semaphore(%arg11 : memref<!tpu.dma_semaphore, #tpu.memory_space<semaphore_mem>>) src(%dma_wait3A_114 : memref<100000x64xf32, #tpu.memory_space<hbm>>) dst(%dma_wait3A_108 : memref<128x64xf32, #tpu.memory_space<vmem>>)
    %dma_wait3A_115 = arith.constant 1 : i32
    %dma_wait3A_116 = arith.constant 128 : i32
    %dma_wait3A_117 = arith.constant 0 : i32
    %dma_wait3A_118 = tpu.memref_slice %arg10[%dma_wait3A_116, %dma_wait3A_117] : memref<512x64xf32, #tpu.memory_space<vmem>> -> memref<128x64xf32, #tpu.memory_space<vmem>>
    %dma_wait3A_119 = arith.constant 0 : i32
    %dma_wait3A_120 = tpu.memref_slice %arg8[%dma_wait3A_115, %dma_wait3A_119] : memref<4x128xi32, #tpu.memory_space<vmem>> -> memref<1x128xi32, #tpu.memory_space<vmem>>
    %dma_wait3A_121 = tpu.memref_squeeze %dma_wait3A_120 : memref<1x128xi32, #tpu.memory_space<vmem>> -> memref<128xi32, #tpu.memory_space<vmem>>
    %dma_wait3A_122 = arith.constant 0 : i32
    %dma_wait3A_123 = arith.constant 0 : i32
    %dma_wait3A_124 = tpu.memref_slice %arg5[%dma_wait3A_122, %dma_wait3A_123] : memref<100000x64xf32, #tpu.memory_space<hbm>> -> memref<100000x64xf32, #tpu.memory_space<hbm>>
    tpu.wait_indirect_dma semaphore(%arg12 : memref<!tpu.dma_semaphore, #tpu.memory_space<semaphore_mem>>) src(%dma_wait3A_124 : memref<100000x64xf32, #tpu.memory_space<hbm>>) dst(%dma_wait3A_118 : memref<128x64xf32, #tpu.memory_space<vmem>>)
    %dma_wait3A_125 = arith.constant 2 : i32
    %dma_wait3A_126 = arith.constant 256 : i32
    %dma_wait3A_127 = arith.constant 0 : i32
    %dma_wait3A_128 = tpu.memref_slice %arg9[%dma_wait3A_126, %dma_wait3A_127] : memref<512x64xf32, #tpu.memory_space<vmem>> -> memref<128x64xf32, #tpu.memory_space<vmem>>
    %dma_wait3A_129 = arith.constant 0 : i32
    %dma_wait3A_130 = tpu.memref_slice %arg7[%dma_wait3A_125, %dma_wait3A_129] : memref<4x128xi32, #tpu.memory_space<vmem>> -> memref<1x128xi32, #tpu.memory_space<vmem>>
    %dma_wait3A_131 = tpu.memref_squeeze %dma_wait3A_130 : memref<1x128xi32, #tpu.memory_space<vmem>> -> memref<128xi32, #tpu.memory_space<vmem>>
    %dma_wait3A_132 = arith.constant 0 : i32
    %dma_wait3A_133 = arith.constant 0 : i32
    %dma_wait3A_134 = tpu.memref_slice %arg4[%dma_wait3A_132, %dma_wait3A_133] : memref<100000x64xf32, #tpu.memory_space<hbm>> -> memref<100000x64xf32, #tpu.memory_space<hbm>>
    tpu.wait_indirect_dma semaphore(%arg11 : memref<!tpu.dma_semaphore, #tpu.memory_space<semaphore_mem>>) src(%dma_wait3A_134 : memref<100000x64xf32, #tpu.memory_space<hbm>>) dst(%dma_wait3A_128 : memref<128x64xf32, #tpu.memory_space<vmem>>)
    %dma_wait3A_135 = arith.constant 2 : i32
    %dma_wait3A_136 = arith.constant 256 : i32
    %dma_wait3A_137 = arith.constant 0 : i32
    %dma_wait3A_138 = tpu.memref_slice %arg10[%dma_wait3A_136, %dma_wait3A_137] : memref<512x64xf32, #tpu.memory_space<vmem>> -> memref<128x64xf32, #tpu.memory_space<vmem>>
    %dma_wait3A_139 = arith.constant 0 : i32
    %dma_wait3A_140 = tpu.memref_slice %arg8[%dma_wait3A_135, %dma_wait3A_139] : memref<4x128xi32, #tpu.memory_space<vmem>> -> memref<1x128xi32, #tpu.memory_space<vmem>>
    %dma_wait3A_141 = tpu.memref_squeeze %dma_wait3A_140 : memref<1x128xi32, #tpu.memory_space<vmem>> -> memref<128xi32, #tpu.memory_space<vmem>>
    %dma_wait3A_142 = arith.constant 0 : i32
    %dma_wait3A_143 = arith.constant 0 : i32
    %dma_wait3A_144 = tpu.memref_slice %arg5[%dma_wait3A_142, %dma_wait3A_143] : memref<100000x64xf32, #tpu.memory_space<hbm>> -> memref<100000x64xf32, #tpu.memory_space<hbm>>
    tpu.wait_indirect_dma semaphore(%arg12 : memref<!tpu.dma_semaphore, #tpu.memory_space<semaphore_mem>>) src(%dma_wait3A_144 : memref<100000x64xf32, #tpu.memory_space<hbm>>) dst(%dma_wait3A_138 : memref<128x64xf32, #tpu.memory_space<vmem>>)
    %dma_wait3A_145 = arith.constant 3 : i32
    %dma_wait3A_146 = arith.constant 384 : i32
    %dma_wait3A_147 = arith.constant 0 : i32
    %dma_wait3A_148 = tpu.memref_slice %arg9[%dma_wait3A_146, %dma_wait3A_147] : memref<512x64xf32, #tpu.memory_space<vmem>> -> memref<128x64xf32, #tpu.memory_space<vmem>>
    %dma_wait3A_149 = arith.constant 0 : i32
    %dma_wait3A_150 = tpu.memref_slice %arg7[%dma_wait3A_145, %dma_wait3A_149] : memref<4x128xi32, #tpu.memory_space<vmem>> -> memref<1x128xi32, #tpu.memory_space<vmem>>
    %dma_wait3A_151 = tpu.memref_squeeze %dma_wait3A_150 : memref<1x128xi32, #tpu.memory_space<vmem>> -> memref<128xi32, #tpu.memory_space<vmem>>
    %dma_wait3A_152 = arith.constant 0 : i32
    %dma_wait3A_153 = arith.constant 0 : i32
    %dma_wait3A_154 = tpu.memref_slice %arg4[%dma_wait3A_152, %dma_wait3A_153] : memref<100000x64xf32, #tpu.memory_space<hbm>> -> memref<100000x64xf32, #tpu.memory_space<hbm>>
    tpu.wait_indirect_dma semaphore(%arg11 : memref<!tpu.dma_semaphore, #tpu.memory_space<semaphore_mem>>) src(%dma_wait3A_154 : memref<100000x64xf32, #tpu.memory_space<hbm>>) dst(%dma_wait3A_148 : memref<128x64xf32, #tpu.memory_space<vmem>>)
    %dma_wait3A_155 = arith.constant 3 : i32
    %dma_wait3A_156 = arith.constant 384 : i32
    %dma_wait3A_157 = arith.constant 0 : i32
    %dma_wait3A_158 = tpu.memref_slice %arg10[%dma_wait3A_156, %dma_wait3A_157] : memref<512x64xf32, #tpu.memory_space<vmem>> -> memref<128x64xf32, #tpu.memory_space<vmem>>
    %dma_wait3A_159 = arith.constant 0 : i32
    %dma_wait3A_160 = tpu.memref_slice %arg8[%dma_wait3A_155, %dma_wait3A_159] : memref<4x128xi32, #tpu.memory_space<vmem>> -> memref<1x128xi32, #tpu.memory_space<vmem>>
    %dma_wait3A_161 = tpu.memref_squeeze %dma_wait3A_160 : memref<1x128xi32, #tpu.memory_space<vmem>> -> memref<128xi32, #tpu.memory_space<vmem>>
    %dma_wait3A_162 = arith.constant 0 : i32
    %dma_wait3A_163 = arith.constant 0 : i32
    %dma_wait3A_164 = tpu.memref_slice %arg5[%dma_wait3A_162, %dma_wait3A_163] : memref<100000x64xf32, #tpu.memory_space<hbm>> -> memref<100000x64xf32, #tpu.memory_space<hbm>>
    tpu.wait_indirect_dma semaphore(%arg12 : memref<!tpu.dma_semaphore, #tpu.memory_space<semaphore_mem>>) src(%dma_wait3A_164 : memref<100000x64xf32, #tpu.memory_space<hbm>>) dst(%dma_wait3A_158 : memref<128x64xf32, #tpu.memory_space<vmem>>)
    "tpu.region"() ({
      %run_scoped3A = tpu.sem_alloc : memref<!tpu.dma_semaphore, #tpu.memory_space<semaphore_mem>>
      %dma_start3A_165 = arith.constant 0 : i32
      %dma_start3A_166 = tpu.memref_slice %arg6[%mul3A_2, %dma_start3A_165] : memref<16384x128xf32, #tpu.memory_space<hbm>> -> memref<512x64xf32, #tpu.memory_space<hbm>>
      %dma_start3A_167 = arith.constant 0 : i32
      %dma_start3A_168 = tpu.memref_slice %arg6[%mul3A_2, %dma_start3A_167] : memref<16384x128xf32, #tpu.memory_space<hbm>> -> memref<512x64xf32, #tpu.memory_space<hbm>>
      tpu.enqueue_dma source(%arg9 : memref<512x64xf32, #tpu.memory_space<vmem>>) target(%dma_start3A_168 : memref<512x64xf32, #tpu.memory_space<hbm>>) target_semaphore(%run_scoped3A : memref<!tpu.dma_semaphore, #tpu.memory_space<semaphore_mem>>)
      %dma_wait3A_169 = arith.constant 0 : i32
      %dma_wait3A_170 = tpu.memref_slice %arg6[%mul3A_2, %dma_wait3A_169] : memref<16384x128xf32, #tpu.memory_space<hbm>> -> memref<512x64xf32, #tpu.memory_space<hbm>>
      %dma_wait3A_171 = arith.constant 0 : i32
      %dma_wait3A_172 = tpu.memref_slice %arg6[%mul3A_2, %dma_wait3A_171] : memref<16384x128xf32, #tpu.memory_space<hbm>> -> memref<512x64xf32, #tpu.memory_space<hbm>>
      tpu.wait_dma2 semaphore(%run_scoped3A : memref<!tpu.dma_semaphore, #tpu.memory_space<semaphore_mem>>) src(%arg9 : memref<512x64xf32, #tpu.memory_space<vmem>>) dst(%dma_wait3A_172 : memref<512x64xf32, #tpu.memory_space<hbm>>)
      tpu.yield
    }) : () -> ()
    "tpu.region"() ({
      %run_scoped3A = tpu.sem_alloc : memref<!tpu.dma_semaphore, #tpu.memory_space<semaphore_mem>>
      %dma_start3A_165 = arith.constant 64 : i32
      %dma_start3A_166 = tpu.memref_slice %arg6[%mul3A_2, %dma_start3A_165] : memref<16384x128xf32, #tpu.memory_space<hbm>> -> memref<512x64xf32, #tpu.memory_space<hbm>>
      %dma_start3A_167 = arith.constant 64 : i32
      %dma_start3A_168 = tpu.memref_slice %arg6[%mul3A_2, %dma_start3A_167] : memref<16384x128xf32, #tpu.memory_space<hbm>> -> memref<512x64xf32, #tpu.memory_space<hbm>>
      tpu.enqueue_dma source(%arg10 : memref<512x64xf32, #tpu.memory_space<vmem>>) target(%dma_start3A_168 : memref<512x64xf32, #tpu.memory_space<hbm>>) target_semaphore(%run_scoped3A : memref<!tpu.dma_semaphore, #tpu.memory_space<semaphore_mem>>)
      %dma_wait3A_169 = arith.constant 64 : i32
      %dma_wait3A_170 = tpu.memref_slice %arg6[%mul3A_2, %dma_wait3A_169] : memref<16384x128xf32, #tpu.memory_space<hbm>> -> memref<512x64xf32, #tpu.memory_space<hbm>>
      %dma_wait3A_171 = arith.constant 64 : i32
      %dma_wait3A_172 = tpu.memref_slice %arg6[%mul3A_2, %dma_wait3A_171] : memref<16384x128xf32, #tpu.memory_space<hbm>> -> memref<512x64xf32, #tpu.memory_space<hbm>>
      tpu.wait_dma2 semaphore(%run_scoped3A : memref<!tpu.dma_semaphore, #tpu.memory_space<semaphore_mem>>) src(%arg10 : memref<512x64xf32, #tpu.memory_space<vmem>>) dst(%dma_wait3A_172 : memref<512x64xf32, #tpu.memory_space<hbm>>)
      tpu.yield
    }) : () -> ()
    return
  }
}

#map = affine_map<(d0, d1) -> (0, 0)>
module attributes {stable_mosaic.version = 14 : i64} {
  func.func @sc_bias(%arg0: i32, %arg1: i32, %arg2: memref<128x128xi32, #tpu.memory_space<hbm>>, %arg3: memref<128x128xi32, #tpu.memory_space<hbm>>, %arg4: memref<12500x8xf32, #tpu.memory_space<hbm>>, %arg5: memref<12500x8xf32, #tpu.memory_space<hbm>>, %arg6: memref<16384x8xf32, #tpu.memory_space<hbm>>, %arg7: memref<4x128xi32, #tpu.memory_space<vmem>>, %arg8: memref<4x128xi32, #tpu.memory_space<vmem>>, %arg9: memref<4x128xi32, #tpu.memory_space<vmem>>, %arg10: memref<4x128xi32, #tpu.memory_space<vmem>>, %arg11: memref<512x8xf32, #tpu.memory_space<vmem>>, %arg12: memref<512x8xf32, #tpu.memory_space<vmem>>, %arg13: memref<512x8xf32, #tpu.memory_space<vmem>>, %arg14: memref<!tpu.dma_semaphore, #tpu.memory_space<semaphore_mem>>, %arg15: memref<!tpu.dma_semaphore, #tpu.memory_space<semaphore_mem>>) attributes {dimension_semantics = [#tpu.dimension_semantics<core_parallel>, #tpu.dimension_semantics<subcore_parallel>], iteration_bounds = array<i64: 2, 16>, scalar_prefetch = 0 : i64, scratch_operands = 9 : i64, tpu.core_type = #tpu.core_type<sc_vector_subcore>, window_params = [{transform_indices = #map}, {transform_indices = #map}, {transform_indices = #map}, {transform_indices = #map}, {transform_indices = #map}]} {
    %mul3A = arith.constant 2 : i32
    %mul3A_0 = arith.muli %arg1, %mul3A : i32
    %add3A = arith.addi %mul3A_0, %arg0 : i32
    %mul3A_1 = arith.constant 512 : i32
    %mul3A_2 = arith.muli %add3A, %mul3A_1 : i32
    %mul3A_3 = arith.constant 4 : i32
    %mul3A_4 = arith.muli %add3A, %mul3A_3 : i32
    "tpu.region"() ({
      %run_scoped3A = tpu.sem_alloc : memref<!tpu.dma_semaphore, #tpu.memory_space<semaphore_mem>>
      %dma_start3A_1630 = arith.constant 0 : i32
      %dma_start3A_1631 = tpu.memref_slice %arg2[%mul3A_4, %dma_start3A_1630] : memref<128x128xi32, #tpu.memory_space<hbm>> -> memref<4x128xi32, #tpu.memory_space<hbm>>
      %dma_start3A_1632 = arith.constant 0 : i32
      %dma_start3A_1633 = tpu.memref_slice %arg2[%mul3A_4, %dma_start3A_1632] : memref<128x128xi32, #tpu.memory_space<hbm>> -> memref<4x128xi32, #tpu.memory_space<hbm>>
      tpu.enqueue_dma source(%dma_start3A_1633 : memref<4x128xi32, #tpu.memory_space<hbm>>) target(%arg7 : memref<4x128xi32, #tpu.memory_space<vmem>>) target_semaphore(%run_scoped3A : memref<!tpu.dma_semaphore, #tpu.memory_space<semaphore_mem>>)
      %dma_wait3A_1634 = arith.constant 0 : i32
      %dma_wait3A_1635 = tpu.memref_slice %arg2[%mul3A_4, %dma_wait3A_1634] : memref<128x128xi32, #tpu.memory_space<hbm>> -> memref<4x128xi32, #tpu.memory_space<hbm>>
      %dma_wait3A_1636 = arith.constant 0 : i32
      %dma_wait3A_1637 = tpu.memref_slice %arg2[%mul3A_4, %dma_wait3A_1636] : memref<128x128xi32, #tpu.memory_space<hbm>> -> memref<4x128xi32, #tpu.memory_space<hbm>>
      tpu.wait_dma2 semaphore(%run_scoped3A : memref<!tpu.dma_semaphore, #tpu.memory_space<semaphore_mem>>) src(%dma_wait3A_1637 : memref<4x128xi32, #tpu.memory_space<hbm>>) dst(%arg7 : memref<4x128xi32, #tpu.memory_space<vmem>>)
      tpu.yield
    }) : () -> ()
    %mul3A_5 = arith.constant 4 : i32
    %mul3A_6 = arith.muli %add3A, %mul3A_5 : i32
    "tpu.region"() ({
      %run_scoped3A = tpu.sem_alloc : memref<!tpu.dma_semaphore, #tpu.memory_space<semaphore_mem>>
      %dma_start3A_1630 = arith.constant 0 : i32
      %dma_start3A_1631 = tpu.memref_slice %arg3[%mul3A_6, %dma_start3A_1630] : memref<128x128xi32, #tpu.memory_space<hbm>> -> memref<4x128xi32, #tpu.memory_space<hbm>>
      %dma_start3A_1632 = arith.constant 0 : i32
      %dma_start3A_1633 = tpu.memref_slice %arg3[%mul3A_6, %dma_start3A_1632] : memref<128x128xi32, #tpu.memory_space<hbm>> -> memref<4x128xi32, #tpu.memory_space<hbm>>
      tpu.enqueue_dma source(%dma_start3A_1633 : memref<4x128xi32, #tpu.memory_space<hbm>>) target(%arg8 : memref<4x128xi32, #tpu.memory_space<vmem>>) target_semaphore(%run_scoped3A : memref<!tpu.dma_semaphore, #tpu.memory_space<semaphore_mem>>)
      %dma_wait3A_1634 = arith.constant 0 : i32
      %dma_wait3A_1635 = tpu.memref_slice %arg3[%mul3A_6, %dma_wait3A_1634] : memref<128x128xi32, #tpu.memory_space<hbm>> -> memref<4x128xi32, #tpu.memory_space<hbm>>
      %dma_wait3A_1636 = arith.constant 0 : i32
      %dma_wait3A_1637 = tpu.memref_slice %arg3[%mul3A_6, %dma_wait3A_1636] : memref<128x128xi32, #tpu.memory_space<hbm>> -> memref<4x128xi32, #tpu.memory_space<hbm>>
      tpu.wait_dma2 semaphore(%run_scoped3A : memref<!tpu.dma_semaphore, #tpu.memory_space<semaphore_mem>>) src(%dma_wait3A_1637 : memref<4x128xi32, #tpu.memory_space<hbm>>) dst(%arg8 : memref<4x128xi32, #tpu.memory_space<vmem>>)
      tpu.yield
    }) : () -> ()
    %get3A = arith.constant 0 : i32
    %get3A_7 = arith.index_cast %get3A : i32 to index
    %get3A_8 = arith.constant 0 : index
    %get3A_9 = tpu.vector_load %arg7[%get3A_7, %get3A_8] {strides = array<i32>} : memref<4x128xi32, #tpu.memory_space<vmem>>, vector<16xi32>,
    %shift_right_arithmetic3A = arith.constant 3 : i32
    %shift_right_arithmetic3A_10 = vector.broadcast %shift_right_arithmetic3A : i32 to vector<16xi32>
    %shift_right_arithmetic3A_11 = arith.shrsi %get3A_9, %shift_right_arithmetic3A_10 : vector<16xi32>
    %swap3A = arith.constant 0 : i32
    %swap3A_12 = arith.index_cast %swap3A : i32 to index
    %swap3A_13 = arith.constant 0 : index
    %swap3A_14 = tpu.vector_load %arg9[%swap3A_12, %swap3A_13] {strides = array<i32>} : memref<4x128xi32, #tpu.memory_space<vmem>>, vector<16xi32>,
    tpu.vector_store %arg9[%swap3A_12, %swap3A_13], %shift_right_arithmetic3A_11 {strides = array<i32>} : memref<4x128xi32, #tpu.memory_space<vmem>>, vector<16xi32>,
    %get3A_15 = arith.constant 0 : i32
    %get3A_16 = arith.index_cast %get3A_15 : i32 to index
    %get3A_17 = arith.constant 0 : index
    %get3A_18 = tpu.vector_load %arg8[%get3A_16, %get3A_17] {strides = array<i32>} : memref<4x128xi32, #tpu.memory_space<vmem>>, vector<16xi32>,
    %shift_right_arithmetic3A_19 = arith.constant 3 : i32
    %shift_right_arithmetic3A_20 = vector.broadcast %shift_right_arithmetic3A_19 : i32 to vector<16xi32>
    %shift_right_arithmetic3A_21 = arith.shrsi %get3A_18, %shift_right_arithmetic3A_20 : vector<16xi32>
    %swap3A_22 = arith.constant 0 : i32
    %swap3A_23 = arith.index_cast %swap3A_22 : i32 to index
    %swap3A_24 = arith.constant 0 : index
    %swap3A_25 = tpu.vector_load %arg10[%swap3A_23, %swap3A_24] {strides = array<i32>} : memref<4x128xi32, #tpu.memory_space<vmem>>, vector<16xi32>,
    tpu.vector_store %arg10[%swap3A_23, %swap3A_24], %shift_right_arithmetic3A_21 {strides = array<i32>} : memref<4x128xi32, #tpu.memory_space<vmem>>, vector<16xi32>,
    %get3A_26 = arith.constant 0 : i32
    %get3A_27 = arith.index_cast %get3A_26 : i32 to index
    %get3A_28 = arith.constant 16 : index
    %get3A_29 = tpu.vector_load %arg7[%get3A_27, %get3A_28] {strides = array<i32>} : memref<4x128xi32, #tpu.memory_space<vmem>>, vector<16xi32>,
    %shift_right_arithmetic3A_30 = arith.constant 3 : i32
    %shift_right_arithmetic3A_31 = vector.broadcast %shift_right_arithmetic3A_30 : i32 to vector<16xi32>
    %shift_right_arithmetic3A_32 = arith.shrsi %get3A_29, %shift_right_arithmetic3A_31 : vector<16xi32>
    %swap3A_33 = arith.constant 0 : i32
    %swap3A_34 = arith.index_cast %swap3A_33 : i32 to index
    %swap3A_35 = arith.constant 16 : index
    %swap3A_36 = tpu.vector_load %arg9[%swap3A_34, %swap3A_35] {strides = array<i32>} : memref<4x128xi32, #tpu.memory_space<vmem>>, vector<16xi32>,
    tpu.vector_store %arg9[%swap3A_34, %swap3A_35], %shift_right_arithmetic3A_32 {strides = array<i32>} : memref<4x128xi32, #tpu.memory_space<vmem>>, vector<16xi32>,
    %get3A_37 = arith.constant 0 : i32
    %get3A_38 = arith.index_cast %get3A_37 : i32 to index
    %get3A_39 = arith.constant 16 : index
    %get3A_40 = tpu.vector_load %arg8[%get3A_38, %get3A_39] {strides = array<i32>} : memref<4x128xi32, #tpu.memory_space<vmem>>, vector<16xi32>,
    %shift_right_arithmetic3A_41 = arith.constant 3 : i32
    %shift_right_arithmetic3A_42 = vector.broadcast %shift_right_arithmetic3A_41 : i32 to vector<16xi32>
    %shift_right_arithmetic3A_43 = arith.shrsi %get3A_40, %shift_right_arithmetic3A_42 : vector<16xi32>
    %swap3A_44 = arith.constant 0 : i32
    %swap3A_45 = arith.index_cast %swap3A_44 : i32 to index
    %swap3A_46 = arith.constant 16 : index
    %swap3A_47 = tpu.vector_load %arg10[%swap3A_45, %swap3A_46] {strides = array<i32>} : memref<4x128xi32, #tpu.memory_space<vmem>>, vector<16xi32>,
    tpu.vector_store %arg10[%swap3A_45, %swap3A_46], %shift_right_arithmetic3A_43 {strides = array<i32>} : memref<4x128xi32, #tpu.memory_space<vmem>>, vector<16xi32>,
    %get3A_48 = arith.constant 0 : i32
    %get3A_49 = arith.index_cast %get3A_48 : i32 to index
    %get3A_50 = arith.constant 32 : index
    %get3A_51 = tpu.vector_load %arg7[%get3A_49, %get3A_50] {strides = array<i32>} : memref<4x128xi32, #tpu.memory_space<vmem>>, vector<16xi32>,
    %shift_right_arithmetic3A_52 = arith.constant 3 : i32
    %shift_right_arithmetic3A_53 = vector.broadcast %shift_right_arithmetic3A_52 : i32 to vector<16xi32>
    %shift_right_arithmetic3A_54 = arith.shrsi %get3A_51, %shift_right_arithmetic3A_53 : vector<16xi32>
    %swap3A_55 = arith.constant 0 : i32
    %swap3A_56 = arith.index_cast %swap3A_55 : i32 to index
    %swap3A_57 = arith.constant 32 : index
    %swap3A_58 = tpu.vector_load %arg9[%swap3A_56, %swap3A_57] {strides = array<i32>} : memref<4x128xi32, #tpu.memory_space<vmem>>, vector<16xi32>,
    tpu.vector_store %arg9[%swap3A_56, %swap3A_57], %shift_right_arithmetic3A_54 {strides = array<i32>} : memref<4x128xi32, #tpu.memory_space<vmem>>, vector<16xi32>,
    %get3A_59 = arith.constant 0 : i32
    %get3A_60 = arith.index_cast %get3A_59 : i32 to index
    %get3A_61 = arith.constant 32 : index
    %get3A_62 = tpu.vector_load %arg8[%get3A_60, %get3A_61] {strides = array<i32>} : memref<4x128xi32, #tpu.memory_space<vmem>>, vector<16xi32>,
    %shift_right_arithmetic3A_63 = arith.constant 3 : i32
    %shift_right_arithmetic3A_64 = vector.broadcast %shift_right_arithmetic3A_63 : i32 to vector<16xi32>
    %shift_right_arithmetic3A_65 = arith.shrsi %get3A_62, %shift_right_arithmetic3A_64 : vector<16xi32>
    %swap3A_66 = arith.constant 0 : i32
    %swap3A_67 = arith.index_cast %swap3A_66 : i32 to index
    %swap3A_68 = arith.constant 32 : index
    %swap3A_69 = tpu.vector_load %arg10[%swap3A_67, %swap3A_68] {strides = array<i32>} : memref<4x128xi32, #tpu.memory_space<vmem>>, vector<16xi32>,
    tpu.vector_store %arg10[%swap3A_67, %swap3A_68], %shift_right_arithmetic3A_65 {strides = array<i32>} : memref<4x128xi32, #tpu.memory_space<vmem>>, vector<16xi32>,
    %get3A_70 = arith.constant 0 : i32
    %get3A_71 = arith.index_cast %get3A_70 : i32 to index
    %get3A_72 = arith.constant 48 : index
    %get3A_73 = tpu.vector_load %arg7[%get3A_71, %get3A_72] {strides = array<i32>} : memref<4x128xi32, #tpu.memory_space<vmem>>, vector<16xi32>,
    %shift_right_arithmetic3A_74 = arith.constant 3 : i32
    %shift_right_arithmetic3A_75 = vector.broadcast %shift_right_arithmetic3A_74 : i32 to vector<16xi32>
    %shift_right_arithmetic3A_76 = arith.shrsi %get3A_73, %shift_right_arithmetic3A_75 : vector<16xi32>
    %swap3A_77 = arith.constant 0 : i32
    %swap3A_78 = arith.index_cast %swap3A_77 : i32 to index
    %swap3A_79 = arith.constant 48 : index
    %swap3A_80 = tpu.vector_load %arg9[%swap3A_78, %swap3A_79] {strides = array<i32>} : memref<4x128xi32, #tpu.memory_space<vmem>>, vector<16xi32>,
    tpu.vector_store %arg9[%swap3A_78, %swap3A_79], %shift_right_arithmetic3A_76 {strides = array<i32>} : memref<4x128xi32, #tpu.memory_space<vmem>>, vector<16xi32>,
    %get3A_81 = arith.constant 0 : i32
    %get3A_82 = arith.index_cast %get3A_81 : i32 to index
    %get3A_83 = arith.constant 48 : index
    %get3A_84 = tpu.vector_load %arg8[%get3A_82, %get3A_83] {strides = array<i32>} : memref<4x128xi32, #tpu.memory_space<vmem>>, vector<16xi32>,
    %shift_right_arithmetic3A_85 = arith.constant 3 : i32
    %shift_right_arithmetic3A_86 = vector.broadcast %shift_right_arithmetic3A_85 : i32 to vector<16xi32>
    %shift_right_arithmetic3A_87 = arith.shrsi %get3A_84, %shift_right_arithmetic3A_86 : vector<16xi32>
    %swap3A_88 = arith.constant 0 : i32
    %swap3A_89 = arith.index_cast %swap3A_88 : i32 to index
    %swap3A_90 = arith.constant 48 : index
    %swap3A_91 = tpu.vector_load %arg10[%swap3A_89, %swap3A_90] {strides = array<i32>} : memref<4x128xi32, #tpu.memory_space<vmem>>, vector<16xi32>,
    tpu.vector_store %arg10[%swap3A_89, %swap3A_90], %shift_right_arithmetic3A_87 {strides = array<i32>} : memref<4x128xi32, #tpu.memory_space<vmem>>, vector<16xi32>,
    %get3A_92 = arith.constant 0 : i32
    %get3A_93 = arith.index_cast %get3A_92 : i32 to index
    %get3A_94 = arith.constant 64 : index
    %get3A_95 = tpu.vector_load %arg7[%get3A_93, %get3A_94] {strides = array<i32>} : memref<4x128xi32, #tpu.memory_space<vmem>>, vector<16xi32>,
    %shift_right_arithmetic3A_96 = arith.constant 3 : i32
    %shift_right_arithmetic3A_97 = vector.broadcast %shift_right_arithmetic3A_96 : i32 to vector<16xi32>
    %shift_right_arithmetic3A_98 = arith.shrsi %get3A_95, %shift_right_arithmetic3A_97 : vector<16xi32>
    %swap3A_99 = arith.constant 0 : i32
    %swap3A_100 = arith.index_cast %swap3A_99 : i32 to index
    %swap3A_101 = arith.constant 64 : index
    %swap3A_102 = tpu.vector_load %arg9[%swap3A_100, %swap3A_101] {strides = array<i32>} : memref<4x128xi32, #tpu.memory_space<vmem>>, vector<16xi32>,
    tpu.vector_store %arg9[%swap3A_100, %swap3A_101], %shift_right_arithmetic3A_98 {strides = array<i32>} : memref<4x128xi32, #tpu.memory_space<vmem>>, vector<16xi32>,
    %get3A_103 = arith.constant 0 : i32
    %get3A_104 = arith.index_cast %get3A_103 : i32 to index
    %get3A_105 = arith.constant 64 : index
    %get3A_106 = tpu.vector_load %arg8[%get3A_104, %get3A_105] {strides = array<i32>} : memref<4x128xi32, #tpu.memory_space<vmem>>, vector<16xi32>,
    %shift_right_arithmetic3A_107 = arith.constant 3 : i32
    %shift_right_arithmetic3A_108 = vector.broadcast %shift_right_arithmetic3A_107 : i32 to vector<16xi32>
    %shift_right_arithmetic3A_109 = arith.shrsi %get3A_106, %shift_right_arithmetic3A_108 : vector<16xi32>
    %swap3A_110 = arith.constant 0 : i32
    %swap3A_111 = arith.index_cast %swap3A_110 : i32 to index
    %swap3A_112 = arith.constant 64 : index
    %swap3A_113 = tpu.vector_load %arg10[%swap3A_111, %swap3A_112] {strides = array<i32>} : memref<4x128xi32, #tpu.memory_space<vmem>>, vector<16xi32>,
    tpu.vector_store %arg10[%swap3A_111, %swap3A_112], %shift_right_arithmetic3A_109 {strides = array<i32>} : memref<4x128xi32, #tpu.memory_space<vmem>>, vector<16xi32>,
    %get3A_114 = arith.constant 0 : i32
    %get3A_115 = arith.index_cast %get3A_114 : i32 to index
    %get3A_116 = arith.constant 80 : index
    %get3A_117 = tpu.vector_load %arg7[%get3A_115, %get3A_116] {strides = array<i32>} : memref<4x128xi32, #tpu.memory_space<vmem>>, vector<16xi32>,
    %shift_right_arithmetic3A_118 = arith.constant 3 : i32
    %shift_right_arithmetic3A_119 = vector.broadcast %shift_right_arithmetic3A_118 : i32 to vector<16xi32>
    %shift_right_arithmetic3A_120 = arith.shrsi %get3A_117, %shift_right_arithmetic3A_119 : vector<16xi32>
    %swap3A_121 = arith.constant 0 : i32
    %swap3A_122 = arith.index_cast %swap3A_121 : i32 to index
    %swap3A_123 = arith.constant 80 : index
    %swap3A_124 = tpu.vector_load %arg9[%swap3A_122, %swap3A_123] {strides = array<i32>} : memref<4x128xi32, #tpu.memory_space<vmem>>, vector<16xi32>,
    tpu.vector_store %arg9[%swap3A_122, %swap3A_123], %shift_right_arithmetic3A_120 {strides = array<i32>} : memref<4x128xi32, #tpu.memory_space<vmem>>, vector<16xi32>,
    %get3A_125 = arith.constant 0 : i32
    %get3A_126 = arith.index_cast %get3A_125 : i32 to index
    %get3A_127 = arith.constant 80 : index
    %get3A_128 = tpu.vector_load %arg8[%get3A_126, %get3A_127] {strides = array<i32>} : memref<4x128xi32, #tpu.memory_space<vmem>>, vector<16xi32>,
    %shift_right_arithmetic3A_129 = arith.constant 3 : i32
    %shift_right_arithmetic3A_130 = vector.broadcast %shift_right_arithmetic3A_129 : i32 to vector<16xi32>
    %shift_right_arithmetic3A_131 = arith.shrsi %get3A_128, %shift_right_arithmetic3A_130 : vector<16xi32>
    %swap3A_132 = arith.constant 0 : i32
    %swap3A_133 = arith.index_cast %swap3A_132 : i32 to index
    %swap3A_134 = arith.constant 80 : index
    %swap3A_135 = tpu.vector_load %arg10[%swap3A_133, %swap3A_134] {strides = array<i32>} : memref<4x128xi32, #tpu.memory_space<vmem>>, vector<16xi32>,
    tpu.vector_store %arg10[%swap3A_133, %swap3A_134], %shift_right_arithmetic3A_131 {strides = array<i32>} : memref<4x128xi32, #tpu.memory_space<vmem>>, vector<16xi32>,
    %get3A_136 = arith.constant 0 : i32
    %get3A_137 = arith.index_cast %get3A_136 : i32 to index
    %get3A_138 = arith.constant 96 : index
    %get3A_139 = tpu.vector_load %arg7[%get3A_137, %get3A_138] {strides = array<i32>} : memref<4x128xi32, #tpu.memory_space<vmem>>, vector<16xi32>,
    %shift_right_arithmetic3A_140 = arith.constant 3 : i32
    %shift_right_arithmetic3A_141 = vector.broadcast %shift_right_arithmetic3A_140 : i32 to vector<16xi32>
    %shift_right_arithmetic3A_142 = arith.shrsi %get3A_139, %shift_right_arithmetic3A_141 : vector<16xi32>
    %swap3A_143 = arith.constant 0 : i32
    %swap3A_144 = arith.index_cast %swap3A_143 : i32 to index
    %swap3A_145 = arith.constant 96 : index
    %swap3A_146 = tpu.vector_load %arg9[%swap3A_144, %swap3A_145] {strides = array<i32>} : memref<4x128xi32, #tpu.memory_space<vmem>>, vector<16xi32>,
    tpu.vector_store %arg9[%swap3A_144, %swap3A_145], %shift_right_arithmetic3A_142 {strides = array<i32>} : memref<4x128xi32, #tpu.memory_space<vmem>>, vector<16xi32>,
    %get3A_147 = arith.constant 0 : i32
    %get3A_148 = arith.index_cast %get3A_147 : i32 to index
    %get3A_149 = arith.constant 96 : index
    %get3A_150 = tpu.vector_load %arg8[%get3A_148, %get3A_149] {strides = array<i32>} : memref<4x128xi32, #tpu.memory_space<vmem>>, vector<16xi32>,
    %shift_right_arithmetic3A_151 = arith.constant 3 : i32
    %shift_right_arithmetic3A_152 = vector.broadcast %shift_right_arithmetic3A_151 : i32 to vector<16xi32>
    %shift_right_arithmetic3A_153 = arith.shrsi %get3A_150, %shift_right_arithmetic3A_152 : vector<16xi32>
    %swap3A_154 = arith.constant 0 : i32
    %swap3A_155 = arith.index_cast %swap3A_154 : i32 to index
    %swap3A_156 = arith.constant 96 : index
    %swap3A_157 = tpu.vector_load %arg10[%swap3A_155, %swap3A_156] {strides = array<i32>} : memref<4x128xi32, #tpu.memory_space<vmem>>, vector<16xi32>,
    tpu.vector_store %arg10[%swap3A_155, %swap3A_156], %shift_right_arithmetic3A_153 {strides = array<i32>} : memref<4x128xi32, #tpu.memory_space<vmem>>, vector<16xi32>,
    %get3A_158 = arith.constant 0 : i32
    %get3A_159 = arith.index_cast %get3A_158 : i32 to index
    %get3A_160 = arith.constant 112 : index
    %get3A_161 = tpu.vector_load %arg7[%get3A_159, %get3A_160] {strides = array<i32>} : memref<4x128xi32, #tpu.memory_space<vmem>>, vector<16xi32>,
    %shift_right_arithmetic3A_162 = arith.constant 3 : i32
    %shift_right_arithmetic3A_163 = vector.broadcast %shift_right_arithmetic3A_162 : i32 to vector<16xi32>
    %shift_right_arithmetic3A_164 = arith.shrsi %get3A_161, %shift_right_arithmetic3A_163 : vector<16xi32>
    %swap3A_165 = arith.constant 0 : i32
    %swap3A_166 = arith.index_cast %swap3A_165 : i32 to index
    %swap3A_167 = arith.constant 112 : index
    %swap3A_168 = tpu.vector_load %arg9[%swap3A_166, %swap3A_167] {strides = array<i32>} : memref<4x128xi32, #tpu.memory_space<vmem>>, vector<16xi32>,
    tpu.vector_store %arg9[%swap3A_166, %swap3A_167], %shift_right_arithmetic3A_164 {strides = array<i32>} : memref<4x128xi32, #tpu.memory_space<vmem>>, vector<16xi32>,
    %get3A_169 = arith.constant 0 : i32
    %get3A_170 = arith.index_cast %get3A_169 : i32 to index
    %get3A_171 = arith.constant 112 : index
    %get3A_172 = tpu.vector_load %arg8[%get3A_170, %get3A_171] {strides = array<i32>} : memref<4x128xi32, #tpu.memory_space<vmem>>, vector<16xi32>,
    %shift_right_arithmetic3A_173 = arith.constant 3 : i32
    %shift_right_arithmetic3A_174 = vector.broadcast %shift_right_arithmetic3A_173 : i32 to vector<16xi32>
    %shift_right_arithmetic3A_175 = arith.shrsi %get3A_172, %shift_right_arithmetic3A_174 : vector<16xi32>
    %swap3A_176 = arith.constant 0 : i32
    %swap3A_177 = arith.index_cast %swap3A_176 : i32 to index
    %swap3A_178 = arith.constant 112 : index
    %swap3A_179 = tpu.vector_load %arg10[%swap3A_177, %swap3A_178] {strides = array<i32>} : memref<4x128xi32, #tpu.memory_space<vmem>>, vector<16xi32>,
    tpu.vector_store %arg10[%swap3A_177, %swap3A_178], %shift_right_arithmetic3A_175 {strides = array<i32>} : memref<4x128xi32, #tpu.memory_space<vmem>>, vector<16xi32>,
    %get3A_180 = arith.constant 1 : i32
    %get3A_181 = arith.index_cast %get3A_180 : i32 to index
    %get3A_182 = arith.constant 0 : index
    %get3A_183 = tpu.vector_load %arg7[%get3A_181, %get3A_182] {strides = array<i32>} : memref<4x128xi32, #tpu.memory_space<vmem>>, vector<16xi32>,
    %shift_right_arithmetic3A_184 = arith.constant 3 : i32
    %shift_right_arithmetic3A_185 = vector.broadcast %shift_right_arithmetic3A_184 : i32 to vector<16xi32>
    %shift_right_arithmetic3A_186 = arith.shrsi %get3A_183, %shift_right_arithmetic3A_185 : vector<16xi32>
    %swap3A_187 = arith.constant 1 : i32
    %swap3A_188 = arith.index_cast %swap3A_187 : i32 to index
    %swap3A_189 = arith.constant 0 : index
    %swap3A_190 = tpu.vector_load %arg9[%swap3A_188, %swap3A_189] {strides = array<i32>} : memref<4x128xi32, #tpu.memory_space<vmem>>, vector<16xi32>,
    tpu.vector_store %arg9[%swap3A_188, %swap3A_189], %shift_right_arithmetic3A_186 {strides = array<i32>} : memref<4x128xi32, #tpu.memory_space<vmem>>, vector<16xi32>,
    %get3A_191 = arith.constant 1 : i32
    %get3A_192 = arith.index_cast %get3A_191 : i32 to index
    %get3A_193 = arith.constant 0 : index
    %get3A_194 = tpu.vector_load %arg8[%get3A_192, %get3A_193] {strides = array<i32>} : memref<4x128xi32, #tpu.memory_space<vmem>>, vector<16xi32>,
    %shift_right_arithmetic3A_195 = arith.constant 3 : i32
    %shift_right_arithmetic3A_196 = vector.broadcast %shift_right_arithmetic3A_195 : i32 to vector<16xi32>
    %shift_right_arithmetic3A_197 = arith.shrsi %get3A_194, %shift_right_arithmetic3A_196 : vector<16xi32>
    %swap3A_198 = arith.constant 1 : i32
    %swap3A_199 = arith.index_cast %swap3A_198 : i32 to index
    %swap3A_200 = arith.constant 0 : index
    %swap3A_201 = tpu.vector_load %arg10[%swap3A_199, %swap3A_200] {strides = array<i32>} : memref<4x128xi32, #tpu.memory_space<vmem>>, vector<16xi32>,
    tpu.vector_store %arg10[%swap3A_199, %swap3A_200], %shift_right_arithmetic3A_197 {strides = array<i32>} : memref<4x128xi32, #tpu.memory_space<vmem>>, vector<16xi32>,
    %get3A_202 = arith.constant 1 : i32
    %get3A_203 = arith.index_cast %get3A_202 : i32 to index
    %get3A_204 = arith.constant 16 : index
    %get3A_205 = tpu.vector_load %arg7[%get3A_203, %get3A_204] {strides = array<i32>} : memref<4x128xi32, #tpu.memory_space<vmem>>, vector<16xi32>,
    %shift_right_arithmetic3A_206 = arith.constant 3 : i32
    %shift_right_arithmetic3A_207 = vector.broadcast %shift_right_arithmetic3A_206 : i32 to vector<16xi32>
    %shift_right_arithmetic3A_208 = arith.shrsi %get3A_205, %shift_right_arithmetic3A_207 : vector<16xi32>
    %swap3A_209 = arith.constant 1 : i32
    %swap3A_210 = arith.index_cast %swap3A_209 : i32 to index
    %swap3A_211 = arith.constant 16 : index
    %swap3A_212 = tpu.vector_load %arg9[%swap3A_210, %swap3A_211] {strides = array<i32>} : memref<4x128xi32, #tpu.memory_space<vmem>>, vector<16xi32>,
    tpu.vector_store %arg9[%swap3A_210, %swap3A_211], %shift_right_arithmetic3A_208 {strides = array<i32>} : memref<4x128xi32, #tpu.memory_space<vmem>>, vector<16xi32>,
    %get3A_213 = arith.constant 1 : i32
    %get3A_214 = arith.index_cast %get3A_213 : i32 to index
    %get3A_215 = arith.constant 16 : index
    %get3A_216 = tpu.vector_load %arg8[%get3A_214, %get3A_215] {strides = array<i32>} : memref<4x128xi32, #tpu.memory_space<vmem>>, vector<16xi32>,
    %shift_right_arithmetic3A_217 = arith.constant 3 : i32
    %shift_right_arithmetic3A_218 = vector.broadcast %shift_right_arithmetic3A_217 : i32 to vector<16xi32>
    %shift_right_arithmetic3A_219 = arith.shrsi %get3A_216, %shift_right_arithmetic3A_218 : vector<16xi32>
    %swap3A_220 = arith.constant 1 : i32
    %swap3A_221 = arith.index_cast %swap3A_220 : i32 to index
    %swap3A_222 = arith.constant 16 : index
    %swap3A_223 = tpu.vector_load %arg10[%swap3A_221, %swap3A_222] {strides = array<i32>} : memref<4x128xi32, #tpu.memory_space<vmem>>, vector<16xi32>,
    tpu.vector_store %arg10[%swap3A_221, %swap3A_222], %shift_right_arithmetic3A_219 {strides = array<i32>} : memref<4x128xi32, #tpu.memory_space<vmem>>, vector<16xi32>,
    %get3A_224 = arith.constant 1 : i32
    %get3A_225 = arith.index_cast %get3A_224 : i32 to index
    %get3A_226 = arith.constant 32 : index
    %get3A_227 = tpu.vector_load %arg7[%get3A_225, %get3A_226] {strides = array<i32>} : memref<4x128xi32, #tpu.memory_space<vmem>>, vector<16xi32>,
    %shift_right_arithmetic3A_228 = arith.constant 3 : i32
    %shift_right_arithmetic3A_229 = vector.broadcast %shift_right_arithmetic3A_228 : i32 to vector<16xi32>
    %shift_right_arithmetic3A_230 = arith.shrsi %get3A_227, %shift_right_arithmetic3A_229 : vector<16xi32>
    %swap3A_231 = arith.constant 1 : i32
    %swap3A_232 = arith.index_cast %swap3A_231 : i32 to index
    %swap3A_233 = arith.constant 32 : index
    %swap3A_234 = tpu.vector_load %arg9[%swap3A_232, %swap3A_233] {strides = array<i32>} : memref<4x128xi32, #tpu.memory_space<vmem>>, vector<16xi32>,
    tpu.vector_store %arg9[%swap3A_232, %swap3A_233], %shift_right_arithmetic3A_230 {strides = array<i32>} : memref<4x128xi32, #tpu.memory_space<vmem>>, vector<16xi32>,
    %get3A_235 = arith.constant 1 : i32
    %get3A_236 = arith.index_cast %get3A_235 : i32 to index
    %get3A_237 = arith.constant 32 : index
    %get3A_238 = tpu.vector_load %arg8[%get3A_236, %get3A_237] {strides = array<i32>} : memref<4x128xi32, #tpu.memory_space<vmem>>, vector<16xi32>,
    %shift_right_arithmetic3A_239 = arith.constant 3 : i32
    %shift_right_arithmetic3A_240 = vector.broadcast %shift_right_arithmetic3A_239 : i32 to vector<16xi32>
    %shift_right_arithmetic3A_241 = arith.shrsi %get3A_238, %shift_right_arithmetic3A_240 : vector<16xi32>
    %swap3A_242 = arith.constant 1 : i32
    %swap3A_243 = arith.index_cast %swap3A_242 : i32 to index
    %swap3A_244 = arith.constant 32 : index
    %swap3A_245 = tpu.vector_load %arg10[%swap3A_243, %swap3A_244] {strides = array<i32>} : memref<4x128xi32, #tpu.memory_space<vmem>>, vector<16xi32>,
    tpu.vector_store %arg10[%swap3A_243, %swap3A_244], %shift_right_arithmetic3A_241 {strides = array<i32>} : memref<4x128xi32, #tpu.memory_space<vmem>>, vector<16xi32>,
    %get3A_246 = arith.constant 1 : i32
    %get3A_247 = arith.index_cast %get3A_246 : i32 to index
    %get3A_248 = arith.constant 48 : index
    %get3A_249 = tpu.vector_load %arg7[%get3A_247, %get3A_248] {strides = array<i32>} : memref<4x128xi32, #tpu.memory_space<vmem>>, vector<16xi32>,
    %shift_right_arithmetic3A_250 = arith.constant 3 : i32
    %shift_right_arithmetic3A_251 = vector.broadcast %shift_right_arithmetic3A_250 : i32 to vector<16xi32>
    %shift_right_arithmetic3A_252 = arith.shrsi %get3A_249, %shift_right_arithmetic3A_251 : vector<16xi32>
    %swap3A_253 = arith.constant 1 : i32
    %swap3A_254 = arith.index_cast %swap3A_253 : i32 to index
    %swap3A_255 = arith.constant 48 : index
    %swap3A_256 = tpu.vector_load %arg9[%swap3A_254, %swap3A_255] {strides = array<i32>} : memref<4x128xi32, #tpu.memory_space<vmem>>, vector<16xi32>,
    tpu.vector_store %arg9[%swap3A_254, %swap3A_255], %shift_right_arithmetic3A_252 {strides = array<i32>} : memref<4x128xi32, #tpu.memory_space<vmem>>, vector<16xi32>,
    %get3A_257 = arith.constant 1 : i32
    %get3A_258 = arith.index_cast %get3A_257 : i32 to index
    %get3A_259 = arith.constant 48 : index
    %get3A_260 = tpu.vector_load %arg8[%get3A_258, %get3A_259] {strides = array<i32>} : memref<4x128xi32, #tpu.memory_space<vmem>>, vector<16xi32>,
    %shift_right_arithmetic3A_261 = arith.constant 3 : i32
    %shift_right_arithmetic3A_262 = vector.broadcast %shift_right_arithmetic3A_261 : i32 to vector<16xi32>
    %shift_right_arithmetic3A_263 = arith.shrsi %get3A_260, %shift_right_arithmetic3A_262 : vector<16xi32>
    %swap3A_264 = arith.constant 1 : i32
    %swap3A_265 = arith.index_cast %swap3A_264 : i32 to index
    %swap3A_266 = arith.constant 48 : index
    %swap3A_267 = tpu.vector_load %arg10[%swap3A_265, %swap3A_266] {strides = array<i32>} : memref<4x128xi32, #tpu.memory_space<vmem>>, vector<16xi32>,
    tpu.vector_store %arg10[%swap3A_265, %swap3A_266], %shift_right_arithmetic3A_263 {strides = array<i32>} : memref<4x128xi32, #tpu.memory_space<vmem>>, vector<16xi32>,
    %get3A_268 = arith.constant 1 : i32
    %get3A_269 = arith.index_cast %get3A_268 : i32 to index
    %get3A_270 = arith.constant 64 : index
    %get3A_271 = tpu.vector_load %arg7[%get3A_269, %get3A_270] {strides = array<i32>} : memref<4x128xi32, #tpu.memory_space<vmem>>, vector<16xi32>,
    %shift_right_arithmetic3A_272 = arith.constant 3 : i32
    %shift_right_arithmetic3A_273 = vector.broadcast %shift_right_arithmetic3A_272 : i32 to vector<16xi32>
    %shift_right_arithmetic3A_274 = arith.shrsi %get3A_271, %shift_right_arithmetic3A_273 : vector<16xi32>
    %swap3A_275 = arith.constant 1 : i32
    %swap3A_276 = arith.index_cast %swap3A_275 : i32 to index
    %swap3A_277 = arith.constant 64 : index
    %swap3A_278 = tpu.vector_load %arg9[%swap3A_276, %swap3A_277] {strides = array<i32>} : memref<4x128xi32, #tpu.memory_space<vmem>>, vector<16xi32>,
    tpu.vector_store %arg9[%swap3A_276, %swap3A_277], %shift_right_arithmetic3A_274 {strides = array<i32>} : memref<4x128xi32, #tpu.memory_space<vmem>>, vector<16xi32>,
    %get3A_279 = arith.constant 1 : i32
    %get3A_280 = arith.index_cast %get3A_279 : i32 to index
    %get3A_281 = arith.constant 64 : index
    %get3A_282 = tpu.vector_load %arg8[%get3A_280, %get3A_281] {strides = array<i32>} : memref<4x128xi32, #tpu.memory_space<vmem>>, vector<16xi32>,
    %shift_right_arithmetic3A_283 = arith.constant 3 : i32
    %shift_right_arithmetic3A_284 = vector.broadcast %shift_right_arithmetic3A_283 : i32 to vector<16xi32>
    %shift_right_arithmetic3A_285 = arith.shrsi %get3A_282, %shift_right_arithmetic3A_284 : vector<16xi32>
    %swap3A_286 = arith.constant 1 : i32
    %swap3A_287 = arith.index_cast %swap3A_286 : i32 to index
    %swap3A_288 = arith.constant 64 : index
    %swap3A_289 = tpu.vector_load %arg10[%swap3A_287, %swap3A_288] {strides = array<i32>} : memref<4x128xi32, #tpu.memory_space<vmem>>, vector<16xi32>,
    tpu.vector_store %arg10[%swap3A_287, %swap3A_288], %shift_right_arithmetic3A_285 {strides = array<i32>} : memref<4x128xi32, #tpu.memory_space<vmem>>, vector<16xi32>,
    %get3A_290 = arith.constant 1 : i32
    %get3A_291 = arith.index_cast %get3A_290 : i32 to index
    %get3A_292 = arith.constant 80 : index
    %get3A_293 = tpu.vector_load %arg7[%get3A_291, %get3A_292] {strides = array<i32>} : memref<4x128xi32, #tpu.memory_space<vmem>>, vector<16xi32>,
    %shift_right_arithmetic3A_294 = arith.constant 3 : i32
    %shift_right_arithmetic3A_295 = vector.broadcast %shift_right_arithmetic3A_294 : i32 to vector<16xi32>
    %shift_right_arithmetic3A_296 = arith.shrsi %get3A_293, %shift_right_arithmetic3A_295 : vector<16xi32>
    %swap3A_297 = arith.constant 1 : i32
    %swap3A_298 = arith.index_cast %swap3A_297 : i32 to index
    %swap3A_299 = arith.constant 80 : index
    %swap3A_300 = tpu.vector_load %arg9[%swap3A_298, %swap3A_299] {strides = array<i32>} : memref<4x128xi32, #tpu.memory_space<vmem>>, vector<16xi32>,
    tpu.vector_store %arg9[%swap3A_298, %swap3A_299], %shift_right_arithmetic3A_296 {strides = array<i32>} : memref<4x128xi32, #tpu.memory_space<vmem>>, vector<16xi32>,
    %get3A_301 = arith.constant 1 : i32
    %get3A_302 = arith.index_cast %get3A_301 : i32 to index
    %get3A_303 = arith.constant 80 : index
    %get3A_304 = tpu.vector_load %arg8[%get3A_302, %get3A_303] {strides = array<i32>} : memref<4x128xi32, #tpu.memory_space<vmem>>, vector<16xi32>,
    %shift_right_arithmetic3A_305 = arith.constant 3 : i32
    %shift_right_arithmetic3A_306 = vector.broadcast %shift_right_arithmetic3A_305 : i32 to vector<16xi32>
    %shift_right_arithmetic3A_307 = arith.shrsi %get3A_304, %shift_right_arithmetic3A_306 : vector<16xi32>
    %swap3A_308 = arith.constant 1 : i32
    %swap3A_309 = arith.index_cast %swap3A_308 : i32 to index
    %swap3A_310 = arith.constant 80 : index
    %swap3A_311 = tpu.vector_load %arg10[%swap3A_309, %swap3A_310] {strides = array<i32>} : memref<4x128xi32, #tpu.memory_space<vmem>>, vector<16xi32>,
    tpu.vector_store %arg10[%swap3A_309, %swap3A_310], %shift_right_arithmetic3A_307 {strides = array<i32>} : memref<4x128xi32, #tpu.memory_space<vmem>>, vector<16xi32>,
    %get3A_312 = arith.constant 1 : i32
    %get3A_313 = arith.index_cast %get3A_312 : i32 to index
    %get3A_314 = arith.constant 96 : index
    %get3A_315 = tpu.vector_load %arg7[%get3A_313, %get3A_314] {strides = array<i32>} : memref<4x128xi32, #tpu.memory_space<vmem>>, vector<16xi32>,
    %shift_right_arithmetic3A_316 = arith.constant 3 : i32
    %shift_right_arithmetic3A_317 = vector.broadcast %shift_right_arithmetic3A_316 : i32 to vector<16xi32>
    %shift_right_arithmetic3A_318 = arith.shrsi %get3A_315, %shift_right_arithmetic3A_317 : vector<16xi32>
    %swap3A_319 = arith.constant 1 : i32
    %swap3A_320 = arith.index_cast %swap3A_319 : i32 to index
    %swap3A_321 = arith.constant 96 : index
    %swap3A_322 = tpu.vector_load %arg9[%swap3A_320, %swap3A_321] {strides = array<i32>} : memref<4x128xi32, #tpu.memory_space<vmem>>, vector<16xi32>,
    tpu.vector_store %arg9[%swap3A_320, %swap3A_321], %shift_right_arithmetic3A_318 {strides = array<i32>} : memref<4x128xi32, #tpu.memory_space<vmem>>, vector<16xi32>,
    %get3A_323 = arith.constant 1 : i32
    %get3A_324 = arith.index_cast %get3A_323 : i32 to index
    %get3A_325 = arith.constant 96 : index
    %get3A_326 = tpu.vector_load %arg8[%get3A_324, %get3A_325] {strides = array<i32>} : memref<4x128xi32, #tpu.memory_space<vmem>>, vector<16xi32>,
    %shift_right_arithmetic3A_327 = arith.constant 3 : i32
    %shift_right_arithmetic3A_328 = vector.broadcast %shift_right_arithmetic3A_327 : i32 to vector<16xi32>
    %shift_right_arithmetic3A_329 = arith.shrsi %get3A_326, %shift_right_arithmetic3A_328 : vector<16xi32>
    %swap3A_330 = arith.constant 1 : i32
    %swap3A_331 = arith.index_cast %swap3A_330 : i32 to index
    %swap3A_332 = arith.constant 96 : index
    %swap3A_333 = tpu.vector_load %arg10[%swap3A_331, %swap3A_332] {strides = array<i32>} : memref<4x128xi32, #tpu.memory_space<vmem>>, vector<16xi32>,
    tpu.vector_store %arg10[%swap3A_331, %swap3A_332], %shift_right_arithmetic3A_329 {strides = array<i32>} : memref<4x128xi32, #tpu.memory_space<vmem>>, vector<16xi32>,
    %get3A_334 = arith.constant 1 : i32
    %get3A_335 = arith.index_cast %get3A_334 : i32 to index
    %get3A_336 = arith.constant 112 : index
    %get3A_337 = tpu.vector_load %arg7[%get3A_335, %get3A_336] {strides = array<i32>} : memref<4x128xi32, #tpu.memory_space<vmem>>, vector<16xi32>,
    %shift_right_arithmetic3A_338 = arith.constant 3 : i32
    %shift_right_arithmetic3A_339 = vector.broadcast %shift_right_arithmetic3A_338 : i32 to vector<16xi32>
    %shift_right_arithmetic3A_340 = arith.shrsi %get3A_337, %shift_right_arithmetic3A_339 : vector<16xi32>
    %swap3A_341 = arith.constant 1 : i32
    %swap3A_342 = arith.index_cast %swap3A_341 : i32 to index
    %swap3A_343 = arith.constant 112 : index
    %swap3A_344 = tpu.vector_load %arg9[%swap3A_342, %swap3A_343] {strides = array<i32>} : memref<4x128xi32, #tpu.memory_space<vmem>>, vector<16xi32>,
    tpu.vector_store %arg9[%swap3A_342, %swap3A_343], %shift_right_arithmetic3A_340 {strides = array<i32>} : memref<4x128xi32, #tpu.memory_space<vmem>>, vector<16xi32>,
    %get3A_345 = arith.constant 1 : i32
    %get3A_346 = arith.index_cast %get3A_345 : i32 to index
    %get3A_347 = arith.constant 112 : index
    %get3A_348 = tpu.vector_load %arg8[%get3A_346, %get3A_347] {strides = array<i32>} : memref<4x128xi32, #tpu.memory_space<vmem>>, vector<16xi32>,
    %shift_right_arithmetic3A_349 = arith.constant 3 : i32
    %shift_right_arithmetic3A_350 = vector.broadcast %shift_right_arithmetic3A_349 : i32 to vector<16xi32>
    %shift_right_arithmetic3A_351 = arith.shrsi %get3A_348, %shift_right_arithmetic3A_350 : vector<16xi32>
    %swap3A_352 = arith.constant 1 : i32
    %swap3A_353 = arith.index_cast %swap3A_352 : i32 to index
    %swap3A_354 = arith.constant 112 : index
    %swap3A_355 = tpu.vector_load %arg10[%swap3A_353, %swap3A_354] {strides = array<i32>} : memref<4x128xi32, #tpu.memory_space<vmem>>, vector<16xi32>,
    tpu.vector_store %arg10[%swap3A_353, %swap3A_354], %shift_right_arithmetic3A_351 {strides = array<i32>} : memref<4x128xi32, #tpu.memory_space<vmem>>, vector<16xi32>,
    %get3A_356 = arith.constant 2 : i32
    %get3A_357 = arith.index_cast %get3A_356 : i32 to index
    %get3A_358 = arith.constant 0 : index
    %get3A_359 = tpu.vector_load %arg7[%get3A_357, %get3A_358] {strides = array<i32>} : memref<4x128xi32, #tpu.memory_space<vmem>>, vector<16xi32>,
    %shift_right_arithmetic3A_360 = arith.constant 3 : i32
    %shift_right_arithmetic3A_361 = vector.broadcast %shift_right_arithmetic3A_360 : i32 to vector<16xi32>
    %shift_right_arithmetic3A_362 = arith.shrsi %get3A_359, %shift_right_arithmetic3A_361 : vector<16xi32>
    %swap3A_363 = arith.constant 2 : i32
    %swap3A_364 = arith.index_cast %swap3A_363 : i32 to index
    %swap3A_365 = arith.constant 0 : index
    %swap3A_366 = tpu.vector_load %arg9[%swap3A_364, %swap3A_365] {strides = array<i32>} : memref<4x128xi32, #tpu.memory_space<vmem>>, vector<16xi32>,
    tpu.vector_store %arg9[%swap3A_364, %swap3A_365], %shift_right_arithmetic3A_362 {strides = array<i32>} : memref<4x128xi32, #tpu.memory_space<vmem>>, vector<16xi32>,
    %get3A_367 = arith.constant 2 : i32
    %get3A_368 = arith.index_cast %get3A_367 : i32 to index
    %get3A_369 = arith.constant 0 : index
    %get3A_370 = tpu.vector_load %arg8[%get3A_368, %get3A_369] {strides = array<i32>} : memref<4x128xi32, #tpu.memory_space<vmem>>, vector<16xi32>,
    %shift_right_arithmetic3A_371 = arith.constant 3 : i32
    %shift_right_arithmetic3A_372 = vector.broadcast %shift_right_arithmetic3A_371 : i32 to vector<16xi32>
    %shift_right_arithmetic3A_373 = arith.shrsi %get3A_370, %shift_right_arithmetic3A_372 : vector<16xi32>
    %swap3A_374 = arith.constant 2 : i32
    %swap3A_375 = arith.index_cast %swap3A_374 : i32 to index
    %swap3A_376 = arith.constant 0 : index
    %swap3A_377 = tpu.vector_load %arg10[%swap3A_375, %swap3A_376] {strides = array<i32>} : memref<4x128xi32, #tpu.memory_space<vmem>>, vector<16xi32>,
    tpu.vector_store %arg10[%swap3A_375, %swap3A_376], %shift_right_arithmetic3A_373 {strides = array<i32>} : memref<4x128xi32, #tpu.memory_space<vmem>>, vector<16xi32>,
    %get3A_378 = arith.constant 2 : i32
    %get3A_379 = arith.index_cast %get3A_378 : i32 to index
    %get3A_380 = arith.constant 16 : index
    %get3A_381 = tpu.vector_load %arg7[%get3A_379, %get3A_380] {strides = array<i32>} : memref<4x128xi32, #tpu.memory_space<vmem>>, vector<16xi32>,
    %shift_right_arithmetic3A_382 = arith.constant 3 : i32
    %shift_right_arithmetic3A_383 = vector.broadcast %shift_right_arithmetic3A_382 : i32 to vector<16xi32>
    %shift_right_arithmetic3A_384 = arith.shrsi %get3A_381, %shift_right_arithmetic3A_383 : vector<16xi32>
    %swap3A_385 = arith.constant 2 : i32
    %swap3A_386 = arith.index_cast %swap3A_385 : i32 to index
    %swap3A_387 = arith.constant 16 : index
    %swap3A_388 = tpu.vector_load %arg9[%swap3A_386, %swap3A_387] {strides = array<i32>} : memref<4x128xi32, #tpu.memory_space<vmem>>, vector<16xi32>,
    tpu.vector_store %arg9[%swap3A_386, %swap3A_387], %shift_right_arithmetic3A_384 {strides = array<i32>} : memref<4x128xi32, #tpu.memory_space<vmem>>, vector<16xi32>,
    %get3A_389 = arith.constant 2 : i32
    %get3A_390 = arith.index_cast %get3A_389 : i32 to index
    %get3A_391 = arith.constant 16 : index
    %get3A_392 = tpu.vector_load %arg8[%get3A_390, %get3A_391] {strides = array<i32>} : memref<4x128xi32, #tpu.memory_space<vmem>>, vector<16xi32>,
    %shift_right_arithmetic3A_393 = arith.constant 3 : i32
    %shift_right_arithmetic3A_394 = vector.broadcast %shift_right_arithmetic3A_393 : i32 to vector<16xi32>
    %shift_right_arithmetic3A_395 = arith.shrsi %get3A_392, %shift_right_arithmetic3A_394 : vector<16xi32>
    %swap3A_396 = arith.constant 2 : i32
    %swap3A_397 = arith.index_cast %swap3A_396 : i32 to index
    %swap3A_398 = arith.constant 16 : index
    %swap3A_399 = tpu.vector_load %arg10[%swap3A_397, %swap3A_398] {strides = array<i32>} : memref<4x128xi32, #tpu.memory_space<vmem>>, vector<16xi32>,
    tpu.vector_store %arg10[%swap3A_397, %swap3A_398], %shift_right_arithmetic3A_395 {strides = array<i32>} : memref<4x128xi32, #tpu.memory_space<vmem>>, vector<16xi32>,
    %get3A_400 = arith.constant 2 : i32
    %get3A_401 = arith.index_cast %get3A_400 : i32 to index
    %get3A_402 = arith.constant 32 : index
    %get3A_403 = tpu.vector_load %arg7[%get3A_401, %get3A_402] {strides = array<i32>} : memref<4x128xi32, #tpu.memory_space<vmem>>, vector<16xi32>,
    %shift_right_arithmetic3A_404 = arith.constant 3 : i32
    %shift_right_arithmetic3A_405 = vector.broadcast %shift_right_arithmetic3A_404 : i32 to vector<16xi32>
    %shift_right_arithmetic3A_406 = arith.shrsi %get3A_403, %shift_right_arithmetic3A_405 : vector<16xi32>
    %swap3A_407 = arith.constant 2 : i32
    %swap3A_408 = arith.index_cast %swap3A_407 : i32 to index
    %swap3A_409 = arith.constant 32 : index
    %swap3A_410 = tpu.vector_load %arg9[%swap3A_408, %swap3A_409] {strides = array<i32>} : memref<4x128xi32, #tpu.memory_space<vmem>>, vector<16xi32>,
    tpu.vector_store %arg9[%swap3A_408, %swap3A_409], %shift_right_arithmetic3A_406 {strides = array<i32>} : memref<4x128xi32, #tpu.memory_space<vmem>>, vector<16xi32>,
    %get3A_411 = arith.constant 2 : i32
    %get3A_412 = arith.index_cast %get3A_411 : i32 to index
    %get3A_413 = arith.constant 32 : index
    %get3A_414 = tpu.vector_load %arg8[%get3A_412, %get3A_413] {strides = array<i32>} : memref<4x128xi32, #tpu.memory_space<vmem>>, vector<16xi32>,
    %shift_right_arithmetic3A_415 = arith.constant 3 : i32
    %shift_right_arithmetic3A_416 = vector.broadcast %shift_right_arithmetic3A_415 : i32 to vector<16xi32>
    %shift_right_arithmetic3A_417 = arith.shrsi %get3A_414, %shift_right_arithmetic3A_416 : vector<16xi32>
    %swap3A_418 = arith.constant 2 : i32
    %swap3A_419 = arith.index_cast %swap3A_418 : i32 to index
    %swap3A_420 = arith.constant 32 : index
    %swap3A_421 = tpu.vector_load %arg10[%swap3A_419, %swap3A_420] {strides = array<i32>} : memref<4x128xi32, #tpu.memory_space<vmem>>, vector<16xi32>,
    tpu.vector_store %arg10[%swap3A_419, %swap3A_420], %shift_right_arithmetic3A_417 {strides = array<i32>} : memref<4x128xi32, #tpu.memory_space<vmem>>, vector<16xi32>,
    %get3A_422 = arith.constant 2 : i32
    %get3A_423 = arith.index_cast %get3A_422 : i32 to index
    %get3A_424 = arith.constant 48 : index
    %get3A_425 = tpu.vector_load %arg7[%get3A_423, %get3A_424] {strides = array<i32>} : memref<4x128xi32, #tpu.memory_space<vmem>>, vector<16xi32>,
    %shift_right_arithmetic3A_426 = arith.constant 3 : i32
    %shift_right_arithmetic3A_427 = vector.broadcast %shift_right_arithmetic3A_426 : i32 to vector<16xi32>
    %shift_right_arithmetic3A_428 = arith.shrsi %get3A_425, %shift_right_arithmetic3A_427 : vector<16xi32>
    %swap3A_429 = arith.constant 2 : i32
    %swap3A_430 = arith.index_cast %swap3A_429 : i32 to index
    %swap3A_431 = arith.constant 48 : index
    %swap3A_432 = tpu.vector_load %arg9[%swap3A_430, %swap3A_431] {strides = array<i32>} : memref<4x128xi32, #tpu.memory_space<vmem>>, vector<16xi32>,
    tpu.vector_store %arg9[%swap3A_430, %swap3A_431], %shift_right_arithmetic3A_428 {strides = array<i32>} : memref<4x128xi32, #tpu.memory_space<vmem>>, vector<16xi32>,
    %get3A_433 = arith.constant 2 : i32
    %get3A_434 = arith.index_cast %get3A_433 : i32 to index
    %get3A_435 = arith.constant 48 : index
    %get3A_436 = tpu.vector_load %arg8[%get3A_434, %get3A_435] {strides = array<i32>} : memref<4x128xi32, #tpu.memory_space<vmem>>, vector<16xi32>,
    %shift_right_arithmetic3A_437 = arith.constant 3 : i32
    %shift_right_arithmetic3A_438 = vector.broadcast %shift_right_arithmetic3A_437 : i32 to vector<16xi32>
    %shift_right_arithmetic3A_439 = arith.shrsi %get3A_436, %shift_right_arithmetic3A_438 : vector<16xi32>
    %swap3A_440 = arith.constant 2 : i32
    %swap3A_441 = arith.index_cast %swap3A_440 : i32 to index
    %swap3A_442 = arith.constant 48 : index
    %swap3A_443 = tpu.vector_load %arg10[%swap3A_441, %swap3A_442] {strides = array<i32>} : memref<4x128xi32, #tpu.memory_space<vmem>>, vector<16xi32>,
    tpu.vector_store %arg10[%swap3A_441, %swap3A_442], %shift_right_arithmetic3A_439 {strides = array<i32>} : memref<4x128xi32, #tpu.memory_space<vmem>>, vector<16xi32>,
    %get3A_444 = arith.constant 2 : i32
    %get3A_445 = arith.index_cast %get3A_444 : i32 to index
    %get3A_446 = arith.constant 64 : index
    %get3A_447 = tpu.vector_load %arg7[%get3A_445, %get3A_446] {strides = array<i32>} : memref<4x128xi32, #tpu.memory_space<vmem>>, vector<16xi32>,
    %shift_right_arithmetic3A_448 = arith.constant 3 : i32
    %shift_right_arithmetic3A_449 = vector.broadcast %shift_right_arithmetic3A_448 : i32 to vector<16xi32>
    %shift_right_arithmetic3A_450 = arith.shrsi %get3A_447, %shift_right_arithmetic3A_449 : vector<16xi32>
    %swap3A_451 = arith.constant 2 : i32
    %swap3A_452 = arith.index_cast %swap3A_451 : i32 to index
    %swap3A_453 = arith.constant 64 : index
    %swap3A_454 = tpu.vector_load %arg9[%swap3A_452, %swap3A_453] {strides = array<i32>} : memref<4x128xi32, #tpu.memory_space<vmem>>, vector<16xi32>,
    tpu.vector_store %arg9[%swap3A_452, %swap3A_453], %shift_right_arithmetic3A_450 {strides = array<i32>} : memref<4x128xi32, #tpu.memory_space<vmem>>, vector<16xi32>,
    %get3A_455 = arith.constant 2 : i32
    %get3A_456 = arith.index_cast %get3A_455 : i32 to index
    %get3A_457 = arith.constant 64 : index
    %get3A_458 = tpu.vector_load %arg8[%get3A_456, %get3A_457] {strides = array<i32>} : memref<4x128xi32, #tpu.memory_space<vmem>>, vector<16xi32>,
    %shift_right_arithmetic3A_459 = arith.constant 3 : i32
    %shift_right_arithmetic3A_460 = vector.broadcast %shift_right_arithmetic3A_459 : i32 to vector<16xi32>
    %shift_right_arithmetic3A_461 = arith.shrsi %get3A_458, %shift_right_arithmetic3A_460 : vector<16xi32>
    %swap3A_462 = arith.constant 2 : i32
    %swap3A_463 = arith.index_cast %swap3A_462 : i32 to index
    %swap3A_464 = arith.constant 64 : index
    %swap3A_465 = tpu.vector_load %arg10[%swap3A_463, %swap3A_464] {strides = array<i32>} : memref<4x128xi32, #tpu.memory_space<vmem>>, vector<16xi32>,
    tpu.vector_store %arg10[%swap3A_463, %swap3A_464], %shift_right_arithmetic3A_461 {strides = array<i32>} : memref<4x128xi32, #tpu.memory_space<vmem>>, vector<16xi32>,
    %get3A_466 = arith.constant 2 : i32
    %get3A_467 = arith.index_cast %get3A_466 : i32 to index
    %get3A_468 = arith.constant 80 : index
    %get3A_469 = tpu.vector_load %arg7[%get3A_467, %get3A_468] {strides = array<i32>} : memref<4x128xi32, #tpu.memory_space<vmem>>, vector<16xi32>,
    %shift_right_arithmetic3A_470 = arith.constant 3 : i32
    %shift_right_arithmetic3A_471 = vector.broadcast %shift_right_arithmetic3A_470 : i32 to vector<16xi32>
    %shift_right_arithmetic3A_472 = arith.shrsi %get3A_469, %shift_right_arithmetic3A_471 : vector<16xi32>
    %swap3A_473 = arith.constant 2 : i32
    %swap3A_474 = arith.index_cast %swap3A_473 : i32 to index
    %swap3A_475 = arith.constant 80 : index
    %swap3A_476 = tpu.vector_load %arg9[%swap3A_474, %swap3A_475] {strides = array<i32>} : memref<4x128xi32, #tpu.memory_space<vmem>>, vector<16xi32>,
    tpu.vector_store %arg9[%swap3A_474, %swap3A_475], %shift_right_arithmetic3A_472 {strides = array<i32>} : memref<4x128xi32, #tpu.memory_space<vmem>>, vector<16xi32>,
    %get3A_477 = arith.constant 2 : i32
    %get3A_478 = arith.index_cast %get3A_477 : i32 to index
    %get3A_479 = arith.constant 80 : index
    %get3A_480 = tpu.vector_load %arg8[%get3A_478, %get3A_479] {strides = array<i32>} : memref<4x128xi32, #tpu.memory_space<vmem>>, vector<16xi32>,
    %shift_right_arithmetic3A_481 = arith.constant 3 : i32
    %shift_right_arithmetic3A_482 = vector.broadcast %shift_right_arithmetic3A_481 : i32 to vector<16xi32>
    %shift_right_arithmetic3A_483 = arith.shrsi %get3A_480, %shift_right_arithmetic3A_482 : vector<16xi32>
    %swap3A_484 = arith.constant 2 : i32
    %swap3A_485 = arith.index_cast %swap3A_484 : i32 to index
    %swap3A_486 = arith.constant 80 : index
    %swap3A_487 = tpu.vector_load %arg10[%swap3A_485, %swap3A_486] {strides = array<i32>} : memref<4x128xi32, #tpu.memory_space<vmem>>, vector<16xi32>,
    tpu.vector_store %arg10[%swap3A_485, %swap3A_486], %shift_right_arithmetic3A_483 {strides = array<i32>} : memref<4x128xi32, #tpu.memory_space<vmem>>, vector<16xi32>,
    %get3A_488 = arith.constant 2 : i32
    %get3A_489 = arith.index_cast %get3A_488 : i32 to index
    %get3A_490 = arith.constant 96 : index
    %get3A_491 = tpu.vector_load %arg7[%get3A_489, %get3A_490] {strides = array<i32>} : memref<4x128xi32, #tpu.memory_space<vmem>>, vector<16xi32>,
    %shift_right_arithmetic3A_492 = arith.constant 3 : i32
    %shift_right_arithmetic3A_493 = vector.broadcast %shift_right_arithmetic3A_492 : i32 to vector<16xi32>
    %shift_right_arithmetic3A_494 = arith.shrsi %get3A_491, %shift_right_arithmetic3A_493 : vector<16xi32>
    %swap3A_495 = arith.constant 2 : i32
    %swap3A_496 = arith.index_cast %swap3A_495 : i32 to index
    %swap3A_497 = arith.constant 96 : index
    %swap3A_498 = tpu.vector_load %arg9[%swap3A_496, %swap3A_497] {strides = array<i32>} : memref<4x128xi32, #tpu.memory_space<vmem>>, vector<16xi32>,
    tpu.vector_store %arg9[%swap3A_496, %swap3A_497], %shift_right_arithmetic3A_494 {strides = array<i32>} : memref<4x128xi32, #tpu.memory_space<vmem>>, vector<16xi32>,
    %get3A_499 = arith.constant 2 : i32
    %get3A_500 = arith.index_cast %get3A_499 : i32 to index
    %get3A_501 = arith.constant 96 : index
    %get3A_502 = tpu.vector_load %arg8[%get3A_500, %get3A_501] {strides = array<i32>} : memref<4x128xi32, #tpu.memory_space<vmem>>, vector<16xi32>,
    %shift_right_arithmetic3A_503 = arith.constant 3 : i32
    %shift_right_arithmetic3A_504 = vector.broadcast %shift_right_arithmetic3A_503 : i32 to vector<16xi32>
    %shift_right_arithmetic3A_505 = arith.shrsi %get3A_502, %shift_right_arithmetic3A_504 : vector<16xi32>
    %swap3A_506 = arith.constant 2 : i32
    %swap3A_507 = arith.index_cast %swap3A_506 : i32 to index
    %swap3A_508 = arith.constant 96 : index
    %swap3A_509 = tpu.vector_load %arg10[%swap3A_507, %swap3A_508] {strides = array<i32>} : memref<4x128xi32, #tpu.memory_space<vmem>>, vector<16xi32>,
    tpu.vector_store %arg10[%swap3A_507, %swap3A_508], %shift_right_arithmetic3A_505 {strides = array<i32>} : memref<4x128xi32, #tpu.memory_space<vmem>>, vector<16xi32>,
    %get3A_510 = arith.constant 2 : i32
    %get3A_511 = arith.index_cast %get3A_510 : i32 to index
    %get3A_512 = arith.constant 112 : index
    %get3A_513 = tpu.vector_load %arg7[%get3A_511, %get3A_512] {strides = array<i32>} : memref<4x128xi32, #tpu.memory_space<vmem>>, vector<16xi32>,
    %shift_right_arithmetic3A_514 = arith.constant 3 : i32
    %shift_right_arithmetic3A_515 = vector.broadcast %shift_right_arithmetic3A_514 : i32 to vector<16xi32>
    %shift_right_arithmetic3A_516 = arith.shrsi %get3A_513, %shift_right_arithmetic3A_515 : vector<16xi32>
    %swap3A_517 = arith.constant 2 : i32
    %swap3A_518 = arith.index_cast %swap3A_517 : i32 to index
    %swap3A_519 = arith.constant 112 : index
    %swap3A_520 = tpu.vector_load %arg9[%swap3A_518, %swap3A_519] {strides = array<i32>} : memref<4x128xi32, #tpu.memory_space<vmem>>, vector<16xi32>,
    tpu.vector_store %arg9[%swap3A_518, %swap3A_519], %shift_right_arithmetic3A_516 {strides = array<i32>} : memref<4x128xi32, #tpu.memory_space<vmem>>, vector<16xi32>,
    %get3A_521 = arith.constant 2 : i32
    %get3A_522 = arith.index_cast %get3A_521 : i32 to index
    %get3A_523 = arith.constant 112 : index
    %get3A_524 = tpu.vector_load %arg8[%get3A_522, %get3A_523] {strides = array<i32>} : memref<4x128xi32, #tpu.memory_space<vmem>>, vector<16xi32>,
    %shift_right_arithmetic3A_525 = arith.constant 3 : i32
    %shift_right_arithmetic3A_526 = vector.broadcast %shift_right_arithmetic3A_525 : i32 to vector<16xi32>
    %shift_right_arithmetic3A_527 = arith.shrsi %get3A_524, %shift_right_arithmetic3A_526 : vector<16xi32>
    %swap3A_528 = arith.constant 2 : i32
    %swap3A_529 = arith.index_cast %swap3A_528 : i32 to index
    %swap3A_530 = arith.constant 112 : index
    %swap3A_531 = tpu.vector_load %arg10[%swap3A_529, %swap3A_530] {strides = array<i32>} : memref<4x128xi32, #tpu.memory_space<vmem>>, vector<16xi32>,
    tpu.vector_store %arg10[%swap3A_529, %swap3A_530], %shift_right_arithmetic3A_527 {strides = array<i32>} : memref<4x128xi32, #tpu.memory_space<vmem>>, vector<16xi32>,
    %get3A_532 = arith.constant 3 : i32
    %get3A_533 = arith.index_cast %get3A_532 : i32 to index
    %get3A_534 = arith.constant 0 : index
    %get3A_535 = tpu.vector_load %arg7[%get3A_533, %get3A_534] {strides = array<i32>} : memref<4x128xi32, #tpu.memory_space<vmem>>, vector<16xi32>,
    %shift_right_arithmetic3A_536 = arith.constant 3 : i32
    %shift_right_arithmetic3A_537 = vector.broadcast %shift_right_arithmetic3A_536 : i32 to vector<16xi32>
    %shift_right_arithmetic3A_538 = arith.shrsi %get3A_535, %shift_right_arithmetic3A_537 : vector<16xi32>
    %swap3A_539 = arith.constant 3 : i32
    %swap3A_540 = arith.index_cast %swap3A_539 : i32 to index
    %swap3A_541 = arith.constant 0 : index
    %swap3A_542 = tpu.vector_load %arg9[%swap3A_540, %swap3A_541] {strides = array<i32>} : memref<4x128xi32, #tpu.memory_space<vmem>>, vector<16xi32>,
    tpu.vector_store %arg9[%swap3A_540, %swap3A_541], %shift_right_arithmetic3A_538 {strides = array<i32>} : memref<4x128xi32, #tpu.memory_space<vmem>>, vector<16xi32>,
    %get3A_543 = arith.constant 3 : i32
    %get3A_544 = arith.index_cast %get3A_543 : i32 to index
    %get3A_545 = arith.constant 0 : index
    %get3A_546 = tpu.vector_load %arg8[%get3A_544, %get3A_545] {strides = array<i32>} : memref<4x128xi32, #tpu.memory_space<vmem>>, vector<16xi32>,
    %shift_right_arithmetic3A_547 = arith.constant 3 : i32
    %shift_right_arithmetic3A_548 = vector.broadcast %shift_right_arithmetic3A_547 : i32 to vector<16xi32>
    %shift_right_arithmetic3A_549 = arith.shrsi %get3A_546, %shift_right_arithmetic3A_548 : vector<16xi32>
    %swap3A_550 = arith.constant 3 : i32
    %swap3A_551 = arith.index_cast %swap3A_550 : i32 to index
    %swap3A_552 = arith.constant 0 : index
    %swap3A_553 = tpu.vector_load %arg10[%swap3A_551, %swap3A_552] {strides = array<i32>} : memref<4x128xi32, #tpu.memory_space<vmem>>, vector<16xi32>,
    tpu.vector_store %arg10[%swap3A_551, %swap3A_552], %shift_right_arithmetic3A_549 {strides = array<i32>} : memref<4x128xi32, #tpu.memory_space<vmem>>, vector<16xi32>,
    %get3A_554 = arith.constant 3 : i32
    %get3A_555 = arith.index_cast %get3A_554 : i32 to index
    %get3A_556 = arith.constant 16 : index
    %get3A_557 = tpu.vector_load %arg7[%get3A_555, %get3A_556] {strides = array<i32>} : memref<4x128xi32, #tpu.memory_space<vmem>>, vector<16xi32>,
    %shift_right_arithmetic3A_558 = arith.constant 3 : i32
    %shift_right_arithmetic3A_559 = vector.broadcast %shift_right_arithmetic3A_558 : i32 to vector<16xi32>
    %shift_right_arithmetic3A_560 = arith.shrsi %get3A_557, %shift_right_arithmetic3A_559 : vector<16xi32>
    %swap3A_561 = arith.constant 3 : i32
    %swap3A_562 = arith.index_cast %swap3A_561 : i32 to index
    %swap3A_563 = arith.constant 16 : index
    %swap3A_564 = tpu.vector_load %arg9[%swap3A_562, %swap3A_563] {strides = array<i32>} : memref<4x128xi32, #tpu.memory_space<vmem>>, vector<16xi32>,
    tpu.vector_store %arg9[%swap3A_562, %swap3A_563], %shift_right_arithmetic3A_560 {strides = array<i32>} : memref<4x128xi32, #tpu.memory_space<vmem>>, vector<16xi32>,
    %get3A_565 = arith.constant 3 : i32
    %get3A_566 = arith.index_cast %get3A_565 : i32 to index
    %get3A_567 = arith.constant 16 : index
    %get3A_568 = tpu.vector_load %arg8[%get3A_566, %get3A_567] {strides = array<i32>} : memref<4x128xi32, #tpu.memory_space<vmem>>, vector<16xi32>,
    %shift_right_arithmetic3A_569 = arith.constant 3 : i32
    %shift_right_arithmetic3A_570 = vector.broadcast %shift_right_arithmetic3A_569 : i32 to vector<16xi32>
    %shift_right_arithmetic3A_571 = arith.shrsi %get3A_568, %shift_right_arithmetic3A_570 : vector<16xi32>
    %swap3A_572 = arith.constant 3 : i32
    %swap3A_573 = arith.index_cast %swap3A_572 : i32 to index
    %swap3A_574 = arith.constant 16 : index
    %swap3A_575 = tpu.vector_load %arg10[%swap3A_573, %swap3A_574] {strides = array<i32>} : memref<4x128xi32, #tpu.memory_space<vmem>>, vector<16xi32>,
    tpu.vector_store %arg10[%swap3A_573, %swap3A_574], %shift_right_arithmetic3A_571 {strides = array<i32>} : memref<4x128xi32, #tpu.memory_space<vmem>>, vector<16xi32>,
    %get3A_576 = arith.constant 3 : i32
    %get3A_577 = arith.index_cast %get3A_576 : i32 to index
    %get3A_578 = arith.constant 32 : index
    %get3A_579 = tpu.vector_load %arg7[%get3A_577, %get3A_578] {strides = array<i32>} : memref<4x128xi32, #tpu.memory_space<vmem>>, vector<16xi32>,
    %shift_right_arithmetic3A_580 = arith.constant 3 : i32
    %shift_right_arithmetic3A_581 = vector.broadcast %shift_right_arithmetic3A_580 : i32 to vector<16xi32>
    %shift_right_arithmetic3A_582 = arith.shrsi %get3A_579, %shift_right_arithmetic3A_581 : vector<16xi32>
    %swap3A_583 = arith.constant 3 : i32
    %swap3A_584 = arith.index_cast %swap3A_583 : i32 to index
    %swap3A_585 = arith.constant 32 : index
    %swap3A_586 = tpu.vector_load %arg9[%swap3A_584, %swap3A_585] {strides = array<i32>} : memref<4x128xi32, #tpu.memory_space<vmem>>, vector<16xi32>,
    tpu.vector_store %arg9[%swap3A_584, %swap3A_585], %shift_right_arithmetic3A_582 {strides = array<i32>} : memref<4x128xi32, #tpu.memory_space<vmem>>, vector<16xi32>,
    %get3A_587 = arith.constant 3 : i32
    %get3A_588 = arith.index_cast %get3A_587 : i32 to index
    %get3A_589 = arith.constant 32 : index
    %get3A_590 = tpu.vector_load %arg8[%get3A_588, %get3A_589] {strides = array<i32>} : memref<4x128xi32, #tpu.memory_space<vmem>>, vector<16xi32>,
    %shift_right_arithmetic3A_591 = arith.constant 3 : i32
    %shift_right_arithmetic3A_592 = vector.broadcast %shift_right_arithmetic3A_591 : i32 to vector<16xi32>
    %shift_right_arithmetic3A_593 = arith.shrsi %get3A_590, %shift_right_arithmetic3A_592 : vector<16xi32>
    %swap3A_594 = arith.constant 3 : i32
    %swap3A_595 = arith.index_cast %swap3A_594 : i32 to index
    %swap3A_596 = arith.constant 32 : index
    %swap3A_597 = tpu.vector_load %arg10[%swap3A_595, %swap3A_596] {strides = array<i32>} : memref<4x128xi32, #tpu.memory_space<vmem>>, vector<16xi32>,
    tpu.vector_store %arg10[%swap3A_595, %swap3A_596], %shift_right_arithmetic3A_593 {strides = array<i32>} : memref<4x128xi32, #tpu.memory_space<vmem>>, vector<16xi32>,
    %get3A_598 = arith.constant 3 : i32
    %get3A_599 = arith.index_cast %get3A_598 : i32 to index
    %get3A_600 = arith.constant 48 : index
    %get3A_601 = tpu.vector_load %arg7[%get3A_599, %get3A_600] {strides = array<i32>} : memref<4x128xi32, #tpu.memory_space<vmem>>, vector<16xi32>,
    %shift_right_arithmetic3A_602 = arith.constant 3 : i32
    %shift_right_arithmetic3A_603 = vector.broadcast %shift_right_arithmetic3A_602 : i32 to vector<16xi32>
    %shift_right_arithmetic3A_604 = arith.shrsi %get3A_601, %shift_right_arithmetic3A_603 : vector<16xi32>
    %swap3A_605 = arith.constant 3 : i32
    %swap3A_606 = arith.index_cast %swap3A_605 : i32 to index
    %swap3A_607 = arith.constant 48 : index
    %swap3A_608 = tpu.vector_load %arg9[%swap3A_606, %swap3A_607] {strides = array<i32>} : memref<4x128xi32, #tpu.memory_space<vmem>>, vector<16xi32>,
    tpu.vector_store %arg9[%swap3A_606, %swap3A_607], %shift_right_arithmetic3A_604 {strides = array<i32>} : memref<4x128xi32, #tpu.memory_space<vmem>>, vector<16xi32>,
    %get3A_609 = arith.constant 3 : i32
    %get3A_610 = arith.index_cast %get3A_609 : i32 to index
    %get3A_611 = arith.constant 48 : index
    %get3A_612 = tpu.vector_load %arg8[%get3A_610, %get3A_611] {strides = array<i32>} : memref<4x128xi32, #tpu.memory_space<vmem>>, vector<16xi32>,
    %shift_right_arithmetic3A_613 = arith.constant 3 : i32
    %shift_right_arithmetic3A_614 = vector.broadcast %shift_right_arithmetic3A_613 : i32 to vector<16xi32>
    %shift_right_arithmetic3A_615 = arith.shrsi %get3A_612, %shift_right_arithmetic3A_614 : vector<16xi32>
    %swap3A_616 = arith.constant 3 : i32
    %swap3A_617 = arith.index_cast %swap3A_616 : i32 to index
    %swap3A_618 = arith.constant 48 : index
    %swap3A_619 = tpu.vector_load %arg10[%swap3A_617, %swap3A_618] {strides = array<i32>} : memref<4x128xi32, #tpu.memory_space<vmem>>, vector<16xi32>,
    tpu.vector_store %arg10[%swap3A_617, %swap3A_618], %shift_right_arithmetic3A_615 {strides = array<i32>} : memref<4x128xi32, #tpu.memory_space<vmem>>, vector<16xi32>,
    %get3A_620 = arith.constant 3 : i32
    %get3A_621 = arith.index_cast %get3A_620 : i32 to index
    %get3A_622 = arith.constant 64 : index
    %get3A_623 = tpu.vector_load %arg7[%get3A_621, %get3A_622] {strides = array<i32>} : memref<4x128xi32, #tpu.memory_space<vmem>>, vector<16xi32>,
    %shift_right_arithmetic3A_624 = arith.constant 3 : i32
    %shift_right_arithmetic3A_625 = vector.broadcast %shift_right_arithmetic3A_624 : i32 to vector<16xi32>
    %shift_right_arithmetic3A_626 = arith.shrsi %get3A_623, %shift_right_arithmetic3A_625 : vector<16xi32>
    %swap3A_627 = arith.constant 3 : i32
    %swap3A_628 = arith.index_cast %swap3A_627 : i32 to index
    %swap3A_629 = arith.constant 64 : index
    %swap3A_630 = tpu.vector_load %arg9[%swap3A_628, %swap3A_629] {strides = array<i32>} : memref<4x128xi32, #tpu.memory_space<vmem>>, vector<16xi32>,
    tpu.vector_store %arg9[%swap3A_628, %swap3A_629], %shift_right_arithmetic3A_626 {strides = array<i32>} : memref<4x128xi32, #tpu.memory_space<vmem>>, vector<16xi32>,
    %get3A_631 = arith.constant 3 : i32
    %get3A_632 = arith.index_cast %get3A_631 : i32 to index
    %get3A_633 = arith.constant 64 : index
    %get3A_634 = tpu.vector_load %arg8[%get3A_632, %get3A_633] {strides = array<i32>} : memref<4x128xi32, #tpu.memory_space<vmem>>, vector<16xi32>,
    %shift_right_arithmetic3A_635 = arith.constant 3 : i32
    %shift_right_arithmetic3A_636 = vector.broadcast %shift_right_arithmetic3A_635 : i32 to vector<16xi32>
    %shift_right_arithmetic3A_637 = arith.shrsi %get3A_634, %shift_right_arithmetic3A_636 : vector<16xi32>
    %swap3A_638 = arith.constant 3 : i32
    %swap3A_639 = arith.index_cast %swap3A_638 : i32 to index
    %swap3A_640 = arith.constant 64 : index
    %swap3A_641 = tpu.vector_load %arg10[%swap3A_639, %swap3A_640] {strides = array<i32>} : memref<4x128xi32, #tpu.memory_space<vmem>>, vector<16xi32>,
    tpu.vector_store %arg10[%swap3A_639, %swap3A_640], %shift_right_arithmetic3A_637 {strides = array<i32>} : memref<4x128xi32, #tpu.memory_space<vmem>>, vector<16xi32>,
    %get3A_642 = arith.constant 3 : i32
    %get3A_643 = arith.index_cast %get3A_642 : i32 to index
    %get3A_644 = arith.constant 80 : index
    %get3A_645 = tpu.vector_load %arg7[%get3A_643, %get3A_644] {strides = array<i32>} : memref<4x128xi32, #tpu.memory_space<vmem>>, vector<16xi32>,
    %shift_right_arithmetic3A_646 = arith.constant 3 : i32
    %shift_right_arithmetic3A_647 = vector.broadcast %shift_right_arithmetic3A_646 : i32 to vector<16xi32>
    %shift_right_arithmetic3A_648 = arith.shrsi %get3A_645, %shift_right_arithmetic3A_647 : vector<16xi32>
    %swap3A_649 = arith.constant 3 : i32
    %swap3A_650 = arith.index_cast %swap3A_649 : i32 to index
    %swap3A_651 = arith.constant 80 : index
    %swap3A_652 = tpu.vector_load %arg9[%swap3A_650, %swap3A_651] {strides = array<i32>} : memref<4x128xi32, #tpu.memory_space<vmem>>, vector<16xi32>,
    tpu.vector_store %arg9[%swap3A_650, %swap3A_651], %shift_right_arithmetic3A_648 {strides = array<i32>} : memref<4x128xi32, #tpu.memory_space<vmem>>, vector<16xi32>,
    %get3A_653 = arith.constant 3 : i32
    %get3A_654 = arith.index_cast %get3A_653 : i32 to index
    %get3A_655 = arith.constant 80 : index
    %get3A_656 = tpu.vector_load %arg8[%get3A_654, %get3A_655] {strides = array<i32>} : memref<4x128xi32, #tpu.memory_space<vmem>>, vector<16xi32>,
    %shift_right_arithmetic3A_657 = arith.constant 3 : i32
    %shift_right_arithmetic3A_658 = vector.broadcast %shift_right_arithmetic3A_657 : i32 to vector<16xi32>
    %shift_right_arithmetic3A_659 = arith.shrsi %get3A_656, %shift_right_arithmetic3A_658 : vector<16xi32>
    %swap3A_660 = arith.constant 3 : i32
    %swap3A_661 = arith.index_cast %swap3A_660 : i32 to index
    %swap3A_662 = arith.constant 80 : index
    %swap3A_663 = tpu.vector_load %arg10[%swap3A_661, %swap3A_662] {strides = array<i32>} : memref<4x128xi32, #tpu.memory_space<vmem>>, vector<16xi32>,
    tpu.vector_store %arg10[%swap3A_661, %swap3A_662], %shift_right_arithmetic3A_659 {strides = array<i32>} : memref<4x128xi32, #tpu.memory_space<vmem>>, vector<16xi32>,
    %get3A_664 = arith.constant 3 : i32
    %get3A_665 = arith.index_cast %get3A_664 : i32 to index
    %get3A_666 = arith.constant 96 : index
    %get3A_667 = tpu.vector_load %arg7[%get3A_665, %get3A_666] {strides = array<i32>} : memref<4x128xi32, #tpu.memory_space<vmem>>, vector<16xi32>,
    %shift_right_arithmetic3A_668 = arith.constant 3 : i32
    %shift_right_arithmetic3A_669 = vector.broadcast %shift_right_arithmetic3A_668 : i32 to vector<16xi32>
    %shift_right_arithmetic3A_670 = arith.shrsi %get3A_667, %shift_right_arithmetic3A_669 : vector<16xi32>
    %swap3A_671 = arith.constant 3 : i32
    %swap3A_672 = arith.index_cast %swap3A_671 : i32 to index
    %swap3A_673 = arith.constant 96 : index
    %swap3A_674 = tpu.vector_load %arg9[%swap3A_672, %swap3A_673] {strides = array<i32>} : memref<4x128xi32, #tpu.memory_space<vmem>>, vector<16xi32>,
    tpu.vector_store %arg9[%swap3A_672, %swap3A_673], %shift_right_arithmetic3A_670 {strides = array<i32>} : memref<4x128xi32, #tpu.memory_space<vmem>>, vector<16xi32>,
    %get3A_675 = arith.constant 3 : i32
    %get3A_676 = arith.index_cast %get3A_675 : i32 to index
    %get3A_677 = arith.constant 96 : index
    %get3A_678 = tpu.vector_load %arg8[%get3A_676, %get3A_677] {strides = array<i32>} : memref<4x128xi32, #tpu.memory_space<vmem>>, vector<16xi32>,
    %shift_right_arithmetic3A_679 = arith.constant 3 : i32
    %shift_right_arithmetic3A_680 = vector.broadcast %shift_right_arithmetic3A_679 : i32 to vector<16xi32>
    %shift_right_arithmetic3A_681 = arith.shrsi %get3A_678, %shift_right_arithmetic3A_680 : vector<16xi32>
    %swap3A_682 = arith.constant 3 : i32
    %swap3A_683 = arith.index_cast %swap3A_682 : i32 to index
    %swap3A_684 = arith.constant 96 : index
    %swap3A_685 = tpu.vector_load %arg10[%swap3A_683, %swap3A_684] {strides = array<i32>} : memref<4x128xi32, #tpu.memory_space<vmem>>, vector<16xi32>,
    tpu.vector_store %arg10[%swap3A_683, %swap3A_684], %shift_right_arithmetic3A_681 {strides = array<i32>} : memref<4x128xi32, #tpu.memory_space<vmem>>, vector<16xi32>,
    %get3A_686 = arith.constant 3 : i32
    %get3A_687 = arith.index_cast %get3A_686 : i32 to index
    %get3A_688 = arith.constant 112 : index
    %get3A_689 = tpu.vector_load %arg7[%get3A_687, %get3A_688] {strides = array<i32>} : memref<4x128xi32, #tpu.memory_space<vmem>>, vector<16xi32>,
    %shift_right_arithmetic3A_690 = arith.constant 3 : i32
    %shift_right_arithmetic3A_691 = vector.broadcast %shift_right_arithmetic3A_690 : i32 to vector<16xi32>
    %shift_right_arithmetic3A_692 = arith.shrsi %get3A_689, %shift_right_arithmetic3A_691 : vector<16xi32>
    %swap3A_693 = arith.constant 3 : i32
    %swap3A_694 = arith.index_cast %swap3A_693 : i32 to index
    %swap3A_695 = arith.constant 112 : index
    %swap3A_696 = tpu.vector_load %arg9[%swap3A_694, %swap3A_695] {strides = array<i32>} : memref<4x128xi32, #tpu.memory_space<vmem>>, vector<16xi32>,
    tpu.vector_store %arg9[%swap3A_694, %swap3A_695], %shift_right_arithmetic3A_692 {strides = array<i32>} : memref<4x128xi32, #tpu.memory_space<vmem>>, vector<16xi32>,
    %get3A_697 = arith.constant 3 : i32
    %get3A_698 = arith.index_cast %get3A_697 : i32 to index
    %get3A_699 = arith.constant 112 : index
    %get3A_700 = tpu.vector_load %arg8[%get3A_698, %get3A_699] {strides = array<i32>} : memref<4x128xi32, #tpu.memory_space<vmem>>, vector<16xi32>,
    %shift_right_arithmetic3A_701 = arith.constant 3 : i32
    %shift_right_arithmetic3A_702 = vector.broadcast %shift_right_arithmetic3A_701 : i32 to vector<16xi32>
    %shift_right_arithmetic3A_703 = arith.shrsi %get3A_700, %shift_right_arithmetic3A_702 : vector<16xi32>
    %swap3A_704 = arith.constant 3 : i32
    %swap3A_705 = arith.index_cast %swap3A_704 : i32 to index
    %swap3A_706 = arith.constant 112 : index
    %swap3A_707 = tpu.vector_load %arg10[%swap3A_705, %swap3A_706] {strides = array<i32>} : memref<4x128xi32, #tpu.memory_space<vmem>>, vector<16xi32>,
    tpu.vector_store %arg10[%swap3A_705, %swap3A_706], %shift_right_arithmetic3A_703 {strides = array<i32>} : memref<4x128xi32, #tpu.memory_space<vmem>>, vector<16xi32>,
    %dma_start3A = arith.constant 0 : i32
    %dma_start3A_708 = arith.constant 0 : i32
    %dma_start3A_709 = arith.constant 0 : i32
    %dma_start3A_710 = tpu.memref_slice %arg11[%dma_start3A_708, %dma_start3A_709] : memref<512x8xf32, #tpu.memory_space<vmem>> -> memref<128x8xf32, #tpu.memory_space<vmem>>
    %dma_start3A_711 = arith.constant 0 : i32
    %dma_start3A_712 = tpu.memref_slice %arg9[%dma_start3A, %dma_start3A_711] : memref<4x128xi32, #tpu.memory_space<vmem>> -> memref<1x128xi32, #tpu.memory_space<vmem>>
    %dma_start3A_713 = tpu.memref_squeeze %dma_start3A_712 : memref<1x128xi32, #tpu.memory_space<vmem>> -> memref<128xi32, #tpu.memory_space<vmem>>
    %dma_start3A_714 = arith.constant 0 : i32
    %dma_start3A_715 = arith.constant 0 : i32
    %dma_start3A_716 = tpu.memref_slice %arg4[%dma_start3A_714, %dma_start3A_715] : memref<12500x8xf32, #tpu.memory_space<hbm>> -> memref<12500x8xf32, #tpu.memory_space<hbm>>
    tpu.enqueue_indirect_dma source(%dma_start3A_716 : memref<12500x8xf32, #tpu.memory_space<hbm>>) target(%dma_start3A_710 : memref<128x8xf32, #tpu.memory_space<vmem>>) offsets(%dma_start3A_713 : memref<128xi32, #tpu.memory_space<vmem>>) semaphore(%arg14 : memref<!tpu.dma_semaphore, #tpu.memory_space<semaphore_mem>>)
    %dma_start3A_717 = arith.constant 0 : i32
    %dma_start3A_718 = arith.constant 0 : i32
    %dma_start3A_719 = arith.constant 0 : i32
    %dma_start3A_720 = tpu.memref_slice %arg12[%dma_start3A_718, %dma_start3A_719] : memref<512x8xf32, #tpu.memory_space<vmem>> -> memref<128x8xf32, #tpu.memory_space<vmem>>
    %dma_start3A_721 = arith.constant 0 : i32
    %dma_start3A_722 = tpu.memref_slice %arg10[%dma_start3A_717, %dma_start3A_721] : memref<4x128xi32, #tpu.memory_space<vmem>> -> memref<1x128xi32, #tpu.memory_space<vmem>>
    %dma_start3A_723 = tpu.memref_squeeze %dma_start3A_722 : memref<1x128xi32, #tpu.memory_space<vmem>> -> memref<128xi32, #tpu.memory_space<vmem>>
    %dma_start3A_724 = arith.constant 0 : i32
    %dma_start3A_725 = arith.constant 0 : i32
    %dma_start3A_726 = tpu.memref_slice %arg5[%dma_start3A_724, %dma_start3A_725] : memref<12500x8xf32, #tpu.memory_space<hbm>> -> memref<12500x8xf32, #tpu.memory_space<hbm>>
    tpu.enqueue_indirect_dma source(%dma_start3A_726 : memref<12500x8xf32, #tpu.memory_space<hbm>>) target(%dma_start3A_720 : memref<128x8xf32, #tpu.memory_space<vmem>>) offsets(%dma_start3A_723 : memref<128xi32, #tpu.memory_space<vmem>>) semaphore(%arg15 : memref<!tpu.dma_semaphore, #tpu.memory_space<semaphore_mem>>)
    %dma_start3A_727 = arith.constant 1 : i32
    %dma_start3A_728 = arith.constant 128 : i32
    %dma_start3A_729 = arith.constant 0 : i32
    %dma_start3A_730 = tpu.memref_slice %arg11[%dma_start3A_728, %dma_start3A_729] : memref<512x8xf32, #tpu.memory_space<vmem>> -> memref<128x8xf32, #tpu.memory_space<vmem>>
    %dma_start3A_731 = arith.constant 0 : i32
    %dma_start3A_732 = tpu.memref_slice %arg9[%dma_start3A_727, %dma_start3A_731] : memref<4x128xi32, #tpu.memory_space<vmem>> -> memref<1x128xi32, #tpu.memory_space<vmem>>
    %dma_start3A_733 = tpu.memref_squeeze %dma_start3A_732 : memref<1x128xi32, #tpu.memory_space<vmem>> -> memref<128xi32, #tpu.memory_space<vmem>>
    %dma_start3A_734 = arith.constant 0 : i32
    %dma_start3A_735 = arith.constant 0 : i32
    %dma_start3A_736 = tpu.memref_slice %arg4[%dma_start3A_734, %dma_start3A_735] : memref<12500x8xf32, #tpu.memory_space<hbm>> -> memref<12500x8xf32, #tpu.memory_space<hbm>>
    tpu.enqueue_indirect_dma source(%dma_start3A_736 : memref<12500x8xf32, #tpu.memory_space<hbm>>) target(%dma_start3A_730 : memref<128x8xf32, #tpu.memory_space<vmem>>) offsets(%dma_start3A_733 : memref<128xi32, #tpu.memory_space<vmem>>) semaphore(%arg14 : memref<!tpu.dma_semaphore, #tpu.memory_space<semaphore_mem>>)
    %dma_start3A_737 = arith.constant 1 : i32
    %dma_start3A_738 = arith.constant 128 : i32
    %dma_start3A_739 = arith.constant 0 : i32
    %dma_start3A_740 = tpu.memref_slice %arg12[%dma_start3A_738, %dma_start3A_739] : memref<512x8xf32, #tpu.memory_space<vmem>> -> memref<128x8xf32, #tpu.memory_space<vmem>>
    %dma_start3A_741 = arith.constant 0 : i32
    %dma_start3A_742 = tpu.memref_slice %arg10[%dma_start3A_737, %dma_start3A_741] : memref<4x128xi32, #tpu.memory_space<vmem>> -> memref<1x128xi32, #tpu.memory_space<vmem>>
    %dma_start3A_743 = tpu.memref_squeeze %dma_start3A_742 : memref<1x128xi32, #tpu.memory_space<vmem>> -> memref<128xi32, #tpu.memory_space<vmem>>
    %dma_start3A_744 = arith.constant 0 : i32
    %dma_start3A_745 = arith.constant 0 : i32
    %dma_start3A_746 = tpu.memref_slice %arg5[%dma_start3A_744, %dma_start3A_745] : memref<12500x8xf32, #tpu.memory_space<hbm>> -> memref<12500x8xf32, #tpu.memory_space<hbm>>
    tpu.enqueue_indirect_dma source(%dma_start3A_746 : memref<12500x8xf32, #tpu.memory_space<hbm>>) target(%dma_start3A_740 : memref<128x8xf32, #tpu.memory_space<vmem>>) offsets(%dma_start3A_743 : memref<128xi32, #tpu.memory_space<vmem>>) semaphore(%arg15 : memref<!tpu.dma_semaphore, #tpu.memory_space<semaphore_mem>>)
    %dma_start3A_747 = arith.constant 2 : i32
    %dma_start3A_748 = arith.constant 256 : i32
    %dma_start3A_749 = arith.constant 0 : i32
    %dma_start3A_750 = tpu.memref_slice %arg11[%dma_start3A_748, %dma_start3A_749] : memref<512x8xf32, #tpu.memory_space<vmem>> -> memref<128x8xf32, #tpu.memory_space<vmem>>
    %dma_start3A_751 = arith.constant 0 : i32
    %dma_start3A_752 = tpu.memref_slice %arg9[%dma_start3A_747, %dma_start3A_751] : memref<4x128xi32, #tpu.memory_space<vmem>> -> memref<1x128xi32, #tpu.memory_space<vmem>>
    %dma_start3A_753 = tpu.memref_squeeze %dma_start3A_752 : memref<1x128xi32, #tpu.memory_space<vmem>> -> memref<128xi32, #tpu.memory_space<vmem>>
    %dma_start3A_754 = arith.constant 0 : i32
    %dma_start3A_755 = arith.constant 0 : i32
    %dma_start3A_756 = tpu.memref_slice %arg4[%dma_start3A_754, %dma_start3A_755] : memref<12500x8xf32, #tpu.memory_space<hbm>> -> memref<12500x8xf32, #tpu.memory_space<hbm>>
    tpu.enqueue_indirect_dma source(%dma_start3A_756 : memref<12500x8xf32, #tpu.memory_space<hbm>>) target(%dma_start3A_750 : memref<128x8xf32, #tpu.memory_space<vmem>>) offsets(%dma_start3A_753 : memref<128xi32, #tpu.memory_space<vmem>>) semaphore(%arg14 : memref<!tpu.dma_semaphore, #tpu.memory_space<semaphore_mem>>)
    %dma_start3A_757 = arith.constant 2 : i32
    %dma_start3A_758 = arith.constant 256 : i32
    %dma_start3A_759 = arith.constant 0 : i32
    %dma_start3A_760 = tpu.memref_slice %arg12[%dma_start3A_758, %dma_start3A_759] : memref<512x8xf32, #tpu.memory_space<vmem>> -> memref<128x8xf32, #tpu.memory_space<vmem>>
    %dma_start3A_761 = arith.constant 0 : i32
    %dma_start3A_762 = tpu.memref_slice %arg10[%dma_start3A_757, %dma_start3A_761] : memref<4x128xi32, #tpu.memory_space<vmem>> -> memref<1x128xi32, #tpu.memory_space<vmem>>
    %dma_start3A_763 = tpu.memref_squeeze %dma_start3A_762 : memref<1x128xi32, #tpu.memory_space<vmem>> -> memref<128xi32, #tpu.memory_space<vmem>>
    %dma_start3A_764 = arith.constant 0 : i32
    %dma_start3A_765 = arith.constant 0 : i32
    %dma_start3A_766 = tpu.memref_slice %arg5[%dma_start3A_764, %dma_start3A_765] : memref<12500x8xf32, #tpu.memory_space<hbm>> -> memref<12500x8xf32, #tpu.memory_space<hbm>>
    tpu.enqueue_indirect_dma source(%dma_start3A_766 : memref<12500x8xf32, #tpu.memory_space<hbm>>) target(%dma_start3A_760 : memref<128x8xf32, #tpu.memory_space<vmem>>) offsets(%dma_start3A_763 : memref<128xi32, #tpu.memory_space<vmem>>) semaphore(%arg15 : memref<!tpu.dma_semaphore, #tpu.memory_space<semaphore_mem>>)
    %dma_start3A_767 = arith.constant 3 : i32
    %dma_start3A_768 = arith.constant 384 : i32
    %dma_start3A_769 = arith.constant 0 : i32
    %dma_start3A_770 = tpu.memref_slice %arg11[%dma_start3A_768, %dma_start3A_769] : memref<512x8xf32, #tpu.memory_space<vmem>> -> memref<128x8xf32, #tpu.memory_space<vmem>>
    %dma_start3A_771 = arith.constant 0 : i32
    %dma_start3A_772 = tpu.memref_slice %arg9[%dma_start3A_767, %dma_start3A_771] : memref<4x128xi32, #tpu.memory_space<vmem>> -> memref<1x128xi32, #tpu.memory_space<vmem>>
    %dma_start3A_773 = tpu.memref_squeeze %dma_start3A_772 : memref<1x128xi32, #tpu.memory_space<vmem>> -> memref<128xi32, #tpu.memory_space<vmem>>
    %dma_start3A_774 = arith.constant 0 : i32
    %dma_start3A_775 = arith.constant 0 : i32
    %dma_start3A_776 = tpu.memref_slice %arg4[%dma_start3A_774, %dma_start3A_775] : memref<12500x8xf32, #tpu.memory_space<hbm>> -> memref<12500x8xf32, #tpu.memory_space<hbm>>
    tpu.enqueue_indirect_dma source(%dma_start3A_776 : memref<12500x8xf32, #tpu.memory_space<hbm>>) target(%dma_start3A_770 : memref<128x8xf32, #tpu.memory_space<vmem>>) offsets(%dma_start3A_773 : memref<128xi32, #tpu.memory_space<vmem>>) semaphore(%arg14 : memref<!tpu.dma_semaphore, #tpu.memory_space<semaphore_mem>>)
    %dma_start3A_777 = arith.constant 3 : i32
    %dma_start3A_778 = arith.constant 384 : i32
    %dma_start3A_779 = arith.constant 0 : i32
    %dma_start3A_780 = tpu.memref_slice %arg12[%dma_start3A_778, %dma_start3A_779] : memref<512x8xf32, #tpu.memory_space<vmem>> -> memref<128x8xf32, #tpu.memory_space<vmem>>
    %dma_start3A_781 = arith.constant 0 : i32
    %dma_start3A_782 = tpu.memref_slice %arg10[%dma_start3A_777, %dma_start3A_781] : memref<4x128xi32, #tpu.memory_space<vmem>> -> memref<1x128xi32, #tpu.memory_space<vmem>>
    %dma_start3A_783 = tpu.memref_squeeze %dma_start3A_782 : memref<1x128xi32, #tpu.memory_space<vmem>> -> memref<128xi32, #tpu.memory_space<vmem>>
    %dma_start3A_784 = arith.constant 0 : i32
    %dma_start3A_785 = arith.constant 0 : i32
    %dma_start3A_786 = tpu.memref_slice %arg5[%dma_start3A_784, %dma_start3A_785] : memref<12500x8xf32, #tpu.memory_space<hbm>> -> memref<12500x8xf32, #tpu.memory_space<hbm>>
    tpu.enqueue_indirect_dma source(%dma_start3A_786 : memref<12500x8xf32, #tpu.memory_space<hbm>>) target(%dma_start3A_780 : memref<128x8xf32, #tpu.memory_space<vmem>>) offsets(%dma_start3A_783 : memref<128xi32, #tpu.memory_space<vmem>>) semaphore(%arg15 : memref<!tpu.dma_semaphore, #tpu.memory_space<semaphore_mem>>)
    %dma_wait3A = arith.constant 0 : i32
    %dma_wait3A_787 = arith.constant 0 : i32
    %dma_wait3A_788 = arith.constant 0 : i32
    %dma_wait3A_789 = tpu.memref_slice %arg11[%dma_wait3A_787, %dma_wait3A_788] : memref<512x8xf32, #tpu.memory_space<vmem>> -> memref<128x8xf32, #tpu.memory_space<vmem>>
    %dma_wait3A_790 = arith.constant 0 : i32
    %dma_wait3A_791 = tpu.memref_slice %arg9[%dma_wait3A, %dma_wait3A_790] : memref<4x128xi32, #tpu.memory_space<vmem>> -> memref<1x128xi32, #tpu.memory_space<vmem>>
    %dma_wait3A_792 = tpu.memref_squeeze %dma_wait3A_791 : memref<1x128xi32, #tpu.memory_space<vmem>> -> memref<128xi32, #tpu.memory_space<vmem>>
    %dma_wait3A_793 = arith.constant 0 : i32
    %dma_wait3A_794 = arith.constant 0 : i32
    %dma_wait3A_795 = tpu.memref_slice %arg4[%dma_wait3A_793, %dma_wait3A_794] : memref<12500x8xf32, #tpu.memory_space<hbm>> -> memref<12500x8xf32, #tpu.memory_space<hbm>>
    tpu.wait_indirect_dma semaphore(%arg14 : memref<!tpu.dma_semaphore, #tpu.memory_space<semaphore_mem>>) src(%dma_wait3A_795 : memref<12500x8xf32, #tpu.memory_space<hbm>>) dst(%dma_wait3A_789 : memref<128x8xf32, #tpu.memory_space<vmem>>)
    %dma_wait3A_796 = arith.constant 0 : i32
    %dma_wait3A_797 = arith.constant 0 : i32
    %dma_wait3A_798 = arith.constant 0 : i32
    %dma_wait3A_799 = tpu.memref_slice %arg12[%dma_wait3A_797, %dma_wait3A_798] : memref<512x8xf32, #tpu.memory_space<vmem>> -> memref<128x8xf32, #tpu.memory_space<vmem>>
    %dma_wait3A_800 = arith.constant 0 : i32
    %dma_wait3A_801 = tpu.memref_slice %arg10[%dma_wait3A_796, %dma_wait3A_800] : memref<4x128xi32, #tpu.memory_space<vmem>> -> memref<1x128xi32, #tpu.memory_space<vmem>>
    %dma_wait3A_802 = tpu.memref_squeeze %dma_wait3A_801 : memref<1x128xi32, #tpu.memory_space<vmem>> -> memref<128xi32, #tpu.memory_space<vmem>>
    %dma_wait3A_803 = arith.constant 0 : i32
    %dma_wait3A_804 = arith.constant 0 : i32
    %dma_wait3A_805 = tpu.memref_slice %arg5[%dma_wait3A_803, %dma_wait3A_804] : memref<12500x8xf32, #tpu.memory_space<hbm>> -> memref<12500x8xf32, #tpu.memory_space<hbm>>
    tpu.wait_indirect_dma semaphore(%arg15 : memref<!tpu.dma_semaphore, #tpu.memory_space<semaphore_mem>>) src(%dma_wait3A_805 : memref<12500x8xf32, #tpu.memory_space<hbm>>) dst(%dma_wait3A_799 : memref<128x8xf32, #tpu.memory_space<vmem>>)
    %dma_wait3A_806 = arith.constant 1 : i32
    %dma_wait3A_807 = arith.constant 128 : i32
    %dma_wait3A_808 = arith.constant 0 : i32
    %dma_wait3A_809 = tpu.memref_slice %arg11[%dma_wait3A_807, %dma_wait3A_808] : memref<512x8xf32, #tpu.memory_space<vmem>> -> memref<128x8xf32, #tpu.memory_space<vmem>>
    %dma_wait3A_810 = arith.constant 0 : i32
    %dma_wait3A_811 = tpu.memref_slice %arg9[%dma_wait3A_806, %dma_wait3A_810] : memref<4x128xi32, #tpu.memory_space<vmem>> -> memref<1x128xi32, #tpu.memory_space<vmem>>
    %dma_wait3A_812 = tpu.memref_squeeze %dma_wait3A_811 : memref<1x128xi32, #tpu.memory_space<vmem>> -> memref<128xi32, #tpu.memory_space<vmem>>
    %dma_wait3A_813 = arith.constant 0 : i32
    %dma_wait3A_814 = arith.constant 0 : i32
    %dma_wait3A_815 = tpu.memref_slice %arg4[%dma_wait3A_813, %dma_wait3A_814] : memref<12500x8xf32, #tpu.memory_space<hbm>> -> memref<12500x8xf32, #tpu.memory_space<hbm>>
    tpu.wait_indirect_dma semaphore(%arg14 : memref<!tpu.dma_semaphore, #tpu.memory_space<semaphore_mem>>) src(%dma_wait3A_815 : memref<12500x8xf32, #tpu.memory_space<hbm>>) dst(%dma_wait3A_809 : memref<128x8xf32, #tpu.memory_space<vmem>>)
    %dma_wait3A_816 = arith.constant 1 : i32
    %dma_wait3A_817 = arith.constant 128 : i32
    %dma_wait3A_818 = arith.constant 0 : i32
    %dma_wait3A_819 = tpu.memref_slice %arg12[%dma_wait3A_817, %dma_wait3A_818] : memref<512x8xf32, #tpu.memory_space<vmem>> -> memref<128x8xf32, #tpu.memory_space<vmem>>
    %dma_wait3A_820 = arith.constant 0 : i32
    %dma_wait3A_821 = tpu.memref_slice %arg10[%dma_wait3A_816, %dma_wait3A_820] : memref<4x128xi32, #tpu.memory_space<vmem>> -> memref<1x128xi32, #tpu.memory_space<vmem>>
    %dma_wait3A_822 = tpu.memref_squeeze %dma_wait3A_821 : memref<1x128xi32, #tpu.memory_space<vmem>> -> memref<128xi32, #tpu.memory_space<vmem>>
    %dma_wait3A_823 = arith.constant 0 : i32
    %dma_wait3A_824 = arith.constant 0 : i32
    %dma_wait3A_825 = tpu.memref_slice %arg5[%dma_wait3A_823, %dma_wait3A_824] : memref<12500x8xf32, #tpu.memory_space<hbm>> -> memref<12500x8xf32, #tpu.memory_space<hbm>>
    tpu.wait_indirect_dma semaphore(%arg15 : memref<!tpu.dma_semaphore, #tpu.memory_space<semaphore_mem>>) src(%dma_wait3A_825 : memref<12500x8xf32, #tpu.memory_space<hbm>>) dst(%dma_wait3A_819 : memref<128x8xf32, #tpu.memory_space<vmem>>)
    %dma_wait3A_826 = arith.constant 2 : i32
    %dma_wait3A_827 = arith.constant 256 : i32
    %dma_wait3A_828 = arith.constant 0 : i32
    %dma_wait3A_829 = tpu.memref_slice %arg11[%dma_wait3A_827, %dma_wait3A_828] : memref<512x8xf32, #tpu.memory_space<vmem>> -> memref<128x8xf32, #tpu.memory_space<vmem>>
    %dma_wait3A_830 = arith.constant 0 : i32
    %dma_wait3A_831 = tpu.memref_slice %arg9[%dma_wait3A_826, %dma_wait3A_830] : memref<4x128xi32, #tpu.memory_space<vmem>> -> memref<1x128xi32, #tpu.memory_space<vmem>>
    %dma_wait3A_832 = tpu.memref_squeeze %dma_wait3A_831 : memref<1x128xi32, #tpu.memory_space<vmem>> -> memref<128xi32, #tpu.memory_space<vmem>>
    %dma_wait3A_833 = arith.constant 0 : i32
    %dma_wait3A_834 = arith.constant 0 : i32
    %dma_wait3A_835 = tpu.memref_slice %arg4[%dma_wait3A_833, %dma_wait3A_834] : memref<12500x8xf32, #tpu.memory_space<hbm>> -> memref<12500x8xf32, #tpu.memory_space<hbm>>
    tpu.wait_indirect_dma semaphore(%arg14 : memref<!tpu.dma_semaphore, #tpu.memory_space<semaphore_mem>>) src(%dma_wait3A_835 : memref<12500x8xf32, #tpu.memory_space<hbm>>) dst(%dma_wait3A_829 : memref<128x8xf32, #tpu.memory_space<vmem>>)
    %dma_wait3A_836 = arith.constant 2 : i32
    %dma_wait3A_837 = arith.constant 256 : i32
    %dma_wait3A_838 = arith.constant 0 : i32
    %dma_wait3A_839 = tpu.memref_slice %arg12[%dma_wait3A_837, %dma_wait3A_838] : memref<512x8xf32, #tpu.memory_space<vmem>> -> memref<128x8xf32, #tpu.memory_space<vmem>>
    %dma_wait3A_840 = arith.constant 0 : i32
    %dma_wait3A_841 = tpu.memref_slice %arg10[%dma_wait3A_836, %dma_wait3A_840] : memref<4x128xi32, #tpu.memory_space<vmem>> -> memref<1x128xi32, #tpu.memory_space<vmem>>
    %dma_wait3A_842 = tpu.memref_squeeze %dma_wait3A_841 : memref<1x128xi32, #tpu.memory_space<vmem>> -> memref<128xi32, #tpu.memory_space<vmem>>
    %dma_wait3A_843 = arith.constant 0 : i32
    %dma_wait3A_844 = arith.constant 0 : i32
    %dma_wait3A_845 = tpu.memref_slice %arg5[%dma_wait3A_843, %dma_wait3A_844] : memref<12500x8xf32, #tpu.memory_space<hbm>> -> memref<12500x8xf32, #tpu.memory_space<hbm>>
    tpu.wait_indirect_dma semaphore(%arg15 : memref<!tpu.dma_semaphore, #tpu.memory_space<semaphore_mem>>) src(%dma_wait3A_845 : memref<12500x8xf32, #tpu.memory_space<hbm>>) dst(%dma_wait3A_839 : memref<128x8xf32, #tpu.memory_space<vmem>>)
    %dma_wait3A_846 = arith.constant 3 : i32
    %dma_wait3A_847 = arith.constant 384 : i32
    %dma_wait3A_848 = arith.constant 0 : i32
    %dma_wait3A_849 = tpu.memref_slice %arg11[%dma_wait3A_847, %dma_wait3A_848] : memref<512x8xf32, #tpu.memory_space<vmem>> -> memref<128x8xf32, #tpu.memory_space<vmem>>
    %dma_wait3A_850 = arith.constant 0 : i32
    %dma_wait3A_851 = tpu.memref_slice %arg9[%dma_wait3A_846, %dma_wait3A_850] : memref<4x128xi32, #tpu.memory_space<vmem>> -> memref<1x128xi32, #tpu.memory_space<vmem>>
    %dma_wait3A_852 = tpu.memref_squeeze %dma_wait3A_851 : memref<1x128xi32, #tpu.memory_space<vmem>> -> memref<128xi32, #tpu.memory_space<vmem>>
    %dma_wait3A_853 = arith.constant 0 : i32
    %dma_wait3A_854 = arith.constant 0 : i32
    %dma_wait3A_855 = tpu.memref_slice %arg4[%dma_wait3A_853, %dma_wait3A_854] : memref<12500x8xf32, #tpu.memory_space<hbm>> -> memref<12500x8xf32, #tpu.memory_space<hbm>>
    tpu.wait_indirect_dma semaphore(%arg14 : memref<!tpu.dma_semaphore, #tpu.memory_space<semaphore_mem>>) src(%dma_wait3A_855 : memref<12500x8xf32, #tpu.memory_space<hbm>>) dst(%dma_wait3A_849 : memref<128x8xf32, #tpu.memory_space<vmem>>)
    %dma_wait3A_856 = arith.constant 3 : i32
    %dma_wait3A_857 = arith.constant 384 : i32
    %dma_wait3A_858 = arith.constant 0 : i32
    %dma_wait3A_859 = tpu.memref_slice %arg12[%dma_wait3A_857, %dma_wait3A_858] : memref<512x8xf32, #tpu.memory_space<vmem>> -> memref<128x8xf32, #tpu.memory_space<vmem>>
    %dma_wait3A_860 = arith.constant 0 : i32
    %dma_wait3A_861 = tpu.memref_slice %arg10[%dma_wait3A_856, %dma_wait3A_860] : memref<4x128xi32, #tpu.memory_space<vmem>> -> memref<1x128xi32, #tpu.memory_space<vmem>>
    %dma_wait3A_862 = tpu.memref_squeeze %dma_wait3A_861 : memref<1x128xi32, #tpu.memory_space<vmem>> -> memref<128xi32, #tpu.memory_space<vmem>>
    %dma_wait3A_863 = arith.constant 0 : i32
    %dma_wait3A_864 = arith.constant 0 : i32
    %dma_wait3A_865 = tpu.memref_slice %arg5[%dma_wait3A_863, %dma_wait3A_864] : memref<12500x8xf32, #tpu.memory_space<hbm>> -> memref<12500x8xf32, #tpu.memory_space<hbm>>
    tpu.wait_indirect_dma semaphore(%arg15 : memref<!tpu.dma_semaphore, #tpu.memory_space<semaphore_mem>>) src(%dma_wait3A_865 : memref<12500x8xf32, #tpu.memory_space<hbm>>) dst(%dma_wait3A_859 : memref<128x8xf32, #tpu.memory_space<vmem>>)
    %iota3A = tpu.iota {dimensions = array<i32: 0>} : vector<16xi32>
    %add3A_866 = arith.constant 0 : i32
    %add3A_867 = vector.broadcast %add3A_866 : i32 to vector<16xi32>
    %add3A_868 = arith.addi %iota3A, %add3A_867 : vector<16xi32>
    %get3A_869 = arith.constant 0 : i32
    %get3A_870 = arith.index_cast %get3A_869 : i32 to index
    %get3A_871 = arith.constant 0 : index
    %get3A_872 = tpu.vector_load %arg7[%get3A_870, %get3A_871] {strides = array<i32>} : memref<4x128xi32, #tpu.memory_space<vmem>>, vector<16xi32>,
    %get3A_873 = arith.constant 0 : i32
    %get3A_874 = arith.index_cast %get3A_873 : i32 to index
    %get3A_875 = arith.constant 0 : index
    %get3A_876 = tpu.vector_load %arg8[%get3A_874, %get3A_875] {strides = array<i32>} : memref<4x128xi32, #tpu.memory_space<vmem>>, vector<16xi32>,
    %and3A = arith.constant 7 : i32
    %and3A_877 = vector.broadcast %and3A : i32 to vector<16xi32>
    %and3A_878 = arith.andi %get3A_872, %and3A_877 : vector<16xi32>
    %gather3A = tpu.vector_load_idx %arg11[%add3A_868, %and3A_878] : memref<512x8xf32, #tpu.memory_space<vmem>>[vector<16xi32>, vector<16xi32>], vector<16xf32>,
    %and3A_879 = arith.constant 7 : i32
    %and3A_880 = vector.broadcast %and3A_879 : i32 to vector<16xi32>
    %and3A_881 = arith.andi %get3A_876, %and3A_880 : vector<16xi32>
    %gather3A_882 = tpu.vector_load_idx %arg12[%add3A_868, %and3A_881] : memref<512x8xf32, #tpu.memory_space<vmem>>[vector<16xi32>, vector<16xi32>], vector<16xf32>,
    %broadcast_in_dim3A = arith.constant 0 : i32
    %broadcast_in_dim3A_883 = vector.broadcast %broadcast_in_dim3A : i32 to vector<16xi32>
    tpu.vector_store_idx %arg13[%add3A_868, %broadcast_in_dim3A_883], %gather3A : memref<512x8xf32, #tpu.memory_space<vmem>>[vector<16xi32>, vector<16xi32>], vector<16xf32>,
    %broadcast_in_dim3A_884 = arith.constant 1 : i32
    %broadcast_in_dim3A_885 = vector.broadcast %broadcast_in_dim3A_884 : i32 to vector<16xi32>
    tpu.vector_store_idx %arg13[%add3A_868, %broadcast_in_dim3A_885], %gather3A_882 : memref<512x8xf32, #tpu.memory_space<vmem>>[vector<16xi32>, vector<16xi32>], vector<16xf32>,
    %iota3A_886 = tpu.iota {dimensions = array<i32: 0>} : vector<16xi32>
    %add3A_887 = arith.constant 16 : i32
    %add3A_888 = vector.broadcast %add3A_887 : i32 to vector<16xi32>
    %add3A_889 = arith.addi %iota3A_886, %add3A_888 : vector<16xi32>
    %get3A_890 = arith.constant 0 : i32
    %get3A_891 = arith.index_cast %get3A_890 : i32 to index
    %get3A_892 = arith.constant 16 : index
    %get3A_893 = tpu.vector_load %arg7[%get3A_891, %get3A_892] {strides = array<i32>} : memref<4x128xi32, #tpu.memory_space<vmem>>, vector<16xi32>,
    %get3A_894 = arith.constant 0 : i32
    %get3A_895 = arith.index_cast %get3A_894 : i32 to index
    %get3A_896 = arith.constant 16 : index
    %get3A_897 = tpu.vector_load %arg8[%get3A_895, %get3A_896] {strides = array<i32>} : memref<4x128xi32, #tpu.memory_space<vmem>>, vector<16xi32>,
    %and3A_898 = arith.constant 7 : i32
    %and3A_899 = vector.broadcast %and3A_898 : i32 to vector<16xi32>
    %and3A_900 = arith.andi %get3A_893, %and3A_899 : vector<16xi32>
    %gather3A_901 = tpu.vector_load_idx %arg11[%add3A_889, %and3A_900] : memref<512x8xf32, #tpu.memory_space<vmem>>[vector<16xi32>, vector<16xi32>], vector<16xf32>,
    %and3A_902 = arith.constant 7 : i32
    %and3A_903 = vector.broadcast %and3A_902 : i32 to vector<16xi32>
    %and3A_904 = arith.andi %get3A_897, %and3A_903 : vector<16xi32>
    %gather3A_905 = tpu.vector_load_idx %arg12[%add3A_889, %and3A_904] : memref<512x8xf32, #tpu.memory_space<vmem>>[vector<16xi32>, vector<16xi32>], vector<16xf32>,
    %broadcast_in_dim3A_906 = arith.constant 0 : i32
    %broadcast_in_dim3A_907 = vector.broadcast %broadcast_in_dim3A_906 : i32 to vector<16xi32>
    tpu.vector_store_idx %arg13[%add3A_889, %broadcast_in_dim3A_907], %gather3A_901 : memref<512x8xf32, #tpu.memory_space<vmem>>[vector<16xi32>, vector<16xi32>], vector<16xf32>,
    %broadcast_in_dim3A_908 = arith.constant 1 : i32
    %broadcast_in_dim3A_909 = vector.broadcast %broadcast_in_dim3A_908 : i32 to vector<16xi32>
    tpu.vector_store_idx %arg13[%add3A_889, %broadcast_in_dim3A_909], %gather3A_905 : memref<512x8xf32, #tpu.memory_space<vmem>>[vector<16xi32>, vector<16xi32>], vector<16xf32>,
    %iota3A_910 = tpu.iota {dimensions = array<i32: 0>} : vector<16xi32>
    %add3A_911 = arith.constant 32 : i32
    %add3A_912 = vector.broadcast %add3A_911 : i32 to vector<16xi32>
    %add3A_913 = arith.addi %iota3A_910, %add3A_912 : vector<16xi32>
    %get3A_914 = arith.constant 0 : i32
    %get3A_915 = arith.index_cast %get3A_914 : i32 to index
    %get3A_916 = arith.constant 32 : index
    %get3A_917 = tpu.vector_load %arg7[%get3A_915, %get3A_916] {strides = array<i32>} : memref<4x128xi32, #tpu.memory_space<vmem>>, vector<16xi32>,
    %get3A_918 = arith.constant 0 : i32
    %get3A_919 = arith.index_cast %get3A_918 : i32 to index
    %get3A_920 = arith.constant 32 : index
    %get3A_921 = tpu.vector_load %arg8[%get3A_919, %get3A_920] {strides = array<i32>} : memref<4x128xi32, #tpu.memory_space<vmem>>, vector<16xi32>,
    %and3A_922 = arith.constant 7 : i32
    %and3A_923 = vector.broadcast %and3A_922 : i32 to vector<16xi32>
    %and3A_924 = arith.andi %get3A_917, %and3A_923 : vector<16xi32>
    %gather3A_925 = tpu.vector_load_idx %arg11[%add3A_913, %and3A_924] : memref<512x8xf32, #tpu.memory_space<vmem>>[vector<16xi32>, vector<16xi32>], vector<16xf32>,
    %and3A_926 = arith.constant 7 : i32
    %and3A_927 = vector.broadcast %and3A_926 : i32 to vector<16xi32>
    %and3A_928 = arith.andi %get3A_921, %and3A_927 : vector<16xi32>
    %gather3A_929 = tpu.vector_load_idx %arg12[%add3A_913, %and3A_928] : memref<512x8xf32, #tpu.memory_space<vmem>>[vector<16xi32>, vector<16xi32>], vector<16xf32>,
    %broadcast_in_dim3A_930 = arith.constant 0 : i32
    %broadcast_in_dim3A_931 = vector.broadcast %broadcast_in_dim3A_930 : i32 to vector<16xi32>
    tpu.vector_store_idx %arg13[%add3A_913, %broadcast_in_dim3A_931], %gather3A_925 : memref<512x8xf32, #tpu.memory_space<vmem>>[vector<16xi32>, vector<16xi32>], vector<16xf32>,
    %broadcast_in_dim3A_932 = arith.constant 1 : i32
    %broadcast_in_dim3A_933 = vector.broadcast %broadcast_in_dim3A_932 : i32 to vector<16xi32>
    tpu.vector_store_idx %arg13[%add3A_913, %broadcast_in_dim3A_933], %gather3A_929 : memref<512x8xf32, #tpu.memory_space<vmem>>[vector<16xi32>, vector<16xi32>], vector<16xf32>,
    %iota3A_934 = tpu.iota {dimensions = array<i32: 0>} : vector<16xi32>
    %add3A_935 = arith.constant 48 : i32
    %add3A_936 = vector.broadcast %add3A_935 : i32 to vector<16xi32>
    %add3A_937 = arith.addi %iota3A_934, %add3A_936 : vector<16xi32>
    %get3A_938 = arith.constant 0 : i32
    %get3A_939 = arith.index_cast %get3A_938 : i32 to index
    %get3A_940 = arith.constant 48 : index
    %get3A_941 = tpu.vector_load %arg7[%get3A_939, %get3A_940] {strides = array<i32>} : memref<4x128xi32, #tpu.memory_space<vmem>>, vector<16xi32>,
    %get3A_942 = arith.constant 0 : i32
    %get3A_943 = arith.index_cast %get3A_942 : i32 to index
    %get3A_944 = arith.constant 48 : index
    %get3A_945 = tpu.vector_load %arg8[%get3A_943, %get3A_944] {strides = array<i32>} : memref<4x128xi32, #tpu.memory_space<vmem>>, vector<16xi32>,
    %and3A_946 = arith.constant 7 : i32
    %and3A_947 = vector.broadcast %and3A_946 : i32 to vector<16xi32>
    %and3A_948 = arith.andi %get3A_941, %and3A_947 : vector<16xi32>
    %gather3A_949 = tpu.vector_load_idx %arg11[%add3A_937, %and3A_948] : memref<512x8xf32, #tpu.memory_space<vmem>>[vector<16xi32>, vector<16xi32>], vector<16xf32>,
    %and3A_950 = arith.constant 7 : i32
    %and3A_951 = vector.broadcast %and3A_950 : i32 to vector<16xi32>
    %and3A_952 = arith.andi %get3A_945, %and3A_951 : vector<16xi32>
    %gather3A_953 = tpu.vector_load_idx %arg12[%add3A_937, %and3A_952] : memref<512x8xf32, #tpu.memory_space<vmem>>[vector<16xi32>, vector<16xi32>], vector<16xf32>,
    %broadcast_in_dim3A_954 = arith.constant 0 : i32
    %broadcast_in_dim3A_955 = vector.broadcast %broadcast_in_dim3A_954 : i32 to vector<16xi32>
    tpu.vector_store_idx %arg13[%add3A_937, %broadcast_in_dim3A_955], %gather3A_949 : memref<512x8xf32, #tpu.memory_space<vmem>>[vector<16xi32>, vector<16xi32>], vector<16xf32>,
    %broadcast_in_dim3A_956 = arith.constant 1 : i32
    %broadcast_in_dim3A_957 = vector.broadcast %broadcast_in_dim3A_956 : i32 to vector<16xi32>
    tpu.vector_store_idx %arg13[%add3A_937, %broadcast_in_dim3A_957], %gather3A_953 : memref<512x8xf32, #tpu.memory_space<vmem>>[vector<16xi32>, vector<16xi32>], vector<16xf32>,
    %iota3A_958 = tpu.iota {dimensions = array<i32: 0>} : vector<16xi32>
    %add3A_959 = arith.constant 64 : i32
    %add3A_960 = vector.broadcast %add3A_959 : i32 to vector<16xi32>
    %add3A_961 = arith.addi %iota3A_958, %add3A_960 : vector<16xi32>
    %get3A_962 = arith.constant 0 : i32
    %get3A_963 = arith.index_cast %get3A_962 : i32 to index
    %get3A_964 = arith.constant 64 : index
    %get3A_965 = tpu.vector_load %arg7[%get3A_963, %get3A_964] {strides = array<i32>} : memref<4x128xi32, #tpu.memory_space<vmem>>, vector<16xi32>,
    %get3A_966 = arith.constant 0 : i32
    %get3A_967 = arith.index_cast %get3A_966 : i32 to index
    %get3A_968 = arith.constant 64 : index
    %get3A_969 = tpu.vector_load %arg8[%get3A_967, %get3A_968] {strides = array<i32>} : memref<4x128xi32, #tpu.memory_space<vmem>>, vector<16xi32>,
    %and3A_970 = arith.constant 7 : i32
    %and3A_971 = vector.broadcast %and3A_970 : i32 to vector<16xi32>
    %and3A_972 = arith.andi %get3A_965, %and3A_971 : vector<16xi32>
    %gather3A_973 = tpu.vector_load_idx %arg11[%add3A_961, %and3A_972] : memref<512x8xf32, #tpu.memory_space<vmem>>[vector<16xi32>, vector<16xi32>], vector<16xf32>,
    %and3A_974 = arith.constant 7 : i32
    %and3A_975 = vector.broadcast %and3A_974 : i32 to vector<16xi32>
    %and3A_976 = arith.andi %get3A_969, %and3A_975 : vector<16xi32>
    %gather3A_977 = tpu.vector_load_idx %arg12[%add3A_961, %and3A_976] : memref<512x8xf32, #tpu.memory_space<vmem>>[vector<16xi32>, vector<16xi32>], vector<16xf32>,
    %broadcast_in_dim3A_978 = arith.constant 0 : i32
    %broadcast_in_dim3A_979 = vector.broadcast %broadcast_in_dim3A_978 : i32 to vector<16xi32>
    tpu.vector_store_idx %arg13[%add3A_961, %broadcast_in_dim3A_979], %gather3A_973 : memref<512x8xf32, #tpu.memory_space<vmem>>[vector<16xi32>, vector<16xi32>], vector<16xf32>,
    %broadcast_in_dim3A_980 = arith.constant 1 : i32
    %broadcast_in_dim3A_981 = vector.broadcast %broadcast_in_dim3A_980 : i32 to vector<16xi32>
    tpu.vector_store_idx %arg13[%add3A_961, %broadcast_in_dim3A_981], %gather3A_977 : memref<512x8xf32, #tpu.memory_space<vmem>>[vector<16xi32>, vector<16xi32>], vector<16xf32>,
    %iota3A_982 = tpu.iota {dimensions = array<i32: 0>} : vector<16xi32>
    %add3A_983 = arith.constant 80 : i32
    %add3A_984 = vector.broadcast %add3A_983 : i32 to vector<16xi32>
    %add3A_985 = arith.addi %iota3A_982, %add3A_984 : vector<16xi32>
    %get3A_986 = arith.constant 0 : i32
    %get3A_987 = arith.index_cast %get3A_986 : i32 to index
    %get3A_988 = arith.constant 80 : index
    %get3A_989 = tpu.vector_load %arg7[%get3A_987, %get3A_988] {strides = array<i32>} : memref<4x128xi32, #tpu.memory_space<vmem>>, vector<16xi32>,
    %get3A_990 = arith.constant 0 : i32
    %get3A_991 = arith.index_cast %get3A_990 : i32 to index
    %get3A_992 = arith.constant 80 : index
    %get3A_993 = tpu.vector_load %arg8[%get3A_991, %get3A_992] {strides = array<i32>} : memref<4x128xi32, #tpu.memory_space<vmem>>, vector<16xi32>,
    %and3A_994 = arith.constant 7 : i32
    %and3A_995 = vector.broadcast %and3A_994 : i32 to vector<16xi32>
    %and3A_996 = arith.andi %get3A_989, %and3A_995 : vector<16xi32>
    %gather3A_997 = tpu.vector_load_idx %arg11[%add3A_985, %and3A_996] : memref<512x8xf32, #tpu.memory_space<vmem>>[vector<16xi32>, vector<16xi32>], vector<16xf32>,
    %and3A_998 = arith.constant 7 : i32
    %and3A_999 = vector.broadcast %and3A_998 : i32 to vector<16xi32>
    %and3A_1000 = arith.andi %get3A_993, %and3A_999 : vector<16xi32>
    %gather3A_1001 = tpu.vector_load_idx %arg12[%add3A_985, %and3A_1000] : memref<512x8xf32, #tpu.memory_space<vmem>>[vector<16xi32>, vector<16xi32>], vector<16xf32>,
    %broadcast_in_dim3A_1002 = arith.constant 0 : i32
    %broadcast_in_dim3A_1003 = vector.broadcast %broadcast_in_dim3A_1002 : i32 to vector<16xi32>
    tpu.vector_store_idx %arg13[%add3A_985, %broadcast_in_dim3A_1003], %gather3A_997 : memref<512x8xf32, #tpu.memory_space<vmem>>[vector<16xi32>, vector<16xi32>], vector<16xf32>,
    %broadcast_in_dim3A_1004 = arith.constant 1 : i32
    %broadcast_in_dim3A_1005 = vector.broadcast %broadcast_in_dim3A_1004 : i32 to vector<16xi32>
    tpu.vector_store_idx %arg13[%add3A_985, %broadcast_in_dim3A_1005], %gather3A_1001 : memref<512x8xf32, #tpu.memory_space<vmem>>[vector<16xi32>, vector<16xi32>], vector<16xf32>,
    %iota3A_1006 = tpu.iota {dimensions = array<i32: 0>} : vector<16xi32>
    %add3A_1007 = arith.constant 96 : i32
    %add3A_1008 = vector.broadcast %add3A_1007 : i32 to vector<16xi32>
    %add3A_1009 = arith.addi %iota3A_1006, %add3A_1008 : vector<16xi32>
    %get3A_1010 = arith.constant 0 : i32
    %get3A_1011 = arith.index_cast %get3A_1010 : i32 to index
    %get3A_1012 = arith.constant 96 : index
    %get3A_1013 = tpu.vector_load %arg7[%get3A_1011, %get3A_1012] {strides = array<i32>} : memref<4x128xi32, #tpu.memory_space<vmem>>, vector<16xi32>,
    %get3A_1014 = arith.constant 0 : i32
    %get3A_1015 = arith.index_cast %get3A_1014 : i32 to index
    %get3A_1016 = arith.constant 96 : index
    %get3A_1017 = tpu.vector_load %arg8[%get3A_1015, %get3A_1016] {strides = array<i32>} : memref<4x128xi32, #tpu.memory_space<vmem>>, vector<16xi32>,
    %and3A_1018 = arith.constant 7 : i32
    %and3A_1019 = vector.broadcast %and3A_1018 : i32 to vector<16xi32>
    %and3A_1020 = arith.andi %get3A_1013, %and3A_1019 : vector<16xi32>
    %gather3A_1021 = tpu.vector_load_idx %arg11[%add3A_1009, %and3A_1020] : memref<512x8xf32, #tpu.memory_space<vmem>>[vector<16xi32>, vector<16xi32>], vector<16xf32>,
    %and3A_1022 = arith.constant 7 : i32
    %and3A_1023 = vector.broadcast %and3A_1022 : i32 to vector<16xi32>
    %and3A_1024 = arith.andi %get3A_1017, %and3A_1023 : vector<16xi32>
    %gather3A_1025 = tpu.vector_load_idx %arg12[%add3A_1009, %and3A_1024] : memref<512x8xf32, #tpu.memory_space<vmem>>[vector<16xi32>, vector<16xi32>], vector<16xf32>,
    %broadcast_in_dim3A_1026 = arith.constant 0 : i32
    %broadcast_in_dim3A_1027 = vector.broadcast %broadcast_in_dim3A_1026 : i32 to vector<16xi32>
    tpu.vector_store_idx %arg13[%add3A_1009, %broadcast_in_dim3A_1027], %gather3A_1021 : memref<512x8xf32, #tpu.memory_space<vmem>>[vector<16xi32>, vector<16xi32>], vector<16xf32>,
    %broadcast_in_dim3A_1028 = arith.constant 1 : i32
    %broadcast_in_dim3A_1029 = vector.broadcast %broadcast_in_dim3A_1028 : i32 to vector<16xi32>
    tpu.vector_store_idx %arg13[%add3A_1009, %broadcast_in_dim3A_1029], %gather3A_1025 : memref<512x8xf32, #tpu.memory_space<vmem>>[vector<16xi32>, vector<16xi32>], vector<16xf32>,
    %iota3A_1030 = tpu.iota {dimensions = array<i32: 0>} : vector<16xi32>
    %add3A_1031 = arith.constant 112 : i32
    %add3A_1032 = vector.broadcast %add3A_1031 : i32 to vector<16xi32>
    %add3A_1033 = arith.addi %iota3A_1030, %add3A_1032 : vector<16xi32>
    %get3A_1034 = arith.constant 0 : i32
    %get3A_1035 = arith.index_cast %get3A_1034 : i32 to index
    %get3A_1036 = arith.constant 112 : index
    %get3A_1037 = tpu.vector_load %arg7[%get3A_1035, %get3A_1036] {strides = array<i32>} : memref<4x128xi32, #tpu.memory_space<vmem>>, vector<16xi32>,
    %get3A_1038 = arith.constant 0 : i32
    %get3A_1039 = arith.index_cast %get3A_1038 : i32 to index
    %get3A_1040 = arith.constant 112 : index
    %get3A_1041 = tpu.vector_load %arg8[%get3A_1039, %get3A_1040] {strides = array<i32>} : memref<4x128xi32, #tpu.memory_space<vmem>>, vector<16xi32>,
    %and3A_1042 = arith.constant 7 : i32
    %and3A_1043 = vector.broadcast %and3A_1042 : i32 to vector<16xi32>
    %and3A_1044 = arith.andi %get3A_1037, %and3A_1043 : vector<16xi32>
    %gather3A_1045 = tpu.vector_load_idx %arg11[%add3A_1033, %and3A_1044] : memref<512x8xf32, #tpu.memory_space<vmem>>[vector<16xi32>, vector<16xi32>], vector<16xf32>,
    %and3A_1046 = arith.constant 7 : i32
    %and3A_1047 = vector.broadcast %and3A_1046 : i32 to vector<16xi32>
    %and3A_1048 = arith.andi %get3A_1041, %and3A_1047 : vector<16xi32>
    %gather3A_1049 = tpu.vector_load_idx %arg12[%add3A_1033, %and3A_1048] : memref<512x8xf32, #tpu.memory_space<vmem>>[vector<16xi32>, vector<16xi32>], vector<16xf32>,
    %broadcast_in_dim3A_1050 = arith.constant 0 : i32
    %broadcast_in_dim3A_1051 = vector.broadcast %broadcast_in_dim3A_1050 : i32 to vector<16xi32>
    tpu.vector_store_idx %arg13[%add3A_1033, %broadcast_in_dim3A_1051], %gather3A_1045 : memref<512x8xf32, #tpu.memory_space<vmem>>[vector<16xi32>, vector<16xi32>], vector<16xf32>,
    %broadcast_in_dim3A_1052 = arith.constant 1 : i32
    %broadcast_in_dim3A_1053 = vector.broadcast %broadcast_in_dim3A_1052 : i32 to vector<16xi32>
    tpu.vector_store_idx %arg13[%add3A_1033, %broadcast_in_dim3A_1053], %gather3A_1049 : memref<512x8xf32, #tpu.memory_space<vmem>>[vector<16xi32>, vector<16xi32>], vector<16xf32>,
    %iota3A_1054 = tpu.iota {dimensions = array<i32: 0>} : vector<16xi32>
    %add3A_1055 = arith.constant 128 : i32
    %add3A_1056 = vector.broadcast %add3A_1055 : i32 to vector<16xi32>
    %add3A_1057 = arith.addi %iota3A_1054, %add3A_1056 : vector<16xi32>
    %get3A_1058 = arith.constant 1 : i32
    %get3A_1059 = arith.index_cast %get3A_1058 : i32 to index
    %get3A_1060 = arith.constant 0 : index
    %get3A_1061 = tpu.vector_load %arg7[%get3A_1059, %get3A_1060] {strides = array<i32>} : memref<4x128xi32, #tpu.memory_space<vmem>>, vector<16xi32>,
    %get3A_1062 = arith.constant 1 : i32
    %get3A_1063 = arith.index_cast %get3A_1062 : i32 to index
    %get3A_1064 = arith.constant 0 : index
    %get3A_1065 = tpu.vector_load %arg8[%get3A_1063, %get3A_1064] {strides = array<i32>} : memref<4x128xi32, #tpu.memory_space<vmem>>, vector<16xi32>,
    %and3A_1066 = arith.constant 7 : i32
    %and3A_1067 = vector.broadcast %and3A_1066 : i32 to vector<16xi32>
    %and3A_1068 = arith.andi %get3A_1061, %and3A_1067 : vector<16xi32>
    %gather3A_1069 = tpu.vector_load_idx %arg11[%add3A_1057, %and3A_1068] : memref<512x8xf32, #tpu.memory_space<vmem>>[vector<16xi32>, vector<16xi32>], vector<16xf32>,
    %and3A_1070 = arith.constant 7 : i32
    %and3A_1071 = vector.broadcast %and3A_1070 : i32 to vector<16xi32>
    %and3A_1072 = arith.andi %get3A_1065, %and3A_1071 : vector<16xi32>
    %gather3A_1073 = tpu.vector_load_idx %arg12[%add3A_1057, %and3A_1072] : memref<512x8xf32, #tpu.memory_space<vmem>>[vector<16xi32>, vector<16xi32>], vector<16xf32>,
    %broadcast_in_dim3A_1074 = arith.constant 0 : i32
    %broadcast_in_dim3A_1075 = vector.broadcast %broadcast_in_dim3A_1074 : i32 to vector<16xi32>
    tpu.vector_store_idx %arg13[%add3A_1057, %broadcast_in_dim3A_1075], %gather3A_1069 : memref<512x8xf32, #tpu.memory_space<vmem>>[vector<16xi32>, vector<16xi32>], vector<16xf32>,
    %broadcast_in_dim3A_1076 = arith.constant 1 : i32
    %broadcast_in_dim3A_1077 = vector.broadcast %broadcast_in_dim3A_1076 : i32 to vector<16xi32>
    tpu.vector_store_idx %arg13[%add3A_1057, %broadcast_in_dim3A_1077], %gather3A_1073 : memref<512x8xf32, #tpu.memory_space<vmem>>[vector<16xi32>, vector<16xi32>], vector<16xf32>,
    %iota3A_1078 = tpu.iota {dimensions = array<i32: 0>} : vector<16xi32>
    %add3A_1079 = arith.constant 144 : i32
    %add3A_1080 = vector.broadcast %add3A_1079 : i32 to vector<16xi32>
    %add3A_1081 = arith.addi %iota3A_1078, %add3A_1080 : vector<16xi32>
    %get3A_1082 = arith.constant 1 : i32
    %get3A_1083 = arith.index_cast %get3A_1082 : i32 to index
    %get3A_1084 = arith.constant 16 : index
    %get3A_1085 = tpu.vector_load %arg7[%get3A_1083, %get3A_1084] {strides = array<i32>} : memref<4x128xi32, #tpu.memory_space<vmem>>, vector<16xi32>,
    %get3A_1086 = arith.constant 1 : i32
    %get3A_1087 = arith.index_cast %get3A_1086 : i32 to index
    %get3A_1088 = arith.constant 16 : index
    %get3A_1089 = tpu.vector_load %arg8[%get3A_1087, %get3A_1088] {strides = array<i32>} : memref<4x128xi32, #tpu.memory_space<vmem>>, vector<16xi32>,
    %and3A_1090 = arith.constant 7 : i32
    %and3A_1091 = vector.broadcast %and3A_1090 : i32 to vector<16xi32>
    %and3A_1092 = arith.andi %get3A_1085, %and3A_1091 : vector<16xi32>
    %gather3A_1093 = tpu.vector_load_idx %arg11[%add3A_1081, %and3A_1092] : memref<512x8xf32, #tpu.memory_space<vmem>>[vector<16xi32>, vector<16xi32>], vector<16xf32>,
    %and3A_1094 = arith.constant 7 : i32
    %and3A_1095 = vector.broadcast %and3A_1094 : i32 to vector<16xi32>
    %and3A_1096 = arith.andi %get3A_1089, %and3A_1095 : vector<16xi32>
    %gather3A_1097 = tpu.vector_load_idx %arg12[%add3A_1081, %and3A_1096] : memref<512x8xf32, #tpu.memory_space<vmem>>[vector<16xi32>, vector<16xi32>], vector<16xf32>,
    %broadcast_in_dim3A_1098 = arith.constant 0 : i32
    %broadcast_in_dim3A_1099 = vector.broadcast %broadcast_in_dim3A_1098 : i32 to vector<16xi32>
    tpu.vector_store_idx %arg13[%add3A_1081, %broadcast_in_dim3A_1099], %gather3A_1093 : memref<512x8xf32, #tpu.memory_space<vmem>>[vector<16xi32>, vector<16xi32>], vector<16xf32>,
    %broadcast_in_dim3A_1100 = arith.constant 1 : i32
    %broadcast_in_dim3A_1101 = vector.broadcast %broadcast_in_dim3A_1100 : i32 to vector<16xi32>
    tpu.vector_store_idx %arg13[%add3A_1081, %broadcast_in_dim3A_1101], %gather3A_1097 : memref<512x8xf32, #tpu.memory_space<vmem>>[vector<16xi32>, vector<16xi32>], vector<16xf32>,
    %iota3A_1102 = tpu.iota {dimensions = array<i32: 0>} : vector<16xi32>
    %add3A_1103 = arith.constant 160 : i32
    %add3A_1104 = vector.broadcast %add3A_1103 : i32 to vector<16xi32>
    %add3A_1105 = arith.addi %iota3A_1102, %add3A_1104 : vector<16xi32>
    %get3A_1106 = arith.constant 1 : i32
    %get3A_1107 = arith.index_cast %get3A_1106 : i32 to index
    %get3A_1108 = arith.constant 32 : index
    %get3A_1109 = tpu.vector_load %arg7[%get3A_1107, %get3A_1108] {strides = array<i32>} : memref<4x128xi32, #tpu.memory_space<vmem>>, vector<16xi32>,
    %get3A_1110 = arith.constant 1 : i32
    %get3A_1111 = arith.index_cast %get3A_1110 : i32 to index
    %get3A_1112 = arith.constant 32 : index
    %get3A_1113 = tpu.vector_load %arg8[%get3A_1111, %get3A_1112] {strides = array<i32>} : memref<4x128xi32, #tpu.memory_space<vmem>>, vector<16xi32>,
    %and3A_1114 = arith.constant 7 : i32
    %and3A_1115 = vector.broadcast %and3A_1114 : i32 to vector<16xi32>
    %and3A_1116 = arith.andi %get3A_1109, %and3A_1115 : vector<16xi32>
    %gather3A_1117 = tpu.vector_load_idx %arg11[%add3A_1105, %and3A_1116] : memref<512x8xf32, #tpu.memory_space<vmem>>[vector<16xi32>, vector<16xi32>], vector<16xf32>,
    %and3A_1118 = arith.constant 7 : i32
    %and3A_1119 = vector.broadcast %and3A_1118 : i32 to vector<16xi32>
    %and3A_1120 = arith.andi %get3A_1113, %and3A_1119 : vector<16xi32>
    %gather3A_1121 = tpu.vector_load_idx %arg12[%add3A_1105, %and3A_1120] : memref<512x8xf32, #tpu.memory_space<vmem>>[vector<16xi32>, vector<16xi32>], vector<16xf32>,
    %broadcast_in_dim3A_1122 = arith.constant 0 : i32
    %broadcast_in_dim3A_1123 = vector.broadcast %broadcast_in_dim3A_1122 : i32 to vector<16xi32>
    tpu.vector_store_idx %arg13[%add3A_1105, %broadcast_in_dim3A_1123], %gather3A_1117 : memref<512x8xf32, #tpu.memory_space<vmem>>[vector<16xi32>, vector<16xi32>], vector<16xf32>,
    %broadcast_in_dim3A_1124 = arith.constant 1 : i32
    %broadcast_in_dim3A_1125 = vector.broadcast %broadcast_in_dim3A_1124 : i32 to vector<16xi32>
    tpu.vector_store_idx %arg13[%add3A_1105, %broadcast_in_dim3A_1125], %gather3A_1121 : memref<512x8xf32, #tpu.memory_space<vmem>>[vector<16xi32>, vector<16xi32>], vector<16xf32>,
    %iota3A_1126 = tpu.iota {dimensions = array<i32: 0>} : vector<16xi32>
    %add3A_1127 = arith.constant 176 : i32
    %add3A_1128 = vector.broadcast %add3A_1127 : i32 to vector<16xi32>
    %add3A_1129 = arith.addi %iota3A_1126, %add3A_1128 : vector<16xi32>
    %get3A_1130 = arith.constant 1 : i32
    %get3A_1131 = arith.index_cast %get3A_1130 : i32 to index
    %get3A_1132 = arith.constant 48 : index
    %get3A_1133 = tpu.vector_load %arg7[%get3A_1131, %get3A_1132] {strides = array<i32>} : memref<4x128xi32, #tpu.memory_space<vmem>>, vector<16xi32>,
    %get3A_1134 = arith.constant 1 : i32
    %get3A_1135 = arith.index_cast %get3A_1134 : i32 to index
    %get3A_1136 = arith.constant 48 : index
    %get3A_1137 = tpu.vector_load %arg8[%get3A_1135, %get3A_1136] {strides = array<i32>} : memref<4x128xi32, #tpu.memory_space<vmem>>, vector<16xi32>,
    %and3A_1138 = arith.constant 7 : i32
    %and3A_1139 = vector.broadcast %and3A_1138 : i32 to vector<16xi32>
    %and3A_1140 = arith.andi %get3A_1133, %and3A_1139 : vector<16xi32>
    %gather3A_1141 = tpu.vector_load_idx %arg11[%add3A_1129, %and3A_1140] : memref<512x8xf32, #tpu.memory_space<vmem>>[vector<16xi32>, vector<16xi32>], vector<16xf32>,
    %and3A_1142 = arith.constant 7 : i32
    %and3A_1143 = vector.broadcast %and3A_1142 : i32 to vector<16xi32>
    %and3A_1144 = arith.andi %get3A_1137, %and3A_1143 : vector<16xi32>
    %gather3A_1145 = tpu.vector_load_idx %arg12[%add3A_1129, %and3A_1144] : memref<512x8xf32, #tpu.memory_space<vmem>>[vector<16xi32>, vector<16xi32>], vector<16xf32>,
    %broadcast_in_dim3A_1146 = arith.constant 0 : i32
    %broadcast_in_dim3A_1147 = vector.broadcast %broadcast_in_dim3A_1146 : i32 to vector<16xi32>
    tpu.vector_store_idx %arg13[%add3A_1129, %broadcast_in_dim3A_1147], %gather3A_1141 : memref<512x8xf32, #tpu.memory_space<vmem>>[vector<16xi32>, vector<16xi32>], vector<16xf32>,
    %broadcast_in_dim3A_1148 = arith.constant 1 : i32
    %broadcast_in_dim3A_1149 = vector.broadcast %broadcast_in_dim3A_1148 : i32 to vector<16xi32>
    tpu.vector_store_idx %arg13[%add3A_1129, %broadcast_in_dim3A_1149], %gather3A_1145 : memref<512x8xf32, #tpu.memory_space<vmem>>[vector<16xi32>, vector<16xi32>], vector<16xf32>,
    %iota3A_1150 = tpu.iota {dimensions = array<i32: 0>} : vector<16xi32>
    %add3A_1151 = arith.constant 192 : i32
    %add3A_1152 = vector.broadcast %add3A_1151 : i32 to vector<16xi32>
    %add3A_1153 = arith.addi %iota3A_1150, %add3A_1152 : vector<16xi32>
    %get3A_1154 = arith.constant 1 : i32
    %get3A_1155 = arith.index_cast %get3A_1154 : i32 to index
    %get3A_1156 = arith.constant 64 : index
    %get3A_1157 = tpu.vector_load %arg7[%get3A_1155, %get3A_1156] {strides = array<i32>} : memref<4x128xi32, #tpu.memory_space<vmem>>, vector<16xi32>,
    %get3A_1158 = arith.constant 1 : i32
    %get3A_1159 = arith.index_cast %get3A_1158 : i32 to index
    %get3A_1160 = arith.constant 64 : index
    %get3A_1161 = tpu.vector_load %arg8[%get3A_1159, %get3A_1160] {strides = array<i32>} : memref<4x128xi32, #tpu.memory_space<vmem>>, vector<16xi32>,
    %and3A_1162 = arith.constant 7 : i32
    %and3A_1163 = vector.broadcast %and3A_1162 : i32 to vector<16xi32>
    %and3A_1164 = arith.andi %get3A_1157, %and3A_1163 : vector<16xi32>
    %gather3A_1165 = tpu.vector_load_idx %arg11[%add3A_1153, %and3A_1164] : memref<512x8xf32, #tpu.memory_space<vmem>>[vector<16xi32>, vector<16xi32>], vector<16xf32>,
    %and3A_1166 = arith.constant 7 : i32
    %and3A_1167 = vector.broadcast %and3A_1166 : i32 to vector<16xi32>
    %and3A_1168 = arith.andi %get3A_1161, %and3A_1167 : vector<16xi32>
    %gather3A_1169 = tpu.vector_load_idx %arg12[%add3A_1153, %and3A_1168] : memref<512x8xf32, #tpu.memory_space<vmem>>[vector<16xi32>, vector<16xi32>], vector<16xf32>,
    %broadcast_in_dim3A_1170 = arith.constant 0 : i32
    %broadcast_in_dim3A_1171 = vector.broadcast %broadcast_in_dim3A_1170 : i32 to vector<16xi32>
    tpu.vector_store_idx %arg13[%add3A_1153, %broadcast_in_dim3A_1171], %gather3A_1165 : memref<512x8xf32, #tpu.memory_space<vmem>>[vector<16xi32>, vector<16xi32>], vector<16xf32>,
    %broadcast_in_dim3A_1172 = arith.constant 1 : i32
    %broadcast_in_dim3A_1173 = vector.broadcast %broadcast_in_dim3A_1172 : i32 to vector<16xi32>
    tpu.vector_store_idx %arg13[%add3A_1153, %broadcast_in_dim3A_1173], %gather3A_1169 : memref<512x8xf32, #tpu.memory_space<vmem>>[vector<16xi32>, vector<16xi32>], vector<16xf32>,
    %iota3A_1174 = tpu.iota {dimensions = array<i32: 0>} : vector<16xi32>
    %add3A_1175 = arith.constant 208 : i32
    %add3A_1176 = vector.broadcast %add3A_1175 : i32 to vector<16xi32>
    %add3A_1177 = arith.addi %iota3A_1174, %add3A_1176 : vector<16xi32>
    %get3A_1178 = arith.constant 1 : i32
    %get3A_1179 = arith.index_cast %get3A_1178 : i32 to index
    %get3A_1180 = arith.constant 80 : index
    %get3A_1181 = tpu.vector_load %arg7[%get3A_1179, %get3A_1180] {strides = array<i32>} : memref<4x128xi32, #tpu.memory_space<vmem>>, vector<16xi32>,
    %get3A_1182 = arith.constant 1 : i32
    %get3A_1183 = arith.index_cast %get3A_1182 : i32 to index
    %get3A_1184 = arith.constant 80 : index
    %get3A_1185 = tpu.vector_load %arg8[%get3A_1183, %get3A_1184] {strides = array<i32>} : memref<4x128xi32, #tpu.memory_space<vmem>>, vector<16xi32>,
    %and3A_1186 = arith.constant 7 : i32
    %and3A_1187 = vector.broadcast %and3A_1186 : i32 to vector<16xi32>
    %and3A_1188 = arith.andi %get3A_1181, %and3A_1187 : vector<16xi32>
    %gather3A_1189 = tpu.vector_load_idx %arg11[%add3A_1177, %and3A_1188] : memref<512x8xf32, #tpu.memory_space<vmem>>[vector<16xi32>, vector<16xi32>], vector<16xf32>,
    %and3A_1190 = arith.constant 7 : i32
    %and3A_1191 = vector.broadcast %and3A_1190 : i32 to vector<16xi32>
    %and3A_1192 = arith.andi %get3A_1185, %and3A_1191 : vector<16xi32>
    %gather3A_1193 = tpu.vector_load_idx %arg12[%add3A_1177, %and3A_1192] : memref<512x8xf32, #tpu.memory_space<vmem>>[vector<16xi32>, vector<16xi32>], vector<16xf32>,
    %broadcast_in_dim3A_1194 = arith.constant 0 : i32
    %broadcast_in_dim3A_1195 = vector.broadcast %broadcast_in_dim3A_1194 : i32 to vector<16xi32>
    tpu.vector_store_idx %arg13[%add3A_1177, %broadcast_in_dim3A_1195], %gather3A_1189 : memref<512x8xf32, #tpu.memory_space<vmem>>[vector<16xi32>, vector<16xi32>], vector<16xf32>,
    %broadcast_in_dim3A_1196 = arith.constant 1 : i32
    %broadcast_in_dim3A_1197 = vector.broadcast %broadcast_in_dim3A_1196 : i32 to vector<16xi32>
    tpu.vector_store_idx %arg13[%add3A_1177, %broadcast_in_dim3A_1197], %gather3A_1193 : memref<512x8xf32, #tpu.memory_space<vmem>>[vector<16xi32>, vector<16xi32>], vector<16xf32>,
    %iota3A_1198 = tpu.iota {dimensions = array<i32: 0>} : vector<16xi32>
    %add3A_1199 = arith.constant 224 : i32
    %add3A_1200 = vector.broadcast %add3A_1199 : i32 to vector<16xi32>
    %add3A_1201 = arith.addi %iota3A_1198, %add3A_1200 : vector<16xi32>
    %get3A_1202 = arith.constant 1 : i32
    %get3A_1203 = arith.index_cast %get3A_1202 : i32 to index
    %get3A_1204 = arith.constant 96 : index
    %get3A_1205 = tpu.vector_load %arg7[%get3A_1203, %get3A_1204] {strides = array<i32>} : memref<4x128xi32, #tpu.memory_space<vmem>>, vector<16xi32>,
    %get3A_1206 = arith.constant 1 : i32
    %get3A_1207 = arith.index_cast %get3A_1206 : i32 to index
    %get3A_1208 = arith.constant 96 : index
    %get3A_1209 = tpu.vector_load %arg8[%get3A_1207, %get3A_1208] {strides = array<i32>} : memref<4x128xi32, #tpu.memory_space<vmem>>, vector<16xi32>,
    %and3A_1210 = arith.constant 7 : i32
    %and3A_1211 = vector.broadcast %and3A_1210 : i32 to vector<16xi32>
    %and3A_1212 = arith.andi %get3A_1205, %and3A_1211 : vector<16xi32>
    %gather3A_1213 = tpu.vector_load_idx %arg11[%add3A_1201, %and3A_1212] : memref<512x8xf32, #tpu.memory_space<vmem>>[vector<16xi32>, vector<16xi32>], vector<16xf32>,
    %and3A_1214 = arith.constant 7 : i32
    %and3A_1215 = vector.broadcast %and3A_1214 : i32 to vector<16xi32>
    %and3A_1216 = arith.andi %get3A_1209, %and3A_1215 : vector<16xi32>
    %gather3A_1217 = tpu.vector_load_idx %arg12[%add3A_1201, %and3A_1216] : memref<512x8xf32, #tpu.memory_space<vmem>>[vector<16xi32>, vector<16xi32>], vector<16xf32>,
    %broadcast_in_dim3A_1218 = arith.constant 0 : i32
    %broadcast_in_dim3A_1219 = vector.broadcast %broadcast_in_dim3A_1218 : i32 to vector<16xi32>
    tpu.vector_store_idx %arg13[%add3A_1201, %broadcast_in_dim3A_1219], %gather3A_1213 : memref<512x8xf32, #tpu.memory_space<vmem>>[vector<16xi32>, vector<16xi32>], vector<16xf32>,
    %broadcast_in_dim3A_1220 = arith.constant 1 : i32
    %broadcast_in_dim3A_1221 = vector.broadcast %broadcast_in_dim3A_1220 : i32 to vector<16xi32>
    tpu.vector_store_idx %arg13[%add3A_1201, %broadcast_in_dim3A_1221], %gather3A_1217 : memref<512x8xf32, #tpu.memory_space<vmem>>[vector<16xi32>, vector<16xi32>], vector<16xf32>,
    %iota3A_1222 = tpu.iota {dimensions = array<i32: 0>} : vector<16xi32>
    %add3A_1223 = arith.constant 240 : i32
    %add3A_1224 = vector.broadcast %add3A_1223 : i32 to vector<16xi32>
    %add3A_1225 = arith.addi %iota3A_1222, %add3A_1224 : vector<16xi32>
    %get3A_1226 = arith.constant 1 : i32
    %get3A_1227 = arith.index_cast %get3A_1226 : i32 to index
    %get3A_1228 = arith.constant 112 : index
    %get3A_1229 = tpu.vector_load %arg7[%get3A_1227, %get3A_1228] {strides = array<i32>} : memref<4x128xi32, #tpu.memory_space<vmem>>, vector<16xi32>,
    %get3A_1230 = arith.constant 1 : i32
    %get3A_1231 = arith.index_cast %get3A_1230 : i32 to index
    %get3A_1232 = arith.constant 112 : index
    %get3A_1233 = tpu.vector_load %arg8[%get3A_1231, %get3A_1232] {strides = array<i32>} : memref<4x128xi32, #tpu.memory_space<vmem>>, vector<16xi32>,
    %and3A_1234 = arith.constant 7 : i32
    %and3A_1235 = vector.broadcast %and3A_1234 : i32 to vector<16xi32>
    %and3A_1236 = arith.andi %get3A_1229, %and3A_1235 : vector<16xi32>
    %gather3A_1237 = tpu.vector_load_idx %arg11[%add3A_1225, %and3A_1236] : memref<512x8xf32, #tpu.memory_space<vmem>>[vector<16xi32>, vector<16xi32>], vector<16xf32>,
    %and3A_1238 = arith.constant 7 : i32
    %and3A_1239 = vector.broadcast %and3A_1238 : i32 to vector<16xi32>
    %and3A_1240 = arith.andi %get3A_1233, %and3A_1239 : vector<16xi32>
    %gather3A_1241 = tpu.vector_load_idx %arg12[%add3A_1225, %and3A_1240] : memref<512x8xf32, #tpu.memory_space<vmem>>[vector<16xi32>, vector<16xi32>], vector<16xf32>,
    %broadcast_in_dim3A_1242 = arith.constant 0 : i32
    %broadcast_in_dim3A_1243 = vector.broadcast %broadcast_in_dim3A_1242 : i32 to vector<16xi32>
    tpu.vector_store_idx %arg13[%add3A_1225, %broadcast_in_dim3A_1243], %gather3A_1237 : memref<512x8xf32, #tpu.memory_space<vmem>>[vector<16xi32>, vector<16xi32>], vector<16xf32>,
    %broadcast_in_dim3A_1244 = arith.constant 1 : i32
    %broadcast_in_dim3A_1245 = vector.broadcast %broadcast_in_dim3A_1244 : i32 to vector<16xi32>
    tpu.vector_store_idx %arg13[%add3A_1225, %broadcast_in_dim3A_1245], %gather3A_1241 : memref<512x8xf32, #tpu.memory_space<vmem>>[vector<16xi32>, vector<16xi32>], vector<16xf32>,
    %iota3A_1246 = tpu.iota {dimensions = array<i32: 0>} : vector<16xi32>
    %add3A_1247 = arith.constant 256 : i32
    %add3A_1248 = vector.broadcast %add3A_1247 : i32 to vector<16xi32>
    %add3A_1249 = arith.addi %iota3A_1246, %add3A_1248 : vector<16xi32>
    %get3A_1250 = arith.constant 2 : i32
    %get3A_1251 = arith.index_cast %get3A_1250 : i32 to index
    %get3A_1252 = arith.constant 0 : index
    %get3A_1253 = tpu.vector_load %arg7[%get3A_1251, %get3A_1252] {strides = array<i32>} : memref<4x128xi32, #tpu.memory_space<vmem>>, vector<16xi32>,
    %get3A_1254 = arith.constant 2 : i32
    %get3A_1255 = arith.index_cast %get3A_1254 : i32 to index
    %get3A_1256 = arith.constant 0 : index
    %get3A_1257 = tpu.vector_load %arg8[%get3A_1255, %get3A_1256] {strides = array<i32>} : memref<4x128xi32, #tpu.memory_space<vmem>>, vector<16xi32>,
    %and3A_1258 = arith.constant 7 : i32
    %and3A_1259 = vector.broadcast %and3A_1258 : i32 to vector<16xi32>
    %and3A_1260 = arith.andi %get3A_1253, %and3A_1259 : vector<16xi32>
    %gather3A_1261 = tpu.vector_load_idx %arg11[%add3A_1249, %and3A_1260] : memref<512x8xf32, #tpu.memory_space<vmem>>[vector<16xi32>, vector<16xi32>], vector<16xf32>,
    %and3A_1262 = arith.constant 7 : i32
    %and3A_1263 = vector.broadcast %and3A_1262 : i32 to vector<16xi32>
    %and3A_1264 = arith.andi %get3A_1257, %and3A_1263 : vector<16xi32>
    %gather3A_1265 = tpu.vector_load_idx %arg12[%add3A_1249, %and3A_1264] : memref<512x8xf32, #tpu.memory_space<vmem>>[vector<16xi32>, vector<16xi32>], vector<16xf32>,
    %broadcast_in_dim3A_1266 = arith.constant 0 : i32
    %broadcast_in_dim3A_1267 = vector.broadcast %broadcast_in_dim3A_1266 : i32 to vector<16xi32>
    tpu.vector_store_idx %arg13[%add3A_1249, %broadcast_in_dim3A_1267], %gather3A_1261 : memref<512x8xf32, #tpu.memory_space<vmem>>[vector<16xi32>, vector<16xi32>], vector<16xf32>,
    %broadcast_in_dim3A_1268 = arith.constant 1 : i32
    %broadcast_in_dim3A_1269 = vector.broadcast %broadcast_in_dim3A_1268 : i32 to vector<16xi32>
    tpu.vector_store_idx %arg13[%add3A_1249, %broadcast_in_dim3A_1269], %gather3A_1265 : memref<512x8xf32, #tpu.memory_space<vmem>>[vector<16xi32>, vector<16xi32>], vector<16xf32>,
    %iota3A_1270 = tpu.iota {dimensions = array<i32: 0>} : vector<16xi32>
    %add3A_1271 = arith.constant 272 : i32
    %add3A_1272 = vector.broadcast %add3A_1271 : i32 to vector<16xi32>
    %add3A_1273 = arith.addi %iota3A_1270, %add3A_1272 : vector<16xi32>
    %get3A_1274 = arith.constant 2 : i32
    %get3A_1275 = arith.index_cast %get3A_1274 : i32 to index
    %get3A_1276 = arith.constant 16 : index
    %get3A_1277 = tpu.vector_load %arg7[%get3A_1275, %get3A_1276] {strides = array<i32>} : memref<4x128xi32, #tpu.memory_space<vmem>>, vector<16xi32>,
    %get3A_1278 = arith.constant 2 : i32
    %get3A_1279 = arith.index_cast %get3A_1278 : i32 to index
    %get3A_1280 = arith.constant 16 : index
    %get3A_1281 = tpu.vector_load %arg8[%get3A_1279, %get3A_1280] {strides = array<i32>} : memref<4x128xi32, #tpu.memory_space<vmem>>, vector<16xi32>,
    %and3A_1282 = arith.constant 7 : i32
    %and3A_1283 = vector.broadcast %and3A_1282 : i32 to vector<16xi32>
    %and3A_1284 = arith.andi %get3A_1277, %and3A_1283 : vector<16xi32>
    %gather3A_1285 = tpu.vector_load_idx %arg11[%add3A_1273, %and3A_1284] : memref<512x8xf32, #tpu.memory_space<vmem>>[vector<16xi32>, vector<16xi32>], vector<16xf32>,
    %and3A_1286 = arith.constant 7 : i32
    %and3A_1287 = vector.broadcast %and3A_1286 : i32 to vector<16xi32>
    %and3A_1288 = arith.andi %get3A_1281, %and3A_1287 : vector<16xi32>
    %gather3A_1289 = tpu.vector_load_idx %arg12[%add3A_1273, %and3A_1288] : memref<512x8xf32, #tpu.memory_space<vmem>>[vector<16xi32>, vector<16xi32>], vector<16xf32>,
    %broadcast_in_dim3A_1290 = arith.constant 0 : i32
    %broadcast_in_dim3A_1291 = vector.broadcast %broadcast_in_dim3A_1290 : i32 to vector<16xi32>
    tpu.vector_store_idx %arg13[%add3A_1273, %broadcast_in_dim3A_1291], %gather3A_1285 : memref<512x8xf32, #tpu.memory_space<vmem>>[vector<16xi32>, vector<16xi32>], vector<16xf32>,
    %broadcast_in_dim3A_1292 = arith.constant 1 : i32
    %broadcast_in_dim3A_1293 = vector.broadcast %broadcast_in_dim3A_1292 : i32 to vector<16xi32>
    tpu.vector_store_idx %arg13[%add3A_1273, %broadcast_in_dim3A_1293], %gather3A_1289 : memref<512x8xf32, #tpu.memory_space<vmem>>[vector<16xi32>, vector<16xi32>], vector<16xf32>,
    %iota3A_1294 = tpu.iota {dimensions = array<i32: 0>} : vector<16xi32>
    %add3A_1295 = arith.constant 288 : i32
    %add3A_1296 = vector.broadcast %add3A_1295 : i32 to vector<16xi32>
    %add3A_1297 = arith.addi %iota3A_1294, %add3A_1296 : vector<16xi32>
    %get3A_1298 = arith.constant 2 : i32
    %get3A_1299 = arith.index_cast %get3A_1298 : i32 to index
    %get3A_1300 = arith.constant 32 : index
    %get3A_1301 = tpu.vector_load %arg7[%get3A_1299, %get3A_1300] {strides = array<i32>} : memref<4x128xi32, #tpu.memory_space<vmem>>, vector<16xi32>,
    %get3A_1302 = arith.constant 2 : i32
    %get3A_1303 = arith.index_cast %get3A_1302 : i32 to index
    %get3A_1304 = arith.constant 32 : index
    %get3A_1305 = tpu.vector_load %arg8[%get3A_1303, %get3A_1304] {strides = array<i32>} : memref<4x128xi32, #tpu.memory_space<vmem>>, vector<16xi32>,
    %and3A_1306 = arith.constant 7 : i32
    %and3A_1307 = vector.broadcast %and3A_1306 : i32 to vector<16xi32>
    %and3A_1308 = arith.andi %get3A_1301, %and3A_1307 : vector<16xi32>
    %gather3A_1309 = tpu.vector_load_idx %arg11[%add3A_1297, %and3A_1308] : memref<512x8xf32, #tpu.memory_space<vmem>>[vector<16xi32>, vector<16xi32>], vector<16xf32>,
    %and3A_1310 = arith.constant 7 : i32
    %and3A_1311 = vector.broadcast %and3A_1310 : i32 to vector<16xi32>
    %and3A_1312 = arith.andi %get3A_1305, %and3A_1311 : vector<16xi32>
    %gather3A_1313 = tpu.vector_load_idx %arg12[%add3A_1297, %and3A_1312] : memref<512x8xf32, #tpu.memory_space<vmem>>[vector<16xi32>, vector<16xi32>], vector<16xf32>,
    %broadcast_in_dim3A_1314 = arith.constant 0 : i32
    %broadcast_in_dim3A_1315 = vector.broadcast %broadcast_in_dim3A_1314 : i32 to vector<16xi32>
    tpu.vector_store_idx %arg13[%add3A_1297, %broadcast_in_dim3A_1315], %gather3A_1309 : memref<512x8xf32, #tpu.memory_space<vmem>>[vector<16xi32>, vector<16xi32>], vector<16xf32>,
    %broadcast_in_dim3A_1316 = arith.constant 1 : i32
    %broadcast_in_dim3A_1317 = vector.broadcast %broadcast_in_dim3A_1316 : i32 to vector<16xi32>
    tpu.vector_store_idx %arg13[%add3A_1297, %broadcast_in_dim3A_1317], %gather3A_1313 : memref<512x8xf32, #tpu.memory_space<vmem>>[vector<16xi32>, vector<16xi32>], vector<16xf32>,
    %iota3A_1318 = tpu.iota {dimensions = array<i32: 0>} : vector<16xi32>
    %add3A_1319 = arith.constant 304 : i32
    %add3A_1320 = vector.broadcast %add3A_1319 : i32 to vector<16xi32>
    %add3A_1321 = arith.addi %iota3A_1318, %add3A_1320 : vector<16xi32>
    %get3A_1322 = arith.constant 2 : i32
    %get3A_1323 = arith.index_cast %get3A_1322 : i32 to index
    %get3A_1324 = arith.constant 48 : index
    %get3A_1325 = tpu.vector_load %arg7[%get3A_1323, %get3A_1324] {strides = array<i32>} : memref<4x128xi32, #tpu.memory_space<vmem>>, vector<16xi32>,
    %get3A_1326 = arith.constant 2 : i32
    %get3A_1327 = arith.index_cast %get3A_1326 : i32 to index
    %get3A_1328 = arith.constant 48 : index
    %get3A_1329 = tpu.vector_load %arg8[%get3A_1327, %get3A_1328] {strides = array<i32>} : memref<4x128xi32, #tpu.memory_space<vmem>>, vector<16xi32>,
    %and3A_1330 = arith.constant 7 : i32
    %and3A_1331 = vector.broadcast %and3A_1330 : i32 to vector<16xi32>
    %and3A_1332 = arith.andi %get3A_1325, %and3A_1331 : vector<16xi32>
    %gather3A_1333 = tpu.vector_load_idx %arg11[%add3A_1321, %and3A_1332] : memref<512x8xf32, #tpu.memory_space<vmem>>[vector<16xi32>, vector<16xi32>], vector<16xf32>,
    %and3A_1334 = arith.constant 7 : i32
    %and3A_1335 = vector.broadcast %and3A_1334 : i32 to vector<16xi32>
    %and3A_1336 = arith.andi %get3A_1329, %and3A_1335 : vector<16xi32>
    %gather3A_1337 = tpu.vector_load_idx %arg12[%add3A_1321, %and3A_1336] : memref<512x8xf32, #tpu.memory_space<vmem>>[vector<16xi32>, vector<16xi32>], vector<16xf32>,
    %broadcast_in_dim3A_1338 = arith.constant 0 : i32
    %broadcast_in_dim3A_1339 = vector.broadcast %broadcast_in_dim3A_1338 : i32 to vector<16xi32>
    tpu.vector_store_idx %arg13[%add3A_1321, %broadcast_in_dim3A_1339], %gather3A_1333 : memref<512x8xf32, #tpu.memory_space<vmem>>[vector<16xi32>, vector<16xi32>], vector<16xf32>,
    %broadcast_in_dim3A_1340 = arith.constant 1 : i32
    %broadcast_in_dim3A_1341 = vector.broadcast %broadcast_in_dim3A_1340 : i32 to vector<16xi32>
    tpu.vector_store_idx %arg13[%add3A_1321, %broadcast_in_dim3A_1341], %gather3A_1337 : memref<512x8xf32, #tpu.memory_space<vmem>>[vector<16xi32>, vector<16xi32>], vector<16xf32>,
    %iota3A_1342 = tpu.iota {dimensions = array<i32: 0>} : vector<16xi32>
    %add3A_1343 = arith.constant 320 : i32
    %add3A_1344 = vector.broadcast %add3A_1343 : i32 to vector<16xi32>
    %add3A_1345 = arith.addi %iota3A_1342, %add3A_1344 : vector<16xi32>
    %get3A_1346 = arith.constant 2 : i32
    %get3A_1347 = arith.index_cast %get3A_1346 : i32 to index
    %get3A_1348 = arith.constant 64 : index
    %get3A_1349 = tpu.vector_load %arg7[%get3A_1347, %get3A_1348] {strides = array<i32>} : memref<4x128xi32, #tpu.memory_space<vmem>>, vector<16xi32>,
    %get3A_1350 = arith.constant 2 : i32
    %get3A_1351 = arith.index_cast %get3A_1350 : i32 to index
    %get3A_1352 = arith.constant 64 : index
    %get3A_1353 = tpu.vector_load %arg8[%get3A_1351, %get3A_1352] {strides = array<i32>} : memref<4x128xi32, #tpu.memory_space<vmem>>, vector<16xi32>,
    %and3A_1354 = arith.constant 7 : i32
    %and3A_1355 = vector.broadcast %and3A_1354 : i32 to vector<16xi32>
    %and3A_1356 = arith.andi %get3A_1349, %and3A_1355 : vector<16xi32>
    %gather3A_1357 = tpu.vector_load_idx %arg11[%add3A_1345, %and3A_1356] : memref<512x8xf32, #tpu.memory_space<vmem>>[vector<16xi32>, vector<16xi32>], vector<16xf32>,
    %and3A_1358 = arith.constant 7 : i32
    %and3A_1359 = vector.broadcast %and3A_1358 : i32 to vector<16xi32>
    %and3A_1360 = arith.andi %get3A_1353, %and3A_1359 : vector<16xi32>
    %gather3A_1361 = tpu.vector_load_idx %arg12[%add3A_1345, %and3A_1360] : memref<512x8xf32, #tpu.memory_space<vmem>>[vector<16xi32>, vector<16xi32>], vector<16xf32>,
    %broadcast_in_dim3A_1362 = arith.constant 0 : i32
    %broadcast_in_dim3A_1363 = vector.broadcast %broadcast_in_dim3A_1362 : i32 to vector<16xi32>
    tpu.vector_store_idx %arg13[%add3A_1345, %broadcast_in_dim3A_1363], %gather3A_1357 : memref<512x8xf32, #tpu.memory_space<vmem>>[vector<16xi32>, vector<16xi32>], vector<16xf32>,
    %broadcast_in_dim3A_1364 = arith.constant 1 : i32
    %broadcast_in_dim3A_1365 = vector.broadcast %broadcast_in_dim3A_1364 : i32 to vector<16xi32>
    tpu.vector_store_idx %arg13[%add3A_1345, %broadcast_in_dim3A_1365], %gather3A_1361 : memref<512x8xf32, #tpu.memory_space<vmem>>[vector<16xi32>, vector<16xi32>], vector<16xf32>,
    %iota3A_1366 = tpu.iota {dimensions = array<i32: 0>} : vector<16xi32>
    %add3A_1367 = arith.constant 336 : i32
    %add3A_1368 = vector.broadcast %add3A_1367 : i32 to vector<16xi32>
    %add3A_1369 = arith.addi %iota3A_1366, %add3A_1368 : vector<16xi32>
    %get3A_1370 = arith.constant 2 : i32
    %get3A_1371 = arith.index_cast %get3A_1370 : i32 to index
    %get3A_1372 = arith.constant 80 : index
    %get3A_1373 = tpu.vector_load %arg7[%get3A_1371, %get3A_1372] {strides = array<i32>} : memref<4x128xi32, #tpu.memory_space<vmem>>, vector<16xi32>,
    %get3A_1374 = arith.constant 2 : i32
    %get3A_1375 = arith.index_cast %get3A_1374 : i32 to index
    %get3A_1376 = arith.constant 80 : index
    %get3A_1377 = tpu.vector_load %arg8[%get3A_1375, %get3A_1376] {strides = array<i32>} : memref<4x128xi32, #tpu.memory_space<vmem>>, vector<16xi32>,
    %and3A_1378 = arith.constant 7 : i32
    %and3A_1379 = vector.broadcast %and3A_1378 : i32 to vector<16xi32>
    %and3A_1380 = arith.andi %get3A_1373, %and3A_1379 : vector<16xi32>
    %gather3A_1381 = tpu.vector_load_idx %arg11[%add3A_1369, %and3A_1380] : memref<512x8xf32, #tpu.memory_space<vmem>>[vector<16xi32>, vector<16xi32>], vector<16xf32>,
    %and3A_1382 = arith.constant 7 : i32
    %and3A_1383 = vector.broadcast %and3A_1382 : i32 to vector<16xi32>
    %and3A_1384 = arith.andi %get3A_1377, %and3A_1383 : vector<16xi32>
    %gather3A_1385 = tpu.vector_load_idx %arg12[%add3A_1369, %and3A_1384] : memref<512x8xf32, #tpu.memory_space<vmem>>[vector<16xi32>, vector<16xi32>], vector<16xf32>,
    %broadcast_in_dim3A_1386 = arith.constant 0 : i32
    %broadcast_in_dim3A_1387 = vector.broadcast %broadcast_in_dim3A_1386 : i32 to vector<16xi32>
    tpu.vector_store_idx %arg13[%add3A_1369, %broadcast_in_dim3A_1387], %gather3A_1381 : memref<512x8xf32, #tpu.memory_space<vmem>>[vector<16xi32>, vector<16xi32>], vector<16xf32>,
    %broadcast_in_dim3A_1388 = arith.constant 1 : i32
    %broadcast_in_dim3A_1389 = vector.broadcast %broadcast_in_dim3A_1388 : i32 to vector<16xi32>
    tpu.vector_store_idx %arg13[%add3A_1369, %broadcast_in_dim3A_1389], %gather3A_1385 : memref<512x8xf32, #tpu.memory_space<vmem>>[vector<16xi32>, vector<16xi32>], vector<16xf32>,
    %iota3A_1390 = tpu.iota {dimensions = array<i32: 0>} : vector<16xi32>
    %add3A_1391 = arith.constant 352 : i32
    %add3A_1392 = vector.broadcast %add3A_1391 : i32 to vector<16xi32>
    %add3A_1393 = arith.addi %iota3A_1390, %add3A_1392 : vector<16xi32>
    %get3A_1394 = arith.constant 2 : i32
    %get3A_1395 = arith.index_cast %get3A_1394 : i32 to index
    %get3A_1396 = arith.constant 96 : index
    %get3A_1397 = tpu.vector_load %arg7[%get3A_1395, %get3A_1396] {strides = array<i32>} : memref<4x128xi32, #tpu.memory_space<vmem>>, vector<16xi32>,
    %get3A_1398 = arith.constant 2 : i32
    %get3A_1399 = arith.index_cast %get3A_1398 : i32 to index
    %get3A_1400 = arith.constant 96 : index
    %get3A_1401 = tpu.vector_load %arg8[%get3A_1399, %get3A_1400] {strides = array<i32>} : memref<4x128xi32, #tpu.memory_space<vmem>>, vector<16xi32>,
    %and3A_1402 = arith.constant 7 : i32
    %and3A_1403 = vector.broadcast %and3A_1402 : i32 to vector<16xi32>
    %and3A_1404 = arith.andi %get3A_1397, %and3A_1403 : vector<16xi32>
    %gather3A_1405 = tpu.vector_load_idx %arg11[%add3A_1393, %and3A_1404] : memref<512x8xf32, #tpu.memory_space<vmem>>[vector<16xi32>, vector<16xi32>], vector<16xf32>,
    %and3A_1406 = arith.constant 7 : i32
    %and3A_1407 = vector.broadcast %and3A_1406 : i32 to vector<16xi32>
    %and3A_1408 = arith.andi %get3A_1401, %and3A_1407 : vector<16xi32>
    %gather3A_1409 = tpu.vector_load_idx %arg12[%add3A_1393, %and3A_1408] : memref<512x8xf32, #tpu.memory_space<vmem>>[vector<16xi32>, vector<16xi32>], vector<16xf32>,
    %broadcast_in_dim3A_1410 = arith.constant 0 : i32
    %broadcast_in_dim3A_1411 = vector.broadcast %broadcast_in_dim3A_1410 : i32 to vector<16xi32>
    tpu.vector_store_idx %arg13[%add3A_1393, %broadcast_in_dim3A_1411], %gather3A_1405 : memref<512x8xf32, #tpu.memory_space<vmem>>[vector<16xi32>, vector<16xi32>], vector<16xf32>,
    %broadcast_in_dim3A_1412 = arith.constant 1 : i32
    %broadcast_in_dim3A_1413 = vector.broadcast %broadcast_in_dim3A_1412 : i32 to vector<16xi32>
    tpu.vector_store_idx %arg13[%add3A_1393, %broadcast_in_dim3A_1413], %gather3A_1409 : memref<512x8xf32, #tpu.memory_space<vmem>>[vector<16xi32>, vector<16xi32>], vector<16xf32>,
    %iota3A_1414 = tpu.iota {dimensions = array<i32: 0>} : vector<16xi32>
    %add3A_1415 = arith.constant 368 : i32
    %add3A_1416 = vector.broadcast %add3A_1415 : i32 to vector<16xi32>
    %add3A_1417 = arith.addi %iota3A_1414, %add3A_1416 : vector<16xi32>
    %get3A_1418 = arith.constant 2 : i32
    %get3A_1419 = arith.index_cast %get3A_1418 : i32 to index
    %get3A_1420 = arith.constant 112 : index
    %get3A_1421 = tpu.vector_load %arg7[%get3A_1419, %get3A_1420] {strides = array<i32>} : memref<4x128xi32, #tpu.memory_space<vmem>>, vector<16xi32>,
    %get3A_1422 = arith.constant 2 : i32
    %get3A_1423 = arith.index_cast %get3A_1422 : i32 to index
    %get3A_1424 = arith.constant 112 : index
    %get3A_1425 = tpu.vector_load %arg8[%get3A_1423, %get3A_1424] {strides = array<i32>} : memref<4x128xi32, #tpu.memory_space<vmem>>, vector<16xi32>,
    %and3A_1426 = arith.constant 7 : i32
    %and3A_1427 = vector.broadcast %and3A_1426 : i32 to vector<16xi32>
    %and3A_1428 = arith.andi %get3A_1421, %and3A_1427 : vector<16xi32>
    %gather3A_1429 = tpu.vector_load_idx %arg11[%add3A_1417, %and3A_1428] : memref<512x8xf32, #tpu.memory_space<vmem>>[vector<16xi32>, vector<16xi32>], vector<16xf32>,
    %and3A_1430 = arith.constant 7 : i32
    %and3A_1431 = vector.broadcast %and3A_1430 : i32 to vector<16xi32>
    %and3A_1432 = arith.andi %get3A_1425, %and3A_1431 : vector<16xi32>
    %gather3A_1433 = tpu.vector_load_idx %arg12[%add3A_1417, %and3A_1432] : memref<512x8xf32, #tpu.memory_space<vmem>>[vector<16xi32>, vector<16xi32>], vector<16xf32>,
    %broadcast_in_dim3A_1434 = arith.constant 0 : i32
    %broadcast_in_dim3A_1435 = vector.broadcast %broadcast_in_dim3A_1434 : i32 to vector<16xi32>
    tpu.vector_store_idx %arg13[%add3A_1417, %broadcast_in_dim3A_1435], %gather3A_1429 : memref<512x8xf32, #tpu.memory_space<vmem>>[vector<16xi32>, vector<16xi32>], vector<16xf32>,
    %broadcast_in_dim3A_1436 = arith.constant 1 : i32
    %broadcast_in_dim3A_1437 = vector.broadcast %broadcast_in_dim3A_1436 : i32 to vector<16xi32>
    tpu.vector_store_idx %arg13[%add3A_1417, %broadcast_in_dim3A_1437], %gather3A_1433 : memref<512x8xf32, #tpu.memory_space<vmem>>[vector<16xi32>, vector<16xi32>], vector<16xf32>,
    %iota3A_1438 = tpu.iota {dimensions = array<i32: 0>} : vector<16xi32>
    %add3A_1439 = arith.constant 384 : i32
    %add3A_1440 = vector.broadcast %add3A_1439 : i32 to vector<16xi32>
    %add3A_1441 = arith.addi %iota3A_1438, %add3A_1440 : vector<16xi32>
    %get3A_1442 = arith.constant 3 : i32
    %get3A_1443 = arith.index_cast %get3A_1442 : i32 to index
    %get3A_1444 = arith.constant 0 : index
    %get3A_1445 = tpu.vector_load %arg7[%get3A_1443, %get3A_1444] {strides = array<i32>} : memref<4x128xi32, #tpu.memory_space<vmem>>, vector<16xi32>,
    %get3A_1446 = arith.constant 3 : i32
    %get3A_1447 = arith.index_cast %get3A_1446 : i32 to index
    %get3A_1448 = arith.constant 0 : index
    %get3A_1449 = tpu.vector_load %arg8[%get3A_1447, %get3A_1448] {strides = array<i32>} : memref<4x128xi32, #tpu.memory_space<vmem>>, vector<16xi32>,
    %and3A_1450 = arith.constant 7 : i32
    %and3A_1451 = vector.broadcast %and3A_1450 : i32 to vector<16xi32>
    %and3A_1452 = arith.andi %get3A_1445, %and3A_1451 : vector<16xi32>
    %gather3A_1453 = tpu.vector_load_idx %arg11[%add3A_1441, %and3A_1452] : memref<512x8xf32, #tpu.memory_space<vmem>>[vector<16xi32>, vector<16xi32>], vector<16xf32>,
    %and3A_1454 = arith.constant 7 : i32
    %and3A_1455 = vector.broadcast %and3A_1454 : i32 to vector<16xi32>
    %and3A_1456 = arith.andi %get3A_1449, %and3A_1455 : vector<16xi32>
    %gather3A_1457 = tpu.vector_load_idx %arg12[%add3A_1441, %and3A_1456] : memref<512x8xf32, #tpu.memory_space<vmem>>[vector<16xi32>, vector<16xi32>], vector<16xf32>,
    %broadcast_in_dim3A_1458 = arith.constant 0 : i32
    %broadcast_in_dim3A_1459 = vector.broadcast %broadcast_in_dim3A_1458 : i32 to vector<16xi32>
    tpu.vector_store_idx %arg13[%add3A_1441, %broadcast_in_dim3A_1459], %gather3A_1453 : memref<512x8xf32, #tpu.memory_space<vmem>>[vector<16xi32>, vector<16xi32>], vector<16xf32>,
    %broadcast_in_dim3A_1460 = arith.constant 1 : i32
    %broadcast_in_dim3A_1461 = vector.broadcast %broadcast_in_dim3A_1460 : i32 to vector<16xi32>
    tpu.vector_store_idx %arg13[%add3A_1441, %broadcast_in_dim3A_1461], %gather3A_1457 : memref<512x8xf32, #tpu.memory_space<vmem>>[vector<16xi32>, vector<16xi32>], vector<16xf32>,
    %iota3A_1462 = tpu.iota {dimensions = array<i32: 0>} : vector<16xi32>
    %add3A_1463 = arith.constant 400 : i32
    %add3A_1464 = vector.broadcast %add3A_1463 : i32 to vector<16xi32>
    %add3A_1465 = arith.addi %iota3A_1462, %add3A_1464 : vector<16xi32>
    %get3A_1466 = arith.constant 3 : i32
    %get3A_1467 = arith.index_cast %get3A_1466 : i32 to index
    %get3A_1468 = arith.constant 16 : index
    %get3A_1469 = tpu.vector_load %arg7[%get3A_1467, %get3A_1468] {strides = array<i32>} : memref<4x128xi32, #tpu.memory_space<vmem>>, vector<16xi32>,
    %get3A_1470 = arith.constant 3 : i32
    %get3A_1471 = arith.index_cast %get3A_1470 : i32 to index
    %get3A_1472 = arith.constant 16 : index
    %get3A_1473 = tpu.vector_load %arg8[%get3A_1471, %get3A_1472] {strides = array<i32>} : memref<4x128xi32, #tpu.memory_space<vmem>>, vector<16xi32>,
    %and3A_1474 = arith.constant 7 : i32
    %and3A_1475 = vector.broadcast %and3A_1474 : i32 to vector<16xi32>
    %and3A_1476 = arith.andi %get3A_1469, %and3A_1475 : vector<16xi32>
    %gather3A_1477 = tpu.vector_load_idx %arg11[%add3A_1465, %and3A_1476] : memref<512x8xf32, #tpu.memory_space<vmem>>[vector<16xi32>, vector<16xi32>], vector<16xf32>,
    %and3A_1478 = arith.constant 7 : i32
    %and3A_1479 = vector.broadcast %and3A_1478 : i32 to vector<16xi32>
    %and3A_1480 = arith.andi %get3A_1473, %and3A_1479 : vector<16xi32>
    %gather3A_1481 = tpu.vector_load_idx %arg12[%add3A_1465, %and3A_1480] : memref<512x8xf32, #tpu.memory_space<vmem>>[vector<16xi32>, vector<16xi32>], vector<16xf32>,
    %broadcast_in_dim3A_1482 = arith.constant 0 : i32
    %broadcast_in_dim3A_1483 = vector.broadcast %broadcast_in_dim3A_1482 : i32 to vector<16xi32>
    tpu.vector_store_idx %arg13[%add3A_1465, %broadcast_in_dim3A_1483], %gather3A_1477 : memref<512x8xf32, #tpu.memory_space<vmem>>[vector<16xi32>, vector<16xi32>], vector<16xf32>,
    %broadcast_in_dim3A_1484 = arith.constant 1 : i32
    %broadcast_in_dim3A_1485 = vector.broadcast %broadcast_in_dim3A_1484 : i32 to vector<16xi32>
    tpu.vector_store_idx %arg13[%add3A_1465, %broadcast_in_dim3A_1485], %gather3A_1481 : memref<512x8xf32, #tpu.memory_space<vmem>>[vector<16xi32>, vector<16xi32>], vector<16xf32>,
    %iota3A_1486 = tpu.iota {dimensions = array<i32: 0>} : vector<16xi32>
    %add3A_1487 = arith.constant 416 : i32
    %add3A_1488 = vector.broadcast %add3A_1487 : i32 to vector<16xi32>
    %add3A_1489 = arith.addi %iota3A_1486, %add3A_1488 : vector<16xi32>
    %get3A_1490 = arith.constant 3 : i32
    %get3A_1491 = arith.index_cast %get3A_1490 : i32 to index
    %get3A_1492 = arith.constant 32 : index
    %get3A_1493 = tpu.vector_load %arg7[%get3A_1491, %get3A_1492] {strides = array<i32>} : memref<4x128xi32, #tpu.memory_space<vmem>>, vector<16xi32>,
    %get3A_1494 = arith.constant 3 : i32
    %get3A_1495 = arith.index_cast %get3A_1494 : i32 to index
    %get3A_1496 = arith.constant 32 : index
    %get3A_1497 = tpu.vector_load %arg8[%get3A_1495, %get3A_1496] {strides = array<i32>} : memref<4x128xi32, #tpu.memory_space<vmem>>, vector<16xi32>,
    %and3A_1498 = arith.constant 7 : i32
    %and3A_1499 = vector.broadcast %and3A_1498 : i32 to vector<16xi32>
    %and3A_1500 = arith.andi %get3A_1493, %and3A_1499 : vector<16xi32>
    %gather3A_1501 = tpu.vector_load_idx %arg11[%add3A_1489, %and3A_1500] : memref<512x8xf32, #tpu.memory_space<vmem>>[vector<16xi32>, vector<16xi32>], vector<16xf32>,
    %and3A_1502 = arith.constant 7 : i32
    %and3A_1503 = vector.broadcast %and3A_1502 : i32 to vector<16xi32>
    %and3A_1504 = arith.andi %get3A_1497, %and3A_1503 : vector<16xi32>
    %gather3A_1505 = tpu.vector_load_idx %arg12[%add3A_1489, %and3A_1504] : memref<512x8xf32, #tpu.memory_space<vmem>>[vector<16xi32>, vector<16xi32>], vector<16xf32>,
    %broadcast_in_dim3A_1506 = arith.constant 0 : i32
    %broadcast_in_dim3A_1507 = vector.broadcast %broadcast_in_dim3A_1506 : i32 to vector<16xi32>
    tpu.vector_store_idx %arg13[%add3A_1489, %broadcast_in_dim3A_1507], %gather3A_1501 : memref<512x8xf32, #tpu.memory_space<vmem>>[vector<16xi32>, vector<16xi32>], vector<16xf32>,
    %broadcast_in_dim3A_1508 = arith.constant 1 : i32
    %broadcast_in_dim3A_1509 = vector.broadcast %broadcast_in_dim3A_1508 : i32 to vector<16xi32>
    tpu.vector_store_idx %arg13[%add3A_1489, %broadcast_in_dim3A_1509], %gather3A_1505 : memref<512x8xf32, #tpu.memory_space<vmem>>[vector<16xi32>, vector<16xi32>], vector<16xf32>,
    %iota3A_1510 = tpu.iota {dimensions = array<i32: 0>} : vector<16xi32>
    %add3A_1511 = arith.constant 432 : i32
    %add3A_1512 = vector.broadcast %add3A_1511 : i32 to vector<16xi32>
    %add3A_1513 = arith.addi %iota3A_1510, %add3A_1512 : vector<16xi32>
    %get3A_1514 = arith.constant 3 : i32
    %get3A_1515 = arith.index_cast %get3A_1514 : i32 to index
    %get3A_1516 = arith.constant 48 : index
    %get3A_1517 = tpu.vector_load %arg7[%get3A_1515, %get3A_1516] {strides = array<i32>} : memref<4x128xi32, #tpu.memory_space<vmem>>, vector<16xi32>,
    %get3A_1518 = arith.constant 3 : i32
    %get3A_1519 = arith.index_cast %get3A_1518 : i32 to index
    %get3A_1520 = arith.constant 48 : index
    %get3A_1521 = tpu.vector_load %arg8[%get3A_1519, %get3A_1520] {strides = array<i32>} : memref<4x128xi32, #tpu.memory_space<vmem>>, vector<16xi32>,
    %and3A_1522 = arith.constant 7 : i32
    %and3A_1523 = vector.broadcast %and3A_1522 : i32 to vector<16xi32>
    %and3A_1524 = arith.andi %get3A_1517, %and3A_1523 : vector<16xi32>
    %gather3A_1525 = tpu.vector_load_idx %arg11[%add3A_1513, %and3A_1524] : memref<512x8xf32, #tpu.memory_space<vmem>>[vector<16xi32>, vector<16xi32>], vector<16xf32>,
    %and3A_1526 = arith.constant 7 : i32
    %and3A_1527 = vector.broadcast %and3A_1526 : i32 to vector<16xi32>
    %and3A_1528 = arith.andi %get3A_1521, %and3A_1527 : vector<16xi32>
    %gather3A_1529 = tpu.vector_load_idx %arg12[%add3A_1513, %and3A_1528] : memref<512x8xf32, #tpu.memory_space<vmem>>[vector<16xi32>, vector<16xi32>], vector<16xf32>,
    %broadcast_in_dim3A_1530 = arith.constant 0 : i32
    %broadcast_in_dim3A_1531 = vector.broadcast %broadcast_in_dim3A_1530 : i32 to vector<16xi32>
    tpu.vector_store_idx %arg13[%add3A_1513, %broadcast_in_dim3A_1531], %gather3A_1525 : memref<512x8xf32, #tpu.memory_space<vmem>>[vector<16xi32>, vector<16xi32>], vector<16xf32>,
    %broadcast_in_dim3A_1532 = arith.constant 1 : i32
    %broadcast_in_dim3A_1533 = vector.broadcast %broadcast_in_dim3A_1532 : i32 to vector<16xi32>
    tpu.vector_store_idx %arg13[%add3A_1513, %broadcast_in_dim3A_1533], %gather3A_1529 : memref<512x8xf32, #tpu.memory_space<vmem>>[vector<16xi32>, vector<16xi32>], vector<16xf32>,
    %iota3A_1534 = tpu.iota {dimensions = array<i32: 0>} : vector<16xi32>
    %add3A_1535 = arith.constant 448 : i32
    %add3A_1536 = vector.broadcast %add3A_1535 : i32 to vector<16xi32>
    %add3A_1537 = arith.addi %iota3A_1534, %add3A_1536 : vector<16xi32>
    %get3A_1538 = arith.constant 3 : i32
    %get3A_1539 = arith.index_cast %get3A_1538 : i32 to index
    %get3A_1540 = arith.constant 64 : index
    %get3A_1541 = tpu.vector_load %arg7[%get3A_1539, %get3A_1540] {strides = array<i32>} : memref<4x128xi32, #tpu.memory_space<vmem>>, vector<16xi32>,
    %get3A_1542 = arith.constant 3 : i32
    %get3A_1543 = arith.index_cast %get3A_1542 : i32 to index
    %get3A_1544 = arith.constant 64 : index
    %get3A_1545 = tpu.vector_load %arg8[%get3A_1543, %get3A_1544] {strides = array<i32>} : memref<4x128xi32, #tpu.memory_space<vmem>>, vector<16xi32>,
    %and3A_1546 = arith.constant 7 : i32
    %and3A_1547 = vector.broadcast %and3A_1546 : i32 to vector<16xi32>
    %and3A_1548 = arith.andi %get3A_1541, %and3A_1547 : vector<16xi32>
    %gather3A_1549 = tpu.vector_load_idx %arg11[%add3A_1537, %and3A_1548] : memref<512x8xf32, #tpu.memory_space<vmem>>[vector<16xi32>, vector<16xi32>], vector<16xf32>,
    %and3A_1550 = arith.constant 7 : i32
    %and3A_1551 = vector.broadcast %and3A_1550 : i32 to vector<16xi32>
    %and3A_1552 = arith.andi %get3A_1545, %and3A_1551 : vector<16xi32>
    %gather3A_1553 = tpu.vector_load_idx %arg12[%add3A_1537, %and3A_1552] : memref<512x8xf32, #tpu.memory_space<vmem>>[vector<16xi32>, vector<16xi32>], vector<16xf32>,
    %broadcast_in_dim3A_1554 = arith.constant 0 : i32
    %broadcast_in_dim3A_1555 = vector.broadcast %broadcast_in_dim3A_1554 : i32 to vector<16xi32>
    tpu.vector_store_idx %arg13[%add3A_1537, %broadcast_in_dim3A_1555], %gather3A_1549 : memref<512x8xf32, #tpu.memory_space<vmem>>[vector<16xi32>, vector<16xi32>], vector<16xf32>,
    %broadcast_in_dim3A_1556 = arith.constant 1 : i32
    %broadcast_in_dim3A_1557 = vector.broadcast %broadcast_in_dim3A_1556 : i32 to vector<16xi32>
    tpu.vector_store_idx %arg13[%add3A_1537, %broadcast_in_dim3A_1557], %gather3A_1553 : memref<512x8xf32, #tpu.memory_space<vmem>>[vector<16xi32>, vector<16xi32>], vector<16xf32>,
    %iota3A_1558 = tpu.iota {dimensions = array<i32: 0>} : vector<16xi32>
    %add3A_1559 = arith.constant 464 : i32
    %add3A_1560 = vector.broadcast %add3A_1559 : i32 to vector<16xi32>
    %add3A_1561 = arith.addi %iota3A_1558, %add3A_1560 : vector<16xi32>
    %get3A_1562 = arith.constant 3 : i32
    %get3A_1563 = arith.index_cast %get3A_1562 : i32 to index
    %get3A_1564 = arith.constant 80 : index
    %get3A_1565 = tpu.vector_load %arg7[%get3A_1563, %get3A_1564] {strides = array<i32>} : memref<4x128xi32, #tpu.memory_space<vmem>>, vector<16xi32>,
    %get3A_1566 = arith.constant 3 : i32
    %get3A_1567 = arith.index_cast %get3A_1566 : i32 to index
    %get3A_1568 = arith.constant 80 : index
    %get3A_1569 = tpu.vector_load %arg8[%get3A_1567, %get3A_1568] {strides = array<i32>} : memref<4x128xi32, #tpu.memory_space<vmem>>, vector<16xi32>,
    %and3A_1570 = arith.constant 7 : i32
    %and3A_1571 = vector.broadcast %and3A_1570 : i32 to vector<16xi32>
    %and3A_1572 = arith.andi %get3A_1565, %and3A_1571 : vector<16xi32>
    %gather3A_1573 = tpu.vector_load_idx %arg11[%add3A_1561, %and3A_1572] : memref<512x8xf32, #tpu.memory_space<vmem>>[vector<16xi32>, vector<16xi32>], vector<16xf32>,
    %and3A_1574 = arith.constant 7 : i32
    %and3A_1575 = vector.broadcast %and3A_1574 : i32 to vector<16xi32>
    %and3A_1576 = arith.andi %get3A_1569, %and3A_1575 : vector<16xi32>
    %gather3A_1577 = tpu.vector_load_idx %arg12[%add3A_1561, %and3A_1576] : memref<512x8xf32, #tpu.memory_space<vmem>>[vector<16xi32>, vector<16xi32>], vector<16xf32>,
    %broadcast_in_dim3A_1578 = arith.constant 0 : i32
    %broadcast_in_dim3A_1579 = vector.broadcast %broadcast_in_dim3A_1578 : i32 to vector<16xi32>
    tpu.vector_store_idx %arg13[%add3A_1561, %broadcast_in_dim3A_1579], %gather3A_1573 : memref<512x8xf32, #tpu.memory_space<vmem>>[vector<16xi32>, vector<16xi32>], vector<16xf32>,
    %broadcast_in_dim3A_1580 = arith.constant 1 : i32
    %broadcast_in_dim3A_1581 = vector.broadcast %broadcast_in_dim3A_1580 : i32 to vector<16xi32>
    tpu.vector_store_idx %arg13[%add3A_1561, %broadcast_in_dim3A_1581], %gather3A_1577 : memref<512x8xf32, #tpu.memory_space<vmem>>[vector<16xi32>, vector<16xi32>], vector<16xf32>,
    %iota3A_1582 = tpu.iota {dimensions = array<i32: 0>} : vector<16xi32>
    %add3A_1583 = arith.constant 480 : i32
    %add3A_1584 = vector.broadcast %add3A_1583 : i32 to vector<16xi32>
    %add3A_1585 = arith.addi %iota3A_1582, %add3A_1584 : vector<16xi32>
    %get3A_1586 = arith.constant 3 : i32
    %get3A_1587 = arith.index_cast %get3A_1586 : i32 to index
    %get3A_1588 = arith.constant 96 : index
    %get3A_1589 = tpu.vector_load %arg7[%get3A_1587, %get3A_1588] {strides = array<i32>} : memref<4x128xi32, #tpu.memory_space<vmem>>, vector<16xi32>,
    %get3A_1590 = arith.constant 3 : i32
    %get3A_1591 = arith.index_cast %get3A_1590 : i32 to index
    %get3A_1592 = arith.constant 96 : index
    %get3A_1593 = tpu.vector_load %arg8[%get3A_1591, %get3A_1592] {strides = array<i32>} : memref<4x128xi32, #tpu.memory_space<vmem>>, vector<16xi32>,
    %and3A_1594 = arith.constant 7 : i32
    %and3A_1595 = vector.broadcast %and3A_1594 : i32 to vector<16xi32>
    %and3A_1596 = arith.andi %get3A_1589, %and3A_1595 : vector<16xi32>
    %gather3A_1597 = tpu.vector_load_idx %arg11[%add3A_1585, %and3A_1596] : memref<512x8xf32, #tpu.memory_space<vmem>>[vector<16xi32>, vector<16xi32>], vector<16xf32>,
    %and3A_1598 = arith.constant 7 : i32
    %and3A_1599 = vector.broadcast %and3A_1598 : i32 to vector<16xi32>
    %and3A_1600 = arith.andi %get3A_1593, %and3A_1599 : vector<16xi32>
    %gather3A_1601 = tpu.vector_load_idx %arg12[%add3A_1585, %and3A_1600] : memref<512x8xf32, #tpu.memory_space<vmem>>[vector<16xi32>, vector<16xi32>], vector<16xf32>,
    %broadcast_in_dim3A_1602 = arith.constant 0 : i32
    %broadcast_in_dim3A_1603 = vector.broadcast %broadcast_in_dim3A_1602 : i32 to vector<16xi32>
    tpu.vector_store_idx %arg13[%add3A_1585, %broadcast_in_dim3A_1603], %gather3A_1597 : memref<512x8xf32, #tpu.memory_space<vmem>>[vector<16xi32>, vector<16xi32>], vector<16xf32>,
    %broadcast_in_dim3A_1604 = arith.constant 1 : i32
    %broadcast_in_dim3A_1605 = vector.broadcast %broadcast_in_dim3A_1604 : i32 to vector<16xi32>
    tpu.vector_store_idx %arg13[%add3A_1585, %broadcast_in_dim3A_1605], %gather3A_1601 : memref<512x8xf32, #tpu.memory_space<vmem>>[vector<16xi32>, vector<16xi32>], vector<16xf32>,
    %iota3A_1606 = tpu.iota {dimensions = array<i32: 0>} : vector<16xi32>
    %add3A_1607 = arith.constant 496 : i32
    %add3A_1608 = vector.broadcast %add3A_1607 : i32 to vector<16xi32>
    %add3A_1609 = arith.addi %iota3A_1606, %add3A_1608 : vector<16xi32>
    %get3A_1610 = arith.constant 3 : i32
    %get3A_1611 = arith.index_cast %get3A_1610 : i32 to index
    %get3A_1612 = arith.constant 112 : index
    %get3A_1613 = tpu.vector_load %arg7[%get3A_1611, %get3A_1612] {strides = array<i32>} : memref<4x128xi32, #tpu.memory_space<vmem>>, vector<16xi32>,
    %get3A_1614 = arith.constant 3 : i32
    %get3A_1615 = arith.index_cast %get3A_1614 : i32 to index
    %get3A_1616 = arith.constant 112 : index
    %get3A_1617 = tpu.vector_load %arg8[%get3A_1615, %get3A_1616] {strides = array<i32>} : memref<4x128xi32, #tpu.memory_space<vmem>>, vector<16xi32>,
    %and3A_1618 = arith.constant 7 : i32
    %and3A_1619 = vector.broadcast %and3A_1618 : i32 to vector<16xi32>
    %and3A_1620 = arith.andi %get3A_1613, %and3A_1619 : vector<16xi32>
    %gather3A_1621 = tpu.vector_load_idx %arg11[%add3A_1609, %and3A_1620] : memref<512x8xf32, #tpu.memory_space<vmem>>[vector<16xi32>, vector<16xi32>], vector<16xf32>,
    %and3A_1622 = arith.constant 7 : i32
    %and3A_1623 = vector.broadcast %and3A_1622 : i32 to vector<16xi32>
    %and3A_1624 = arith.andi %get3A_1617, %and3A_1623 : vector<16xi32>
    %gather3A_1625 = tpu.vector_load_idx %arg12[%add3A_1609, %and3A_1624] : memref<512x8xf32, #tpu.memory_space<vmem>>[vector<16xi32>, vector<16xi32>], vector<16xf32>,
    %broadcast_in_dim3A_1626 = arith.constant 0 : i32
    %broadcast_in_dim3A_1627 = vector.broadcast %broadcast_in_dim3A_1626 : i32 to vector<16xi32>
    tpu.vector_store_idx %arg13[%add3A_1609, %broadcast_in_dim3A_1627], %gather3A_1621 : memref<512x8xf32, #tpu.memory_space<vmem>>[vector<16xi32>, vector<16xi32>], vector<16xf32>,
    %broadcast_in_dim3A_1628 = arith.constant 1 : i32
    %broadcast_in_dim3A_1629 = vector.broadcast %broadcast_in_dim3A_1628 : i32 to vector<16xi32>
    tpu.vector_store_idx %arg13[%add3A_1609, %broadcast_in_dim3A_1629], %gather3A_1625 : memref<512x8xf32, #tpu.memory_space<vmem>>[vector<16xi32>, vector<16xi32>], vector<16xf32>,
    "tpu.region"() ({
      %run_scoped3A = tpu.sem_alloc : memref<!tpu.dma_semaphore, #tpu.memory_space<semaphore_mem>>
      %dma_start3A_1630 = arith.constant 0 : i32
      %dma_start3A_1631 = tpu.memref_slice %arg6[%mul3A_2, %dma_start3A_1630] : memref<16384x8xf32, #tpu.memory_space<hbm>> -> memref<512x8xf32, #tpu.memory_space<hbm>>
      %dma_start3A_1632 = arith.constant 0 : i32
      %dma_start3A_1633 = tpu.memref_slice %arg6[%mul3A_2, %dma_start3A_1632] : memref<16384x8xf32, #tpu.memory_space<hbm>> -> memref<512x8xf32, #tpu.memory_space<hbm>>
      tpu.enqueue_dma source(%arg13 : memref<512x8xf32, #tpu.memory_space<vmem>>) target(%dma_start3A_1633 : memref<512x8xf32, #tpu.memory_space<hbm>>) target_semaphore(%run_scoped3A : memref<!tpu.dma_semaphore, #tpu.memory_space<semaphore_mem>>)
      %dma_wait3A_1634 = arith.constant 0 : i32
      %dma_wait3A_1635 = tpu.memref_slice %arg6[%mul3A_2, %dma_wait3A_1634] : memref<16384x8xf32, #tpu.memory_space<hbm>> -> memref<512x8xf32, #tpu.memory_space<hbm>>
      %dma_wait3A_1636 = arith.constant 0 : i32
      %dma_wait3A_1637 = tpu.memref_slice %arg6[%mul3A_2, %dma_wait3A_1636] : memref<16384x8xf32, #tpu.memory_space<hbm>> -> memref<512x8xf32, #tpu.memory_space<hbm>>
      tpu.wait_dma2 semaphore(%run_scoped3A : memref<!tpu.dma_semaphore, #tpu.memory_space<semaphore_mem>>) src(%arg13 : memref<512x8xf32, #tpu.memory_space<vmem>>) dst(%dma_wait3A_1637 : memref<512x8xf32, #tpu.memory_space<hbm>>)
      tpu.yield
    }) : () -> ()
    return
  }
}

module attributes {stable_mosaic.version = 14 : i64} {
  func.func @_mlp_body(%arg0: i32, %arg1: memref<4096x128xf32, #tpu.memory_space<vmem>>, %arg2: memref<4096x8xf32, #tpu.memory_space<vmem>>, %arg3: memref<128x128xf32, #tpu.memory_space<vmem>>, %arg4: memref<1x128xf32, #tpu.memory_space<vmem>>, %arg5: memref<1x128xf32, #tpu.memory_space<vmem>>, %arg6: memref<128xf32, #tpu.memory_space<vmem>>, %arg7: memref<128x128xf32, #tpu.memory_space<vmem>>, %arg8: memref<128xf32, #tpu.memory_space<vmem>>, %arg9: memref<128x128xf32, #tpu.memory_space<vmem>>, %arg10: memref<128xf32, #tpu.memory_space<vmem>>, %arg11: memref<128x1xf32, #tpu.memory_space<vmem>>, %arg12: memref<1xf32, #tpu.memory_space<vmem>>, %arg13: memref<4096x1xf32, #tpu.memory_space<vmem>>, %arg14: memref<4096x1xf32, #tpu.memory_space<vmem>>) attributes {dimension_semantics = [#tpu.dimension_semantics<arbitrary>], iteration_bounds = array<i64: 4>, scalar_prefetch = 0 : i64, scratch_operands = 0 : i64, tpu.core_type = #tpu.core_type<tc>, window_params = [{transform_indices = @transform_0, window_bounds = array<i64: 4096, 128>}, {transform_indices = @transform_1, window_bounds = array<i64: 4096, 8>}, {pipeline_mode = #tpu.pipeline_mode<synchronous>, transform_indices = @transform_2, window_bounds = array<i64: 128, 128>}, {pipeline_mode = #tpu.pipeline_mode<synchronous>, transform_indices = @transform_3, window_bounds = array<i64: 1, 128>}, {pipeline_mode = #tpu.pipeline_mode<synchronous>, transform_indices = @transform_4, window_bounds = array<i64: 1, 128>}, {pipeline_mode = #tpu.pipeline_mode<synchronous>, transform_indices = @transform_5, window_bounds = array<i64: 128>}, {pipeline_mode = #tpu.pipeline_mode<synchronous>, transform_indices = @transform_6, window_bounds = array<i64: 128, 128>}, {pipeline_mode = #tpu.pipeline_mode<synchronous>, transform_indices = @transform_7, window_bounds = array<i64: 128>}, {pipeline_mode = #tpu.pipeline_mode<synchronous>, transform_indices = @transform_8, window_bounds = array<i64: 128, 128>}, {pipeline_mode = #tpu.pipeline_mode<synchronous>, transform_indices = @transform_9, window_bounds = array<i64: 128>}, {pipeline_mode = #tpu.pipeline_mode<synchronous>, transform_indices = @transform_10, window_bounds = array<i64: 128, 1>}, {pipeline_mode = #tpu.pipeline_mode<synchronous>, transform_indices = @transform_11, window_bounds = array<i64: 1>}, {transform_indices = @transform_12, window_bounds = array<i64: 4096, 1>}, {transform_indices = @transform_13, window_bounds = array<i64: 4096, 1>}]} {
    %get3A = arith.constant 0 : index
    %get3A_0 = arith.constant 0 : index
    %get3A_1 = vector.load %arg1[%get3A, %get3A_0] : memref<4096x128xf32, #tpu.memory_space<vmem>>, vector<4096x128xf32>
    %get3A_2 = arith.constant 0 : index
    %get3A_3 = arith.constant 0 : index
    %get3A_4 = vector.load %arg2[%get3A_2, %get3A_3] : memref<4096x8xf32, #tpu.memory_space<vmem>>, vector<4096x8xf32>
    %slice3A = vector.extract_strided_slice %get3A_4 {offsets = [0, 0], sizes = [4096, 1], strides = [1, 1]} : vector<4096x8xf32> to vector<4096x1xf32>
    %slice3A_5 = vector.extract_strided_slice %get3A_4 {offsets = [0, 1], sizes = [4096, 1], strides = [1, 1]} : vector<4096x8xf32> to vector<4096x1xf32>
    %get3A_6 = arith.constant 0 : index
    %get3A_7 = arith.constant 0 : index
    %get3A_8 = vector.load %arg3[%get3A_6, %get3A_7] : memref<128x128xf32, #tpu.memory_space<vmem>>, vector<128x128xf32>
    %dot_general3A = arith.constant dense<0.000000e+00> : vector<4096x128xf32>
    %dot_general3A_9 = tpu.matmul %get3A_1, %get3A_8, %dot_general3A {dimension_numbers = #tpu.dot_dimension_numbers<[1], [0], [0], [1], [0, 0, 1, 1], [], []>, transpose_lhs_hint = false} : vector<4096x128xf32>, vector<128x128xf32>, vector<4096x128xf32> -> vector<4096x128xf32>
    %get3A_10 = arith.constant 0 : index
    %get3A_11 = arith.constant 0 : index
    %get3A_12 = vector.load %arg4[%get3A_10, %get3A_11] : memref<1x128xf32, #tpu.memory_space<vmem>>, vector<1x128xf32>
    %mul3A = vector.broadcast %slice3A : vector<4096x1xf32> to vector<4096x128xf32>
    %mul3A_13 = vector.broadcast %get3A_12 : vector<1x128xf32> to vector<4096x128xf32>
    %mul3A_14 = arith.mulf %mul3A, %mul3A_13 : vector<4096x128xf32>
    %add3A = arith.addf %dot_general3A_9, %mul3A_14 : vector<4096x128xf32>
    %get3A_15 = arith.constant 0 : index
    %get3A_16 = arith.constant 0 : index
    %get3A_17 = vector.load %arg5[%get3A_15, %get3A_16] : memref<1x128xf32, #tpu.memory_space<vmem>>, vector<1x128xf32>
    %mul3A_18 = vector.broadcast %slice3A_5 : vector<4096x1xf32> to vector<4096x128xf32>
    %mul3A_19 = vector.broadcast %get3A_17 : vector<1x128xf32> to vector<4096x128xf32>
    %mul3A_20 = arith.mulf %mul3A_18, %mul3A_19 : vector<4096x128xf32>
    %add3A_21 = arith.addf %add3A, %mul3A_20 : vector<4096x128xf32>
    %get3A_22 = arith.constant 0 : index
    %get3A_23 = vector.load %arg6[%get3A_22] : memref<128xf32, #tpu.memory_space<vmem>>, vector<128xf32>
    %broadcast_in_dim3A = vector.shape_cast %get3A_23 : vector<128xf32> to vector<1x128xf32>
    %add3A_24 = vector.broadcast %broadcast_in_dim3A : vector<1x128xf32> to vector<4096x128xf32>
    %add3A_25 = arith.addf %add3A_21, %add3A_24 : vector<4096x128xf32>
    %max3A = arith.constant 0.000000e+00 : f32
    %max3A_26 = vector.broadcast %max3A : f32 to vector<4096x128xf32>
    %max3A_27 = arith.maximumf %add3A_25, %max3A_26 : vector<4096x128xf32>
    %get3A_28 = arith.constant 0 : index
    %get3A_29 = arith.constant 0 : index
    %get3A_30 = vector.load %arg7[%get3A_28, %get3A_29] : memref<128x128xf32, #tpu.memory_space<vmem>>, vector<128x128xf32>
    %dot_general3A_31 = arith.constant dense<0.000000e+00> : vector<4096x128xf32>
    %dot_general3A_32 = tpu.matmul %max3A_27, %get3A_30, %dot_general3A_31 {dimension_numbers = #tpu.dot_dimension_numbers<[1], [0], [0], [1], [0, 0, 1, 1], [], []>, transpose_lhs_hint = false} : vector<4096x128xf32>, vector<128x128xf32>, vector<4096x128xf32> -> vector<4096x128xf32>
    %get3A_33 = arith.constant 0 : index
    %get3A_34 = vector.load %arg8[%get3A_33] : memref<128xf32, #tpu.memory_space<vmem>>, vector<128xf32>
    %broadcast_in_dim3A_35 = vector.shape_cast %get3A_34 : vector<128xf32> to vector<1x128xf32>
    %add3A_36 = vector.broadcast %broadcast_in_dim3A_35 : vector<1x128xf32> to vector<4096x128xf32>
    %add3A_37 = arith.addf %dot_general3A_32, %add3A_36 : vector<4096x128xf32>
    %max3A_38 = arith.constant 0.000000e+00 : f32
    %max3A_39 = vector.broadcast %max3A_38 : f32 to vector<4096x128xf32>
    %max3A_40 = arith.maximumf %add3A_37, %max3A_39 : vector<4096x128xf32>
    %slice3A_41 = vector.extract_strided_slice %get3A_1 {offsets = [0, 0], sizes = [4096, 64], strides = [1, 1]} : vector<4096x128xf32> to vector<4096x64xf32>
    %slice3A_42 = vector.extract_strided_slice %get3A_1 {offsets = [0, 64], sizes = [4096, 64], strides = [1, 1]} : vector<4096x128xf32> to vector<4096x64xf32>
    %mul3A_43 = arith.mulf %slice3A_41, %slice3A_42 : vector<4096x64xf32>
    %reduce_sum3A = arith.constant dense<0.000000e+00> : vector<4096xf32>
    %reduce_sum3A_44 = vector.multi_reduction <add>, %mul3A_43, %reduce_sum3A [1] : vector<4096x64xf32> to vector<4096xf32>
    %broadcast_in_dim3A_45 = vector.shape_cast %reduce_sum3A_44 : vector<4096xf32> to vector<4096x1xf32>
    %add3A_46 = arith.addf %broadcast_in_dim3A_45, %slice3A : vector<4096x1xf32>
    %add3A_47 = arith.addf %add3A_46, %slice3A_5 : vector<4096x1xf32>
    %get3A_48 = arith.constant 0 : index
    %get3A_49 = arith.constant 0 : index
    %get3A_50 = vector.load %arg9[%get3A_48, %get3A_49] : memref<128x128xf32, #tpu.memory_space<vmem>>, vector<128x128xf32>
    %dot_general3A_51 = arith.constant dense<0.000000e+00> : vector<4096x128xf32>
    %dot_general3A_52 = tpu.matmul %max3A_40, %get3A_50, %dot_general3A_51 {dimension_numbers = #tpu.dot_dimension_numbers<[1], [0], [0], [1], [0, 0, 1, 1], [], []>, transpose_lhs_hint = false} : vector<4096x128xf32>, vector<128x128xf32>, vector<4096x128xf32> -> vector<4096x128xf32>
    %get3A_53 = arith.constant 0 : index
    %get3A_54 = vector.load %arg10[%get3A_53] : memref<128xf32, #tpu.memory_space<vmem>>, vector<128xf32>
    %broadcast_in_dim3A_55 = vector.shape_cast %get3A_54 : vector<128xf32> to vector<1x128xf32>
    %add3A_56 = vector.broadcast %broadcast_in_dim3A_55 : vector<1x128xf32> to vector<4096x128xf32>
    %add3A_57 = arith.addf %dot_general3A_52, %add3A_56 : vector<4096x128xf32>
    %add3A_58 = vector.broadcast %add3A_47 : vector<4096x1xf32> to vector<4096x128xf32>
    %add3A_59 = arith.addf %add3A_57, %add3A_58 : vector<4096x128xf32>
    %get3A_60 = arith.constant 0 : index
    %get3A_61 = arith.constant 0 : index
    %get3A_62 = vector.load %arg11[%get3A_60, %get3A_61] : memref<128x1xf32, #tpu.memory_space<vmem>>, vector<128x1xf32>
    %dot_general3A_63 = arith.constant dense<0.000000e+00> : vector<4096x1xf32>
    %dot_general3A_64 = tpu.matmul %add3A_59, %get3A_62, %dot_general3A_63 {dimension_numbers = #tpu.dot_dimension_numbers<[1], [0], [0], [1], [0, 0, 1, 1], [], []>, transpose_lhs_hint = false} : vector<4096x128xf32>, vector<128x1xf32>, vector<4096x1xf32> -> vector<4096x1xf32>
    %get3A_65 = arith.constant 0 : index
    %get3A_66 = vector.load %arg12[%get3A_65] : memref<1xf32, #tpu.memory_space<vmem>>, vector<1xf32>
    %broadcast_in_dim3A_67 = vector.shape_cast %get3A_66 : vector<1xf32> to vector<1x1xf32>
    %add3A_68 = vector.broadcast %broadcast_in_dim3A_67 : vector<1x1xf32> to vector<4096x1xf32>
    %add3A_69 = arith.addf %dot_general3A_64, %add3A_68 : vector<4096x1xf32>
    %swap3A = arith.constant 0 : index
    %swap3A_70 = arith.constant 0 : index
    %swap3A_71 = vector.load %arg13[%swap3A, %swap3A_70] : memref<4096x1xf32, #tpu.memory_space<vmem>>, vector<4096x1xf32>
    tpu.vector_store %arg13[%swap3A, %swap3A_70], %add3A_47 {strides = array<i32>} : memref<4096x1xf32, #tpu.memory_space<vmem>>, vector<4096x1xf32>,
    %swap3A_72 = arith.constant 0 : index
    %swap3A_73 = arith.constant 0 : index
    %swap3A_74 = vector.load %arg14[%swap3A_72, %swap3A_73] : memref<4096x1xf32, #tpu.memory_space<vmem>>, vector<4096x1xf32>
    tpu.vector_store %arg14[%swap3A_72, %swap3A_73], %add3A_69 {strides = array<i32>} : memref<4096x1xf32, #tpu.memory_space<vmem>>, vector<4096x1xf32>,
    return
  }
  func.func @transform_0(%arg0: i32) -> (i32, i32) {
    %c0_i32 = arith.constant 0 : i32
    %c0_i32_0 = arith.constant 0 : i32
    return %arg0, %c0_i32 : i32, i32
  }
  func.func @transform_1(%arg0: i32) -> (i32, i32) {
    %c0_i32 = arith.constant 0 : i32
    %c0_i32_0 = arith.constant 0 : i32
    return %arg0, %c0_i32 : i32, i32
  }
  func.func @transform_2(%arg0: i32) -> (i32, i32) {
    %c0_i32 = arith.constant 0 : i32
    %c0_i32_0 = arith.constant 0 : i32
    %c0_i32_1 = arith.constant 0 : i32
    return %c0_i32, %c0_i32_0 : i32, i32
  }
  func.func @transform_3(%arg0: i32) -> (i32, i32) {
    %c0_i32 = arith.constant 0 : i32
    %c0_i32_0 = arith.constant 0 : i32
    %c0_i32_1 = arith.constant 0 : i32
    return %c0_i32, %c0_i32_0 : i32, i32
  }
  func.func @transform_4(%arg0: i32) -> (i32, i32) {
    %c0_i32 = arith.constant 0 : i32
    %c0_i32_0 = arith.constant 0 : i32
    %c0_i32_1 = arith.constant 0 : i32
    return %c0_i32, %c0_i32_0 : i32, i32
  }
  func.func @transform_5(%arg0: i32) -> i32 {
    %c0_i32 = arith.constant 0 : i32
    %c0_i32_0 = arith.constant 0 : i32
    return %c0_i32 : i32
  }
  func.func @transform_6(%arg0: i32) -> (i32, i32) {
    %c0_i32 = arith.constant 0 : i32
    %c0_i32_0 = arith.constant 0 : i32
    %c0_i32_1 = arith.constant 0 : i32
    return %c0_i32, %c0_i32_0 : i32, i32
  }
  func.func @transform_7(%arg0: i32) -> i32 {
    %c0_i32 = arith.constant 0 : i32
    %c0_i32_0 = arith.constant 0 : i32
    return %c0_i32 : i32
  }
  func.func @transform_8(%arg0: i32) -> (i32, i32) {
    %c0_i32 = arith.constant 0 : i32
    %c0_i32_0 = arith.constant 0 : i32
    %c0_i32_1 = arith.constant 0 : i32
    return %c0_i32, %c0_i32_0 : i32, i32
  }
  func.func @transform_9(%arg0: i32) -> i32 {
    %c0_i32 = arith.constant 0 : i32
    %c0_i32_0 = arith.constant 0 : i32
    return %c0_i32 : i32
  }
  func.func @transform_10(%arg0: i32) -> (i32, i32) {
    %c0_i32 = arith.constant 0 : i32
    %c0_i32_0 = arith.constant 0 : i32
    %c0_i32_1 = arith.constant 0 : i32
    return %c0_i32, %c0_i32_0 : i32, i32
  }
  func.func @transform_11(%arg0: i32) -> i32 {
    %c0_i32 = arith.constant 0 : i32
    %c0_i32_0 = arith.constant 0 : i32
    return %c0_i32 : i32
  }
  func.func @transform_12(%arg0: i32) -> (i32, i32) {
    %c0_i32 = arith.constant 0 : i32
    %c0_i32_0 = arith.constant 0 : i32
    return %arg0, %c0_i32 : i32, i32
  }
  func.func @transform_13(%arg0: i32) -> (i32, i32) {
    %c0_i32 = arith.constant 0 : i32
    %c0_i32_0 = arith.constant 0 : i32
    return %arg0, %c0_i32 : i32, i32
  }
}

</mosaic_0001>

<sc_bundles>
// kernel: kernel.12.cloned.1.call-start
scs
__scs_entry_jumppad:
0x0: {  	(pc) =	sbr.rel $0x88, $3  }
0x1: {  	(tag) =	ssettag $0x0;
	lr =	simm.s32 $0x1  }
0x2: {  	[smem:$0x3F93] =	sst lr;
	_ =	strace $0xD0000000  }
0x3: {  	_ = 	snop  }
0x4: {  	_ = 	snop  }
0x5: {  	_ = 	snop  }
0x6: {  	_ = 	snop  }
0x7: {  	_ = 	snop  }
__scs_overlays_trampoline_lowered:
0x8: {  	[smem:$0x3FA2] =	sst s0  }
0x9: {  	[smem:$0x3FA3] =	sst s1  }
0xa: {  	[smem:$0x3FA4] =	sst s2  }
0xb: {  	[smem:$0x3FA5] =	sst s3  }
0xc: {  	[smem:$0x3FA6] =	sst s4  }
0xd: {  	[smem:$0x3FA7] =	sst s5  }
0xe: {  	[smem:$0x3FA8] =	sst s6  }
0xf: {  	[smem:$0x3FA9] =	sst s7  }
0x10: {  	[smem:$0x3FAA] =	sst s8  }
0x11: {  	[smem:$0x3FAB] =	sst s9;
	s0 =	simm.s32 @!p0 $0x0  }
0x12: {  	s1 =	sld [smem:$0x3F91];
	s0 =	simm.s32 @p0 $0x1  }
0x13: {  	[smem:$0x3FAC] =	sst s0;
	s0 =	simm.s32 @!p1 $0x0  }
0x14: {  	s2 =	sld [smem:$0x3F90];
	s0 =	simm.s32 @p1 $0x1  }
0x15: {  	[smem:$0x3FAD] =	sst s0;
	s0 =	simm.s32 @!p2 $0x0  }
0x16: {  	s3 =	sld [smem:$0x3FDB];
	s0 =	simm.s32 @p2 $0x1  }
0x17: {  	s4 =	simm.s32 $0x1BF5;
	[smem:$0x3FAF] =	sst s0  }
0x18: {  	s0 =	sld [smem:$0x3F92];
	_ =	swait.ge [sflag:s4], $0x0  }
0x19: {  	s7 =	sld [smem:$0x3F93]  }
0x1a: {  	s8 =	sadd.s32 $0xFFFFE003, lr  }
0x1b: {  	s9 =	sadd.s32 $0xFFFFFEF7, lr;
	s5 =	simm.s32 $0xFFFFFFFF;
	p2 =	slt.u32 s8, $0xFFFFF086  }
0x1c: {  	p1 =	slt.u32 s9, $0xF7A;
	s5 =	simm.s32 @!p2 $0x0  }
0x1d: {  	s5 =	simm.s32 @p1 $0x1;
	p0 =	seq.s32 s7, s2  }
0x1e: {  	s7 =	smul.u32 @!p0 $0xF7A, s2;
	p2 =	seq.s32 @!p0 s5, $0x0  }
0x1f: {  	s9 =	smul.u32 $0xF7A, s1;
	s8 =	simm.s32 @!p0 $0x1BF5;
	p2 =	por !p2, p0  }
0x20: {  	[sflag:s8] =	ssyncset.s32 @!p0 $0xFFFFF086;
	s6 =	sadd.s32 @!p0 s3, s7;
	s7 =	simm.s32 @!p0 $0x108  }
0x21: {  	s3 =	sadd.s32 s3, s9;
	s6 =	sadd.s32 @!p0 $0x88, s6;
	s7 =	simm.s32 @p2 $0x1082  }
0x22: {  	[simem:s7], [sflag:s8] =	dma.local @!p0 [hbm:s6], $0xF7A  }
0x23: {  	s9 =	sor.u32 $0xD0000000, s2;
	s6 =	simm.s32 $0x108;
	_ =	swait.ge @!p0 [sflag:s8], $0x0  }
0x24: {  	s3 =	sadd.s32 $0x88, s3;
	s6 =	simm.s32 @!p1 $0x1082;
	[sflag:s4] =	ssyncset.s32 $0xFFFFF086  }
0x25: {  	[simem:s6], [sflag:s4] =	dma.local [hbm:s3], $0xF7A  }
0x26: {  	[smem:$0x3F93] =	sst s1;
	(tag) =	ssettag s2;
	_ =	strace s9  }
0x27: {  	s1 =	sld [smem:$0x3FA3]  }
0x28: {  	s2 =	sld [smem:$0x3FA4]  }
0x29: {  	s4 =	sld [smem:$0x3FA6]  }
0x2a: {  	p0 =	seq.s32 s5, $0x0;
	s5 =	sld [smem:$0x3FA7]  }
0x2b: {  	s6 =	sld [smem:$0x3FA8]  }
0x2c: {  	s7 =	sld [smem:$0x3FA9]  }
0x2d: {  	s3 =	simm.s32 $0x108;
	s8 =	sld [smem:$0x3FAA]  }
0x2e: {  	s3 =	simm.s32 @!p0 $0x1082;
	s9 =	sld [smem:$0x3FAB]  }
0x2f: {  	lr =	sadd.s32 s0, s3;
	s0 =	sld [smem:$0x3FA2]  }
0x30: {  	s3 =	sld [smem:$0x3FA5]  }
0x31: {  	[smem:$0x3FAE] =	sst s10  }
0x32: {  	s10 =	sld [smem:$0x3FAC];
	_ =	sdelay $0x3  }
0x33: {  	p0 =	seq.s32 s10, $0x1;
	s10 =	sld [smem:$0x3FAE];
	_ =	sdelay $0x3  }
0x34: {  	[smem:$0x3FAE] =	sst s10  }
0x35: {  	s10 =	sld [smem:$0x3FAD];
	_ =	sdelay $0x3  }
0x36: {  	p1 =	seq.s32 s10, $0x1;
	s10 =	sld [smem:$0x3FAE];
	_ =	sdelay $0x3  }
0x37: {  	[smem:$0x3FAE] =	sst s10  }
0x38: {  	s10 =	sld [smem:$0x3FAF]  }
0x39: {  	_ = 	snop;
	(pc) =	sbr.ind lr, $3  }
0x3a: {  	_ = 	snop  }
0x3b: {  	_ = 	snop  }
0x3c: {  	p2 =	seq.s32 s10, $0x1;
	s10 =	sld [smem:$0x3FAE]  }
0x3d: {  	_ =	shalt  }
0x3e: {  	_ =	shalt  }
0x3f: {  	_ =	shalt  }
0x40: {  	_ =	shalt  }
0x41: {  	_ =	shalt  }
0x42: {  	_ =	shalt  }
0x43: {  	_ =	shalt  }
0x44: {  	_ =	shalt  }
0x45: {  	_ =	shalt  }
0x46: {  	_ =	shalt  }
0x47: {  	_ =	shalt  }
0x48: {  	_ =	shalt  }
0x49: {  	_ =	shalt  }
0x4a: {  	_ =	shalt  }
0x4b: {  	_ =	shalt  }
0x4c: {  	_ =	shalt  }
0x4d: {  	_ =	shalt  }
0x4e: {  	_ =	shalt  }
0x4f: {  	_ =	shalt  }
0x50: {  	_ =	shalt  }
0x51: {  	_ =	shalt  }
0x52: {  	_ =	shalt  }
0x53: {  	_ =	shalt  }
0x54: {  	_ =	shalt  }
0x55: {  	_ =	shalt  }
0x56: {  	_ =	shalt  }
0x57: {  	_ =	shalt  }
0x58: {  	_ =	shalt  }
0x59: {  	_ =	shalt  }
0x5a: {  	_ =	shalt  }
0x5b: {  	_ =	shalt  }
0x5c: {  	_ =	shalt  }
0x5d: {  	_ =	shalt  }
0x5e: {  	_ =	shalt  }
0x5f: {  	_ =	shalt  }
0x60: {  	_ =	shalt  }
0x61: {  	_ =	shalt  }
0x62: {  	_ =	shalt  }
0x63: {  	_ =	shalt  }
0x64: {  	_ =	shalt  }
0x65: {  	_ =	shalt  }
0x66: {  	_ =	shalt  }
0x67: {  	_ =	shalt  }
0x68: {  	_ =	shalt  }
0x69: {  	_ =	shalt  }
0x6a: {  	_ =	shalt  }
0x6b: {  	_ =	shalt  }
0x6c: {  	_ =	shalt  }
0x6d: {  	_ =	shalt  }
0x6e: {  	_ =	shalt  }
0x6f: {  	_ =	shalt  }
0x70: {  	_ =	shalt  }
0x71: {  	_ =	shalt  }
0x72: {  	_ =	shalt  }
0x73: {  	_ =	shalt  }
0x74: {  	_ =	shalt  }
0x75: {  	_ =	shalt  }
0x76: {  	_ =	shalt  }
0x77: {  	_ =	shalt  }
0x78: {  	_ =	shalt  }
0x79: {  	_ =	shalt  }
0x7a: {  	_ =	shalt  }
0x7b: {  	_ =	shalt  }
0x7c: {  	_ =	shalt  }
0x7d: {  	_ =	shalt  }
0x7e: {  	_ =	shalt  }
0x7f: {  	_ =	shalt  }
0x80: {  	_ =	shalt  }
0x81: {  	_ =	shalt  }
0x82: {  	_ =	shalt  }
0x83: {  	_ =	shalt  }
0x84: {  	_ =	shalt  }
0x85: {  	_ =	shalt  }
0x86: {  	_ =	shalt  }
0x87: {  	_ =	shalt  }
.Lfunc_end0:
.L_simem_size_0:
called_computation.2_lowered:
.L_overlay_start_0:
0x88: {  	s2 =	sld [smem:$0x3FD9]  }
0x89: {  	s3 =	sld [smem:$0x3FFE];
	_ =	sdelay $0x1  }
0x8a: {  	s1 =	srdreg.scid  }
0x8b: {  	s0 =	sand.u32 $0x1, s1  }
0x8c: {  	s17 =	sshll.u32 s0, $0xA;
	s2 =	sadd.s32 s3, s2  }
0x8d: {  	s2 =	sadd.s32 s2, s17  }
0x8e: {  	[smem:$0x3FBA] =	sst s2  }
0x8f: {  	_ = 	snop  }
0x90: {  	s2 =	sld [smem:$0x3FC9]  }
0x91: {  	s18 =	sld [smem:$0x3FC8];
	(tm) =	ssettm $0x1  }
0x92: {  	s4 =	sld [smem:$0x3FFB];
	_ =	sdelay $0x3  }
0x93: {  	_ =	strace s4  }
0x94: {  	s4 =	sld [smem:$0x3FFC];
	_ =	sdelay $0x3  }
0x95: {  	_ =	strace s4  }
0x96: {  	s4 =	sld [smem:$0x3FFD];
	_ =	sdelay $0x3  }
0x97: {  	_ =	strace s4  }
0x98: {  	_ =	strace $0x8FFFFFFF  }
0x99: {  	s19 =	sld [smem:$0x3FDB];
	_ =	sdelay $0x1  }
0x9a: {  	s5 =	simm.s32 $_scs_section_size  }
0x9b: {  	s6 =	simm.s32 $_size__tile_overlayer_lowered;
	s7 =	simm.s32 $_tile_overlayer_lowered  }
0x9c: {  	s22 =	simm.s32 $0x1BFF;
	s21 =	sshll.u32 s7, $0x1;
	s4 =	sadd.s32 s5, s19  }
0x9d: {  	s8 =	simm.s32 $0x0;
	s20 =	sshll.u32 s6, $0x1;
	s6 =	sadd.s32 s21, s4  }
0x9e: {  	[timem:s8], [sflag:s22] =	dma.local [hbm:s6], s20  }
0x9f: {  	_ =	swait.ge [sflag:s22], s20  }
0xa0: {  	s5 =	ssub.s32 $0x0, s20;
	[sflag:s22] =	ssyncset.done $0x0  }
0xa1: {  	[sflag:s22] =	ssyncadd.s32 s5;
	_ =	sdelay $0x1  }
0xa2: {  	s23 =	simm.s32 $0x1B8B  }
0xa3: {  	_ =	swait.ge [sflag:s23], $0x1  }
0xa4: {  	[sflag:s23] =	ssyncset.done $0x0  }
0xa5: {  	s25 =	simm.s32 $0x1B8E;
	s24 =	sld [smem:$0x3FFE];
	[sflag:s23] =	ssyncadd.s32 $0xFFFFFFFF  }
0xa6: {  	s26 =	simm.s32 $execute0_lowered;
	[smem:$0x3FD2] =	sst s25  }
0xa7: {  	s6 =	sshll.u32 s26, $0x1;
	_ =	strace $0x80000049;
	[dreg:$0x1] =	wrdreg $0xFFFFFFFF  }
0xa8: {  	s28 =	simm.s32 $_size_execute0_lowered;
	s4 =	sadd.s32 s4, s6;
	[dreg:$0x0] =	wrdreg $0x0  }
0xa9: {  	s6 =	sshll.u32 s28, $0x1;
	[dreg:$0x2] =	wrdreg s4  }
0xaa: {  	[dreg:$0x3] =	wrdreg s6  }
0xab: {  	[dreg:$0x4] =	wrdreg $0xC0  }
0xac: {  	_ =	task [dreg:s8], $0x5FFFF  }
0xad: {  	[dreg:$0x1] =	wrdreg $0xFFFFFFFF  }
0xae: {  	[dreg:$0x0] =	wrdreg $0x60  }
0xaf: {  	[dreg:$0x2] =	wrdreg s18  }
0xb0: {  	[dreg:$0x3] =	wrdreg s2  }
0xb1: {  	[dreg:$0x4] =	wrdreg s24  }
0xb2: {  	[dreg:$0x5] =	wrdreg $0xA  }
0xb3: {  	_ =	task.clear_ibuf [dreg:s8], $0x6FFFF;
	_ =	strace $0x90000049  }
0xb4: {  	s29 =	simm.s32 $0xA;
	_ =	strace $0x8000004B  }
0xb5: {  	_ =	swait.ge [sflag:s29], $0x1  }
0xb6: {  	[sflag:s29] =	ssyncadd.s32 $0xFFFFFFFF  }
0xb7: {  	_ =	strace $0x9000004B  }
0xb8: {  	_ =	sfence  }
0xb9: {  	s30 =	sld [smem:$0x0];
	_ =	sdelay $0x2  }
0xba: {  	s31 =	sshll.u32 s1, $0xD;
	s1 =	sshrl.u32 s1, $0x2  }
0xbb: {  	s3 =	sand.u32 $0x4000, s31;
	s1 =	sadd.s32 s1, s30  }
0xbc: {  	s0 =	sor.u32 s3, s0;
	s1 =	sshll.u32 s1, $0x11  }
0xbd: {  	s0 =	sor.u32 s1, s0  }
0xbe: {  	s0 =	sadd.s32 $0x8F2B, s0  }
0xbf: {  	[sflag:s0] =	ssyncadd.remote.s32 $0x1  }
0xc0: {  	_ =	sfence.sel $0xFFFF  }
0xc1: {  	[dreg:$0x0] =	wrdreg $0xFFFFFFFF;
	(pc) =	sbr.abs _section_cstart, $3  }
0xc2: {  	[dreg:$0x1] =	wrdreg $0xFFFFFFFF  }
0xc3: {  	_ =	task.clear_ibuf [dreg:s8], $0x2FFFF;
	_ =	strace $0x9FFFFFFF  }
0xc4: {  	(tm) =	ssettm $0x7FFFFFFF  }
0xc5: {  	_ =	shalt  }
tec
execute0_lowered:
.L_overlay_start_1:
0x0: {  	(tag) =	ssettag $0x1  }
0x1: {  	v0 =	vlaneseq.u32  }
0x2: {  	v0 =	vmul.u32 $0x8, v0;
	_ =	sdelay $0x1  }
0x3: {  	v1 =	vor.u32 $0x1, v0;
	v2 =	vor.u32 $0x80, v0;
	v4 =	vor.u32 $0x100, v0  }
0x4: {  	v6 =	vor.u32 $0x180, v0;
	v8 =	vor.u32 $0x200, v0;
	v10 =	vor.u32 $0x280, v0  }
0x5: {  	v12 =	vor.u32 $0x300, v0;
	v13 =	vor.u32 $0x301, v0;
	v14 =	vor.u32 $0x380, v0  }
0x6: {  	s5 =	rddreg [dreg:$0x0];
	v15 =	vor.u32 $0x381, v0;
	v16 =	vor.u32 $0x400, v0;
	v17 =	vor.u32 $0x401, v0  }
0x7: {  	s6 =	rddreg [dreg:$0x1];
	v18 =	vor.u32 $0x480, v0;
	v19 =	vor.u32 $0x481, v0;
	v20 =	vor.u32 $0x500, v0  }
0x8: {  	s7 =	rddreg [dreg:$0x2];
	v21 =	vor.u32 $0x501, v0;
	v22 =	vor.u32 $0x580, v0;
	v23 =	vor.u32 $0x581, v0  }
0x9: {  	s0 =	rddreg [dreg:$0x3];
	v24 =	vor.u32 $0x600, v0;
	v25 =	vor.u32 $0x601, v0;
	v26 =	vor.u32 $0x680, v0  }
0xa: {  	s2 =	simm.s32 $0x0;
	s3 =	srdreg.scid;
	s1 =	stileid.u32;
	v27 =	vor.u32 $0x681, v0;
	v28 =	vor.u32 $0x700, v0;
	v29 =	vor.u32 $0x701, v0  }
0xb: {  	s11 =	simm.s32 $0x80;
	s12 =	simm.s32 $0x400;
	s13 =	simm.s32 $0x800;
	v30 =	vor.u32 $0x780, v0;
	v31 =	vor.u32 $0x781, v0;
	v32 =	vor.u32 $0x800, v0  }
0xc: {  	s14 =	simm.s32 $0x600;
	s15 =	simm.s32 $0x1800;
	s16 =	simm.s32 $0x480;
	v33 =	vor.u32 $0x801, v0;
	v34 =	vor.u32 $0x880, v0;
	v35 =	vor.u32 $0x881, v0  }
0xd: {  	s17 =	simm.s32 $0xC00;
	s18 =	simm.s32 $0x680;
	s19 =	simm.s32 $0x1C00;
	v36 =	vor.u32 $0x900, v0;
	v37 =	vor.u32 $0x901, v0;
	v38 =	vor.u32 $0x980, v0  }
0xe: {  	s20 =	simm.s32 $0x500;
	s21 =	simm.s32 $0x1000;
	s22 =	simm.s32 $0x700;
	v39 =	vor.u32 $0x981, v0;
	v40 =	vor.u32 $0xA00, v0;
	v41 =	vor.u32 $0xA01, v0  }
0xf: {  	s23 =	simm.s32 $0x2000;
	s24 =	simm.s32 $0x580;
	s25 =	simm.s32 $0x1400;
	v42 =	vor.u32 $0xA80, v0;
	v43 =	vor.u32 $0xA81, v0;
	v44 =	vor.u32 $0xB00, v0  }
0x10: {  	s28 =	simm.s32 $0x2400;
	s29 =	simm.s32 $0x1;
	s30 =	simm.s32 $0x2;
	v45 =	vor.u32 $0xB01, v0;
	v46 =	vor.u32 $0xB80, v0;
	v47 =	vor.u32 $0xB81, v0  }
0x11: {  	s31 =	simm.s32 $0x2800;
	s8 =	sand.u32 $0x1, s3;
	s4 =	sshll.u32 s1, $0x1;
	v48 =	vor.u32 $0xC00, v0;
	v49 =	vor.u32 $0xC01, v0;
	[tilespmem:$0x1FFA0] =	vst v1;
	v1 =	vor.u32 $0x81, v0  }
0x12: {  	[smem:$0x7FF] =	sst s2;
	s3 =	sadd.s32 $0x18D000, s7;
	s9 =	sor.u32 s8, s4;
	v50 =	vor.u32 $0xC80, v0;
	v51 =	vor.u32 $0xC81, v0;
	[tilespmem:$0x1FFB0] =	vst v1;
	v1 =	vor.u32 $0x101, v0  }
0x13: {  	s4 =	sadd.s32 $0x3400, s7;
	s8 =	ssub.s32 $0x2, s8;
	s10 =	sshll.u32 s9, $0x9;
	v52 =	vor.u32 $0xD00, v0;
	v53 =	vor.u32 $0xD01, v0;
	[tilespmem:$0x1FFC0] =	vst v1;
	v1 =	vor.u32 $0x181, v0  }
0x14: {  	s26 =	sshrl.u32 s8, $0x1;
	s9 =	sshll.u32 s9, $0x6;
	v54 =	vor.u32 $0xD80, v0;
	v55 =	vor.u32 $0xD81, v0;
	s7 =	sadd.s32 s10, s7;
	[tilespmem:$0x1FFD0] =	vst v1;
	v1 =	vor.u32 $0x201, v0  }
0x15: {  	v56 =	vor.u32 $0xE00, v0;
	v57 =	vor.u32 $0xE01, v0;
	s8 =	ssub.s32 s8, s26;
	s5 =	sadd.s32 s5, s9;
	s6 =	sadd.s32 s6, s9;
	[tilespmem:$0x1FFE0] =	vst v1;
	v1 =	vor.u32 $0x281, v0  }
0x16: {  	v58 =	vor.u32 $0xE80, v0;
	v59 =	vor.u32 $0xE81, v0;
	v60 =	vor.u32 $0xF00, v0;
	s9 =	simm.s32 $0x3;
	s10 =	simm.s32 $0x200;
	s26 =	simm.s32 $0x780;
	[tilespmem:$0x1FFF0] =	vst v1  }
0x17: {  	v61 =	vor.u32 $0xF01, v0;
	v62 =	vor.u32 $0xF80, v0;
	v63 =	vor.u32 $0xF81, v0;
	s7 =	sadd.s32 $0x6600, s7;
	s8 =	smax.u32 s8, $0x1;
	_ =	strace $0x8000004A  }
.LBB2_1:
0x18: {  	[tilespmem:s2], [sflag:$0x3] =	stream.linear.gather [hbm4b:s5+s2], $0x200, $0x38;
	[tilespmem:$0x3800] =	vst v63  }
0x19: {  	_ =	swait.ge [sflag:s9], $0x200  }
0x1a: {  	[sflag:s9] =	ssyncset.done $0x0  }
0x1b: {  	[sflag:s9] =	ssyncadd.s32 $0xFFFFFE00  }
0x1c: {  	[tilespmem:s10], [sflag:$0x3] =	stream.linear.gather [hbm4b:s6+s2], $0x200, $0x38;
	[tilespmem:$0x3800] =	vst v63  }
0x1d: {  	_ =	swait.ge [sflag:s9], $0x200  }
0x1e: {  	[sflag:s9] =	ssyncset.done $0x0  }
0x1f: {  	[sflag:s9] =	ssyncadd.s32 $0xFFFFFE00  }
0x20: {  	v1 =	vld [tilespmem:$0x0]  }
0x21: {  	v3 =	vld [tilespmem:$0x200]  }
0x22: {  	v5 =	vld [tilespmem:$0x10]  }
0x23: {  	v7 =	vld [tilespmem:$0x210]  }
0x24: {  	v9 =	vld [tilespmem:$0x20]  }
0x25: {  	v11 =	vld [tilespmem:$0x220];
	v1 =	vshra.s32 v1, $0x3  }
0x26: {  	[tilespmem:$0x400] =	vst v1;
	v1 =	vshra.s32 v3, $0x3;
	v3 =	vld [tilespmem:$0x30]  }
0x27: {  	[tilespmem:$0x600] =	vst v1;
	v1 =	vshra.s32 v5, $0x3;
	v5 =	vld [tilespmem:$0x230]  }
0x28: {  	[tilespmem:$0x410] =	vst v1;
	v1 =	vshra.s32 v7, $0x3;
	v7 =	vld [tilespmem:$0x40]  }
0x29: {  	[tilespmem:$0x610] =	vst v1;
	v1 =	vshra.s32 v9, $0x3;
	v9 =	vld [tilespmem:$0x240]  }
0x2a: {  	[tilespmem:$0x420] =	vst v1;
	v1 =	vshra.s32 v11, $0x3;
	v11 =	vld [tilespmem:$0x50]  }
0x2b: {  	[tilespmem:$0x620] =	vst v1;
	v1 =	vshra.s32 v3, $0x3;
	v3 =	vld [tilespmem:$0x250]  }
0x2c: {  	[tilespmem:$0x430] =	vst v1;
	v1 =	vshra.s32 v5, $0x3;
	v5 =	vld [tilespmem:$0x60]  }
0x2d: {  	[tilespmem:$0x630] =	vst v1;
	v1 =	vshra.s32 v7, $0x3;
	v7 =	vld [tilespmem:$0x260]  }
0x2e: {  	[tilespmem:$0x440] =	vst v1;
	v1 =	vshra.s32 v9, $0x3;
	v9 =	vld [tilespmem:$0x70]  }
0x2f: {  	[tilespmem:$0x640] =	vst v1;
	v1 =	vshra.s32 v11, $0x3;
	v11 =	vld [tilespmem:$0x270]  }
0x30: {  	[tilespmem:$0x450] =	vst v1;
	v1 =	vshra.s32 v3, $0x3;
	v3 =	vld [tilespmem:$0x80]  }
0x31: {  	[tilespmem:$0x650] =	vst v1;
	v1 =	vshra.s32 v5, $0x3;
	v5 =	vld [tilespmem:$0x280]  }
0x32: {  	[tilespmem:$0x460] =	vst v1;
	v1 =	vshra.s32 v7, $0x3;
	v7 =	vld [tilespmem:$0x90]  }
0x33: {  	[tilespmem:$0x660] =	vst v1;
	v1 =	vshra.s32 v9, $0x3;
	v9 =	vld [tilespmem:$0x290]  }
0x34: {  	[tilespmem:$0x470] =	vst v1;
	v1 =	vshra.s32 v11, $0x3;
	v11 =	vld [tilespmem:$0xA0]  }
0x35: {  	[tilespmem:$0x670] =	vst v1;
	v1 =	vshra.s32 v3, $0x3;
	v3 =	vld [tilespmem:$0x2A0]  }
0x36: {  	[tilespmem:$0x480] =	vst v1;
	v1 =	vshra.s32 v5, $0x3;
	v5 =	vld [tilespmem:$0xB0]  }
0x37: {  	[tilespmem:$0x680] =	vst v1;
	v1 =	vshra.s32 v7, $0x3;
	v7 =	vld [tilespmem:$0x2B0]  }
0x38: {  	[tilespmem:$0x490] =	vst v1;
	v1 =	vshra.s32 v9, $0x3;
	v9 =	vld [tilespmem:$0xC0]  }
0x39: {  	[tilespmem:$0x690] =	vst v1;
	v1 =	vshra.s32 v11, $0x3;
	v11 =	vld [tilespmem:$0x2C0]  }
0x3a: {  	[tilespmem:$0x4A0] =	vst v1;
	v1 =	vshra.s32 v3, $0x3;
	v3 =	vld [tilespmem:$0xD0]  }
0x3b: {  	[tilespmem:$0x6A0] =	vst v1;
	v1 =	vshra.s32 v5, $0x3;
	v5 =	vld [tilespmem:$0x2D0]  }
0x3c: {  	[tilespmem:$0x4B0] =	vst v1;
	v1 =	vshra.s32 v7, $0x3;
	v7 =	vld [tilespmem:$0xE0]  }
0x3d: {  	[tilespmem:$0x6B0] =	vst v1;
	v1 =	vshra.s32 v9, $0x3;
	v9 =	vld [tilespmem:$0x2E0]  }
0x3e: {  	[tilespmem:$0x4C0] =	vst v1;
	v1 =	vshra.s32 v11, $0x3;
	v11 =	vld [tilespmem:$0xF0]  }
0x3f: {  	[tilespmem:$0x6C0] =	vst v1;
	v1 =	vshra.s32 v3, $0x3;
	v3 =	vld [tilespmem:$0x2F0]  }
0x40: {  	[tilespmem:$0x4D0] =	vst v1;
	v1 =	vshra.s32 v5, $0x3;
	v5 =	vld [tilespmem:$0x100]  }
0x41: {  	[tilespmem:$0x6D0] =	vst v1;
	v1 =	vshra.s32 v7, $0x3;
	v7 =	vld [tilespmem:$0x300]  }
0x42: {  	[tilespmem:$0x4E0] =	vst v1;
	v1 =	vshra.s32 v9, $0x3;
	v9 =	vld [tilespmem:$0x110]  }
0x43: {  	[tilespmem:$0x6E0] =	vst v1;
	v1 =	vshra.s32 v11, $0x3;
	v11 =	vld [tilespmem:$0x310]  }
0x44: {  	[tilespmem:$0x4F0] =	vst v1;
	v1 =	vshra.s32 v3, $0x3;
	v3 =	vld [tilespmem:$0x120]  }
0x45: {  	[tilespmem:$0x6F0] =	vst v1;
	v1 =	vshra.s32 v5, $0x3;
	v5 =	vld [tilespmem:$0x320]  }
0x46: {  	[tilespmem:$0x500] =	vst v1;
	v1 =	vshra.s32 v7, $0x3;
	v7 =	vld [tilespmem:$0x130]  }
0x47: {  	[tilespmem:$0x700] =	vst v1;
	v1 =	vshra.s32 v9, $0x3;
	v9 =	vld [tilespmem:$0x330]  }
0x48: {  	[tilespmem:$0x510] =	vst v1;
	v1 =	vshra.s32 v11, $0x3;
	v11 =	vld [tilespmem:$0x140]  }
0x49: {  	[tilespmem:$0x710] =	vst v1;
	v1 =	vshra.s32 v3, $0x3;
	v3 =	vld [tilespmem:$0x340]  }
0x4a: {  	[tilespmem:$0x520] =	vst v1;
	v1 =	vshra.s32 v5, $0x3;
	v5 =	vld [tilespmem:$0x150]  }
0x4b: {  	[tilespmem:$0x720] =	vst v1;
	v1 =	vshra.s32 v7, $0x3;
	v7 =	vld [tilespmem:$0x350]  }
0x4c: {  	[tilespmem:$0x530] =	vst v1;
	v1 =	vshra.s32 v9, $0x3;
	v9 =	vld [tilespmem:$0x160]  }
0x4d: {  	[tilespmem:$0x730] =	vst v1;
	v1 =	vshra.s32 v11, $0x3;
	v11 =	vld [tilespmem:$0x360]  }
0x4e: {  	[tilespmem:$0x540] =	vst v1;
	v1 =	vshra.s32 v3, $0x3;
	v3 =	vld [tilespmem:$0x170]  }
0x4f: {  	[tilespmem:$0x740] =	vst v1;
	v1 =	vshra.s32 v5, $0x3;
	v5 =	vld [tilespmem:$0x370]  }
0x50: {  	[tilespmem:$0x550] =	vst v1;
	v1 =	vshra.s32 v7, $0x3;
	v7 =	vld [tilespmem:$0x180]  }
0x51: {  	[tilespmem:$0x750] =	vst v1;
	v1 =	vshra.s32 v9, $0x3;
	v9 =	vld [tilespmem:$0x380]  }
0x52: {  	[tilespmem:$0x560] =	vst v1;
	v1 =	vshra.s32 v11, $0x3;
	v11 =	vld [tilespmem:$0x190]  }
0x53: {  	[tilespmem:$0x760] =	vst v1;
	v1 =	vshra.s32 v3, $0x3;
	v3 =	vld [tilespmem:$0x390]  }
0x54: {  	[tilespmem:$0x570] =	vst v1;
	v1 =	vshra.s32 v5, $0x3;
	v5 =	vld [tilespmem:$0x1A0]  }
0x55: {  	[tilespmem:$0x770] =	vst v1;
	v1 =	vshra.s32 v7, $0x3;
	v7 =	vld [tilespmem:$0x3A0]  }
0x56: {  	[tilespmem:$0x580] =	vst v1;
	v1 =	vshra.s32 v9, $0x3;
	v9 =	vld [tilespmem:$0x1B0]  }
0x57: {  	[tilespmem:$0x780] =	vst v1;
	v1 =	vshra.s32 v11, $0x3;
	v11 =	vld [tilespmem:$0x3B0]  }
0x58: {  	[tilespmem:$0x590] =	vst v1;
	v1 =	vshra.s32 v3, $0x3;
	v3 =	vld [tilespmem:$0x1C0]  }
0x59: {  	[tilespmem:$0x790] =	vst v1;
	v1 =	vshra.s32 v5, $0x3;
	v5 =	vld [tilespmem:$0x3C0]  }
0x5a: {  	[tilespmem:$0x5A0] =	vst v1;
	v1 =	vshra.s32 v7, $0x3;
	v7 =	vld [tilespmem:$0x1D0]  }
0x5b: {  	[tilespmem:$0x7A0] =	vst v1;
	v1 =	vshra.s32 v9, $0x3;
	v9 =	vld [tilespmem:$0x3D0]  }
0x5c: {  	[tilespmem:$0x5B0] =	vst v1;
	v1 =	vshra.s32 v11, $0x3;
	v11 =	vld [tilespmem:$0x1E0]  }
0x5d: {  	[tilespmem:$0x7B0] =	vst v1;
	v1 =	vshra.s32 v3, $0x3;
	v3 =	vld [tilespmem:$0x3E0]  }
0x5e: {  	[tilespmem:$0x5C0] =	vst v1;
	v1 =	vshra.s32 v5, $0x3;
	v5 =	vld [tilespmem:$0x1F0]  }
0x5f: {  	[tilespmem:$0x7C0] =	vst v1;
	v1 =	vshra.s32 v7, $0x3;
	v7 =	vld [tilespmem:$0x3F0]  }
0x60: {  	[tilespmem:$0x5D0] =	vst v1;
	v1 =	vshra.s32 v9, $0x3  }
0x61: {  	[tilespmem:$0x7D0] =	vst v1;
	v1 =	vshra.s32 v11, $0x3  }
0x62: {  	[tilespmem:$0x5E0] =	vst v1;
	v1 =	vshra.s32 v3, $0x3  }
0x63: {  	[tilespmem:$0x7E0] =	vst v1;
	v1 =	vshra.s32 v5, $0x3  }
0x64: {  	[tilespmem:$0x5F0] =	vst v1;
	v1 =	vshra.s32 v7, $0x3  }
0x65: {  	[tilespmem:$0x7F0] =	vst v1  }
0x66: {  	[tilespmem:s13], [sflag:$0x1] =	stream.indirect.gather [hbm4b:s3+s11], $0x8, s12, s11, $0xb8;
	[tilespmem:$0x3800] =	vst v63  }
0x67: {  	_ = 	snop  }
0x68: {  	[tilespmem:s15], [sflag:$0x2] =	stream.indirect.gather [hbm4b:s4+s11], $0x8, s14, s11, $0xb8;
	[tilespmem:$0x3800] =	vst v63  }
0x69: {  	_ = 	snop  }
0x6a: {  	[tilespmem:s17], [sflag:$0x1] =	stream.indirect.gather [hbm4b:s3+s11], $0x8, s16, s11, $0xb8;
	[tilespmem:$0x3800] =	vst v63  }
0x6b: {  	_ = 	snop  }
0x6c: {  	[tilespmem:s19], [sflag:$0x2] =	stream.indirect.gather [hbm4b:s4+s11], $0x8, s18, s11, $0xb8;
	[tilespmem:$0x3800] =	vst v63  }
0x6d: {  	_ = 	snop  }
0x6e: {  	[tilespmem:s21], [sflag:$0x1] =	stream.indirect.gather [hbm4b:s3+s11], $0x8, s20, s11, $0xb8;
	[tilespmem:$0x3800] =	vst v63  }
0x6f: {  	_ = 	snop  }
0x70: {  	[tilespmem:s23], [sflag:$0x2] =	stream.indirect.gather [hbm4b:s4+s11], $0x8, s22, s11, $0xb8;
	[tilespmem:$0x3800] =	vst v63  }
0x71: {  	_ = 	snop  }
0x72: {  	[tilespmem:s25], [sflag:$0x1] =	stream.indirect.gather [hbm4b:s3+s11], $0x8, s24, s11, $0xb8;
	[tilespmem:$0x3800] =	vst v63  }
0x73: {  	_ = 	snop  }
0x74: {  	[tilespmem:s28], [sflag:$0x2] =	stream.indirect.gather [hbm4b:s4+s11], $0x8, s26, s11, $0xb8;
	[tilespmem:$0x3800] =	vst v63  }
0x75: {  	_ =	swait.ge [sflag:s29], $0x400  }
0x76: {  	[sflag:s29] =	ssyncset.done $0x0  }
0x77: {  	[sflag:s29] =	ssyncadd.s32 $0xFFFFFC00  }
0x78: {  	_ =	swait.ge [sflag:s30], $0x400  }
0x79: {  	[sflag:s30] =	ssyncset.done $0x0  }
0x7a: {  	[sflag:s30] =	ssyncadd.s32 $0xFFFFFC00  }
0x7b: {  	_ =	swait.ge [sflag:s29], $0x400  }
0x7c: {  	[sflag:s29] =	ssyncset.done $0x0  }
0x7d: {  	[sflag:s29] =	ssyncadd.s32 $0xFFFFFC00  }
0x7e: {  	_ =	swait.ge [sflag:s30], $0x400  }
0x7f: {  	[sflag:s30] =	ssyncset.done $0x0  }
0x80: {  	[sflag:s30] =	ssyncadd.s32 $0xFFFFFC00  }
0x81: {  	_ =	swait.ge [sflag:s29], $0x400  }
0x82: {  	[sflag:s29] =	ssyncset.done $0x0  }
0x83: {  	[sflag:s29] =	ssyncadd.s32 $0xFFFFFC00  }
0x84: {  	_ =	swait.ge [sflag:s30], $0x400  }
0x85: {  	[sflag:s30] =	ssyncset.done $0x0  }
0x86: {  	[sflag:s30] =	ssyncadd.s32 $0xFFFFFC00  }
0x87: {  	_ =	swait.ge [sflag:s29], $0x400  }
0x88: {  	[sflag:s29] =	ssyncset.done $0x0  }
0x89: {  	[sflag:s29] =	ssyncadd.s32 $0xFFFFFC00  }
0x8a: {  	_ =	swait.ge [sflag:s30], $0x400  }
0x8b: {  	[sflag:s30] =	ssyncset.done $0x0  }
0x8c: {  	[sflag:s30] =	ssyncadd.s32 $0xFFFFFC00  }
0x8d: {  	v1 =	vld [tilespmem:$0x0];
	_ =	sdelay $0x3  }
0x8e: {  	v3 =	vld [tilespmem:$0x200]  }
0x8f: {  	v1 =	vand.u32 $0x7, v1  }
0x90: {  	v1 =	vor.u32 v0, v1;
	_ =	sdelay $0x2  }
0x91: {  	v3 =	vand.u32 $0x7, v3  }
0x92: {  	v3 =	vor.u32 v0, v3  }
0x93: {  	v1 =	vld.idx.msk [tilespmem:v1+s13+$0x0], $0xffff;
	_ =	sdelay $0x3  }
0x94: {  	v3 =	vld.idx.msk [tilespmem:v3+s15+$0x0], $0xffff  }
0x95: {  	[tilespmem:v0+s31+$0x0] =	vst.idx.msk $0xffff, v1;
	v1 =	vld [tilespmem:$0x1FFA0];
	_ =	sdelay $0x7  }
0x96: {  	[tilespmem:v1+s31+$0x0] =	vst.idx.msk $0xffff, v3  }
0x97: {  	v1 =	vld [tilespmem:$0x10];
	_ =	sdelay $0x3  }
0x98: {  	v3 =	vld [tilespmem:$0x210]  }
0x99: {  	v1 =	vand.u32 $0x7, v1  }
0x9a: {  	v1 =	vor.u32 v2, v1;
	_ =	sdelay $0x2  }
0x9b: {  	v3 =	vand.u32 $0x7, v3  }
0x9c: {  	v3 =	vor.u32 v2, v3  }
0x9d: {  	v1 =	vld.idx.msk [tilespmem:v1+s13+$0x0], $0xffff;
	_ =	sdelay $0x3  }
0x9e: {  	v3 =	vld.idx.msk [tilespmem:v3+s15+$0x0], $0xffff  }
0x9f: {  	[tilespmem:v2+s31+$0x0] =	vst.idx.msk $0xffff, v1;
	v1 =	vld [tilespmem:$0x1FFB0];
	_ =	sdelay $0x7  }
0xa0: {  	[tilespmem:v1+s31+$0x0] =	vst.idx.msk $0xffff, v3  }
0xa1: {  	v1 =	vld [tilespmem:$0x20];
	_ =	sdelay $0x3  }
0xa2: {  	v3 =	vld [tilespmem:$0x220]  }
0xa3: {  	v1 =	vand.u32 $0x7, v1  }
0xa4: {  	v1 =	vor.u32 v4, v1;
	_ =	sdelay $0x2  }
0xa5: {  	v3 =	vand.u32 $0x7, v3  }
0xa6: {  	v3 =	vor.u32 v4, v3  }
0xa7: {  	v1 =	vld.idx.msk [tilespmem:v1+s13+$0x0], $0xffff;
	_ =	sdelay $0x3  }
0xa8: {  	v3 =	vld.idx.msk [tilespmem:v3+s15+$0x0], $0xffff  }
0xa9: {  	[tilespmem:v4+s31+$0x0] =	vst.idx.msk $0xffff, v1;
	v1 =	vld [tilespmem:$0x1FFC0];
	_ =	sdelay $0x7  }
0xaa: {  	[tilespmem:v1+s31+$0x0] =	vst.idx.msk $0xffff, v3  }
0xab: {  	v1 =	vld [tilespmem:$0x30];
	_ =	sdelay $0x3  }
0xac: {  	v3 =	vld [tilespmem:$0x230]  }
0xad: {  	v1 =	vand.u32 $0x7, v1  }
0xae: {  	v1 =	vor.u32 v6, v1;
	_ =	sdelay $0x2  }
0xaf: {  	v3 =	vand.u32 $0x7, v3  }
0xb0: {  	v3 =	vor.u32 v6, v3  }
0xb1: {  	v1 =	vld.idx.msk [tilespmem:v1+s13+$0x0], $0xffff;
	_ =	sdelay $0x3  }
0xb2: {  	v3 =	vld.idx.msk [tilespmem:v3+s15+$0x0], $0xffff  }
0xb3: {  	[tilespmem:v6+s31+$0x0] =	vst.idx.msk $0xffff, v1;
	v1 =	vld [tilespmem:$0x1FFD0];
	_ =	sdelay $0x7  }
0xb4: {  	[tilespmem:v1+s31+$0x0] =	vst.idx.msk $0xffff, v3  }
0xb5: {  	v1 =	vld [tilespmem:$0x40];
	_ =	sdelay $0x3  }
0xb6: {  	v3 =	vld [tilespmem:$0x240]  }
0xb7: {  	v1 =	vand.u32 $0x7, v1  }
0xb8: {  	v1 =	vor.u32 v8, v1;
	_ =	sdelay $0x2  }
0xb9: {  	v3 =	vand.u32 $0x7, v3  }
0xba: {  	v3 =	vor.u32 v8, v3  }
0xbb: {  	v1 =	vld.idx.msk [tilespmem:v1+s13+$0x0], $0xffff;
	_ =	sdelay $0x3  }
0xbc: {  	v3 =	vld.idx.msk [tilespmem:v3+s15+$0x0], $0xffff  }
0xbd: {  	[tilespmem:v8+s31+$0x0] =	vst.idx.msk $0xffff, v1;
	v1 =	vld [tilespmem:$0x1FFE0];
	_ =	sdelay $0x7  }
0xbe: {  	[tilespmem:v1+s31+$0x0] =	vst.idx.msk $0xffff, v3  }
0xbf: {  	v1 =	vld [tilespmem:$0x50];
	_ =	sdelay $0x3  }
0xc0: {  	v3 =	vld [tilespmem:$0x250]  }
0xc1: {  	v1 =	vand.u32 $0x7, v1  }
0xc2: {  	v1 =	vor.u32 v10, v1;
	_ =	sdelay $0x2  }
0xc3: {  	v3 =	vand.u32 $0x7, v3  }
0xc4: {  	v3 =	vor.u32 v10, v3  }
0xc5: {  	v1 =	vld.idx.msk [tilespmem:v1+s13+$0x0], $0xffff;
	_ =	sdelay $0x3  }
0xc6: {  	v3 =	vld.idx.msk [tilespmem:v3+s15+$0x0], $0xffff  }
0xc7: {  	[tilespmem:v10+s31+$0x0] =	vst.idx.msk $0xffff, v1;
	v1 =	vld [tilespmem:$0x1FFF0];
	_ =	sdelay $0x7  }
0xc8: {  	[tilespmem:v1+s31+$0x0] =	vst.idx.msk $0xffff, v3  }
0xc9: {  	v1 =	vld [tilespmem:$0x60]  }
0xca: {  	v3 =	vld [tilespmem:$0x260];
	_ =	sdelay $0x3  }
0xcb: {  	v1 =	vand.u32 $0x7, v1  }
0xcc: {  	v3 =	vand.u32 $0x7, v3;
	v1 =	vor.u32 v12, v1  }
0xcd: {  	v3 =	vor.u32 v12, v3;
	_ =	sdelay $0x3  }
0xce: {  	v1 =	vld.idx.msk [tilespmem:v1+s13+$0x0], $0xffff  }
0xcf: {  	v3 =	vld.idx.msk [tilespmem:v3+s15+$0x0], $0xffff;
	_ =	sdelay $0x3  }
0xd0: {  	[tilespmem:v12+s31+$0x0] =	vst.idx.msk $0xffff, v1  }
0xd1: {  	[tilespmem:v13+s31+$0x0] =	vst.idx.msk $0xffff, v3  }
0xd2: {  	v1 =	vld [tilespmem:$0x70]  }
0xd3: {  	v3 =	vld [tilespmem:$0x270];
	_ =	sdelay $0x3  }
0xd4: {  	v1 =	vand.u32 $0x7, v1  }
0xd5: {  	v3 =	vand.u32 $0x7, v3;
	v1 =	vor.u32 v14, v1  }
0xd6: {  	v3 =	vor.u32 v14, v3;
	_ =	sdelay $0x3  }
0xd7: {  	v1 =	vld.idx.msk [tilespmem:v1+s13+$0x0], $0xffff  }
0xd8: {  	v3 =	vld.idx.msk [tilespmem:v3+s15+$0x0], $0xffff;
	_ =	sdelay $0x3  }
0xd9: {  	[tilespmem:v14+s31+$0x0] =	vst.idx.msk $0xffff, v1  }
0xda: {  	[tilespmem:v15+s31+$0x0] =	vst.idx.msk $0xffff, v3  }
0xdb: {  	v1 =	vld [tilespmem:$0x80]  }
0xdc: {  	v3 =	vld [tilespmem:$0x280];
	_ =	sdelay $0x3  }
0xdd: {  	v1 =	vand.u32 $0x7, v1  }
0xde: {  	v3 =	vand.u32 $0x7, v3;
	v1 =	vor.u32 v16, v1  }
0xdf: {  	v3 =	vor.u32 v16, v3;
	_ =	sdelay $0x3  }
0xe0: {  	v1 =	vld.idx.msk [tilespmem:v1+s13+$0x0], $0xffff  }
0xe1: {  	v3 =	vld.idx.msk [tilespmem:v3+s15+$0x0], $0xffff;
	_ =	sdelay $0x3  }
0xe2: {  	[tilespmem:v16+s31+$0x0] =	vst.idx.msk $0xffff, v1  }
0xe3: {  	[tilespmem:v17+s31+$0x0] =	vst.idx.msk $0xffff, v3  }
0xe4: {  	v1 =	vld [tilespmem:$0x90]  }
0xe5: {  	v3 =	vld [tilespmem:$0x290];
	_ =	sdelay $0x3  }
0xe6: {  	v1 =	vand.u32 $0x7, v1  }
0xe7: {  	v3 =	vand.u32 $0x7, v3;
	v1 =	vor.u32 v18, v1  }
0xe8: {  	v3 =	vor.u32 v18, v3;
	_ =	sdelay $0x3  }
0xe9: {  	v1 =	vld.idx.msk [tilespmem:v1+s13+$0x0], $0xffff  }
0xea: {  	v3 =	vld.idx.msk [tilespmem:v3+s15+$0x0], $0xffff;
	_ =	sdelay $0x3  }
0xeb: {  	[tilespmem:v18+s31+$0x0] =	vst.idx.msk $0xffff, v1  }
0xec: {  	[tilespmem:v19+s31+$0x0] =	vst.idx.msk $0xffff, v3  }
0xed: {  	v1 =	vld [tilespmem:$0xA0]  }
0xee: {  	v3 =	vld [tilespmem:$0x2A0];
	_ =	sdelay $0x3  }
0xef: {  	v1 =	vand.u32 $0x7, v1  }
0xf0: {  	v3 =	vand.u32 $0x7, v3;
	v1 =	vor.u32 v20, v1  }
0xf1: {  	v3 =	vor.u32 v20, v3;
	_ =	sdelay $0x3  }
0xf2: {  	v1 =	vld.idx.msk [tilespmem:v1+s13+$0x0], $0xffff  }
0xf3: {  	v3 =	vld.idx.msk [tilespmem:v3+s15+$0x0], $0xffff;
	_ =	sdelay $0x3  }
0xf4: {  	[tilespmem:v20+s31+$0x0] =	vst.idx.msk $0xffff, v1  }
0xf5: {  	[tilespmem:v21+s31+$0x0] =	vst.idx.msk $0xffff, v3  }
0xf6: {  	v1 =	vld [tilespmem:$0xB0]  }
0xf7: {  	v3 =	vld [tilespmem:$0x2B0];
	_ =	sdelay $0x3  }
0xf8: {  	v1 =	vand.u32 $0x7, v1  }
0xf9: {  	v3 =	vand.u32 $0x7, v3;
	v1 =	vor.u32 v22, v1  }
0xfa: {  	v3 =	vor.u32 v22, v3;
	_ =	sdelay $0x3  }
0xfb: {  	v1 =	vld.idx.msk [tilespmem:v1+s13+$0x0], $0xffff  }
0xfc: {  	v3 =	vld.idx.msk [tilespmem:v3+s15+$0x0], $0xffff;
	_ =	sdelay $0x3  }
0xfd: {  	[tilespmem:v22+s31+$0x0] =	vst.idx.msk $0xffff, v1  }
0xfe: {  	[tilespmem:v23+s31+$0x0] =	vst.idx.msk $0xffff, v3  }
0xff: {  	v1 =	vld [tilespmem:$0xC0]  }
0x100: {  	v3 =	vld [tilespmem:$0x2C0];
	_ =	sdelay $0x3  }
0x101: {  	v1 =	vand.u32 $0x7, v1  }
0x102: {  	v3 =	vand.u32 $0x7, v3;
	v1 =	vor.u32 v24, v1  }
0x103: {  	v3 =	vor.u32 v24, v3;
	_ =	sdelay $0x3  }
0x104: {  	v1 =	vld.idx.msk [tilespmem:v1+s13+$0x0], $0xffff  }
0x105: {  	v3 =	vld.idx.msk [tilespmem:v3+s15+$0x0], $0xffff;
	_ =	sdelay $0x3  }
0x106: {  	[tilespmem:v24+s31+$0x0] =	vst.idx.msk $0xffff, v1  }
0x107: {  	[tilespmem:v25+s31+$0x0] =	vst.idx.msk $0xffff, v3  }
0x108: {  	v1 =	vld [tilespmem:$0xD0]  }
0x109: {  	v3 =	vld [tilespmem:$0x2D0];
	_ =	sdelay $0x3  }
0x10a: {  	v1 =	vand.u32 $0x7, v1  }
0x10b: {  	v3 =	vand.u32 $0x7, v3;
	v1 =	vor.u32 v26, v1  }
0x10c: {  	v3 =	vor.u32 v26, v3;
	_ =	sdelay $0x3  }
0x10d: {  	v1 =	vld.idx.msk [tilespmem:v1+s13+$0x0], $0xffff  }
0x10e: {  	v3 =	vld.idx.msk [tilespmem:v3+s15+$0x0], $0xffff;
	_ =	sdelay $0x3  }
0x10f: {  	[tilespmem:v26+s31+$0x0] =	vst.idx.msk $0xffff, v1  }
0x110: {  	[tilespmem:v27+s31+$0x0] =	vst.idx.msk $0xffff, v3  }
0x111: {  	v1 =	vld [tilespmem:$0xE0]  }
0x112: {  	v3 =	vld [tilespmem:$0x2E0];
	_ =	sdelay $0x3  }
0x113: {  	v1 =	vand.u32 $0x7, v1  }
0x114: {  	v3 =	vand.u32 $0x7, v3;
	v1 =	vor.u32 v28, v1  }
0x115: {  	v3 =	vor.u32 v28, v3;
	_ =	sdelay $0x3  }
0x116: {  	v1 =	vld.idx.msk [tilespmem:v1+s13+$0x0], $0xffff  }
0x117: {  	v3 =	vld.idx.msk [tilespmem:v3+s15+$0x0], $0xffff;
	_ =	sdelay $0x3  }
0x118: {  	[tilespmem:v28+s31+$0x0] =	vst.idx.msk $0xffff, v1  }
0x119: {  	[tilespmem:v29+s31+$0x0] =	vst.idx.msk $0xffff, v3  }
0x11a: {  	v1 =	vld [tilespmem:$0xF0]  }
0x11b: {  	v3 =	vld [tilespmem:$0x2F0];
	_ =	sdelay $0x3  }
0x11c: {  	v1 =	vand.u32 $0x7, v1  }
0x11d: {  	v3 =	vand.u32 $0x7, v3;
	v1 =	vor.u32 v30, v1  }
0x11e: {  	v3 =	vor.u32 v30, v3;
	_ =	sdelay $0x3  }
0x11f: {  	v1 =	vld.idx.msk [tilespmem:v1+s13+$0x0], $0xffff  }
0x120: {  	v3 =	vld.idx.msk [tilespmem:v3+s15+$0x0], $0xffff;
	_ =	sdelay $0x3  }
0x121: {  	[tilespmem:v30+s31+$0x0] =	vst.idx.msk $0xffff, v1  }
0x122: {  	[tilespmem:v31+s31+$0x0] =	vst.idx.msk $0xffff, v3  }
0x123: {  	v1 =	vld [tilespmem:$0x100]  }
0x124: {  	v3 =	vld [tilespmem:$0x300];
	_ =	sdelay $0x3  }
0x125: {  	v1 =	vand.u32 $0x7, v1  }
0x126: {  	v3 =	vand.u32 $0x7, v3;
	v1 =	vor.u32 v32, v1  }
0x127: {  	v3 =	vor.u32 v32, v3;
	_ =	sdelay $0x3  }
0x128: {  	v1 =	vld.idx.msk [tilespmem:v1+s13+$0x0], $0xffff  }
0x129: {  	v3 =	vld.idx.msk [tilespmem:v3+s15+$0x0], $0xffff;
	_ =	sdelay $0x3  }
0x12a: {  	[tilespmem:v32+s31+$0x0] =	vst.idx.msk $0xffff, v1  }
0x12b: {  	[tilespmem:v33+s31+$0x0] =	vst.idx.msk $0xffff, v3  }
0x12c: {  	v1 =	vld [tilespmem:$0x110]  }
0x12d: {  	v3 =	vld [tilespmem:$0x310];
	_ =	sdelay $0x3  }
0x12e: {  	v1 =	vand.u32 $0x7, v1  }
0x12f: {  	v3 =	vand.u32 $0x7, v3;
	v1 =	vor.u32 v34, v1  }
0x130: {  	v3 =	vor.u32 v34, v3;
	_ =	sdelay $0x3  }
0x131: {  	v1 =	vld.idx.msk [tilespmem:v1+s13+$0x0], $0xffff  }
0x132: {  	v3 =	vld.idx.msk [tilespmem:v3+s15+$0x0], $0xffff;
	_ =	sdelay $0x3  }
0x133: {  	[tilespmem:v34+s31+$0x0] =	vst.idx.msk $0xffff, v1  }
0x134: {  	[tilespmem:v35+s31+$0x0] =	vst.idx.msk $0xffff, v3  }
0x135: {  	v1 =	vld [tilespmem:$0x120]  }
0x136: {  	v3 =	vld [tilespmem:$0x320];
	_ =	sdelay $0x3  }
0x137: {  	v1 =	vand.u32 $0x7, v1  }
0x138: {  	v3 =	vand.u32 $0x7, v3;
	v1 =	vor.u32 v36, v1  }
0x139: {  	v3 =	vor.u32 v36, v3;
	_ =	sdelay $0x3  }
0x13a: {  	v1 =	vld.idx.msk [tilespmem:v1+s13+$0x0], $0xffff  }
0x13b: {  	v3 =	vld.idx.msk [tilespmem:v3+s15+$0x0], $0xffff;
	_ =	sdelay $0x3  }
0x13c: {  	[tilespmem:v36+s31+$0x0] =	vst.idx.msk $0xffff, v1  }
0x13d: {  	[tilespmem:v37+s31+$0x0] =	vst.idx.msk $0xffff, v3  }
0x13e: {  	v1 =	vld [tilespmem:$0x130]  }
0x13f: {  	v3 =	vld [tilespmem:$0x330];
	_ =	sdelay $0x3  }
0x140: {  	v1 =	vand.u32 $0x7, v1  }
0x141: {  	v3 =	vand.u32 $0x7, v3;
	v1 =	vor.u32 v38, v1  }
0x142: {  	v3 =	vor.u32 v38, v3;
	_ =	sdelay $0x3  }
0x143: {  	v1 =	vld.idx.msk [tilespmem:v1+s13+$0x0], $0xffff  }
0x144: {  	v3 =	vld.idx.msk [tilespmem:v3+s15+$0x0], $0xffff;
	_ =	sdelay $0x3  }
0x145: {  	[tilespmem:v38+s31+$0x0] =	vst.idx.msk $0xffff, v1  }
0x146: {  	[tilespmem:v39+s31+$0x0] =	vst.idx.msk $0xffff, v3  }
0x147: {  	v1 =	vld [tilespmem:$0x140]  }
0x148: {  	v3 =	vld [tilespmem:$0x340];
	_ =	sdelay $0x3  }
0x149: {  	v1 =	vand.u32 $0x7, v1  }
0x14a: {  	v3 =	vand.u32 $0x7, v3;
	v1 =	vor.u32 v40, v1  }
0x14b: {  	v3 =	vor.u32 v40, v3;
	_ =	sdelay $0x3  }
0x14c: {  	v1 =	vld.idx.msk [tilespmem:v1+s13+$0x0], $0xffff  }
0x14d: {  	v3 =	vld.idx.msk [tilespmem:v3+s15+$0x0], $0xffff;
	_ =	sdelay $0x3  }
0x14e: {  	[tilespmem:v40+s31+$0x0] =	vst.idx.msk $0xffff, v1  }
0x14f: {  	[tilespmem:v41+s31+$0x0] =	vst.idx.msk $0xffff, v3  }
0x150: {  	v1 =	vld [tilespmem:$0x150]  }
0x151: {  	v3 =	vld [tilespmem:$0x350];
	_ =	sdelay $0x3  }
0x152: {  	v1 =	vand.u32 $0x7, v1  }
0x153: {  	v3 =	vand.u32 $0x7, v3;
	v1 =	vor.u32 v42, v1  }
0x154: {  	v3 =	vor.u32 v42, v3;
	_ =	sdelay $0x3  }
0x155: {  	v1 =	vld.idx.msk [tilespmem:v1+s13+$0x0], $0xffff  }
0x156: {  	v3 =	vld.idx.msk [tilespmem:v3+s15+$0x0], $0xffff;
	_ =	sdelay $0x3  }
0x157: {  	[tilespmem:v42+s31+$0x0] =	vst.idx.msk $0xffff, v1  }
0x158: {  	[tilespmem:v43+s31+$0x0] =	vst.idx.msk $0xffff, v3  }
0x159: {  	v1 =	vld [tilespmem:$0x160]  }
0x15a: {  	v3 =	vld [tilespmem:$0x360];
	_ =	sdelay $0x3  }
0x15b: {  	v1 =	vand.u32 $0x7, v1  }
0x15c: {  	v3 =	vand.u32 $0x7, v3;
	v1 =	vor.u32 v44, v1  }
0x15d: {  	v3 =	vor.u32 v44, v3;
	_ =	sdelay $0x3  }
0x15e: {  	v1 =	vld.idx.msk [tilespmem:v1+s13+$0x0], $0xffff  }
0x15f: {  	v3 =	vld.idx.msk [tilespmem:v3+s15+$0x0], $0xffff;
	_ =	sdelay $0x3  }
0x160: {  	[tilespmem:v44+s31+$0x0] =	vst.idx.msk $0xffff, v1  }
0x161: {  	[tilespmem:v45+s31+$0x0] =	vst.idx.msk $0xffff, v3  }
0x162: {  	v1 =	vld [tilespmem:$0x170]  }
0x163: {  	v3 =	vld [tilespmem:$0x370];
	_ =	sdelay $0x3  }
0x164: {  	v1 =	vand.u32 $0x7, v1  }
0x165: {  	v3 =	vand.u32 $0x7, v3;
	v1 =	vor.u32 v46, v1  }
0x166: {  	v3 =	vor.u32 v46, v3;
	_ =	sdelay $0x3  }
0x167: {  	v1 =	vld.idx.msk [tilespmem:v1+s13+$0x0], $0xffff  }
0x168: {  	v3 =	vld.idx.msk [tilespmem:v3+s15+$0x0], $0xffff;
	_ =	sdelay $0x3  }
0x169: {  	[tilespmem:v46+s31+$0x0] =	vst.idx.msk $0xffff, v1  }
0x16a: {  	[tilespmem:v47+s31+$0x0] =	vst.idx.msk $0xffff, v3  }
0x16b: {  	v1 =	vld [tilespmem:$0x180]  }
0x16c: {  	v3 =	vld [tilespmem:$0x380];
	_ =	sdelay $0x3  }
0x16d: {  	v1 =	vand.u32 $0x7, v1  }
0x16e: {  	v3 =	vand.u32 $0x7, v3;
	v1 =	vor.u32 v48, v1  }
0x16f: {  	v3 =	vor.u32 v48, v3;
	_ =	sdelay $0x3  }
0x170: {  	v1 =	vld.idx.msk [tilespmem:v1+s13+$0x0], $0xffff  }
0x171: {  	v3 =	vld.idx.msk [tilespmem:v3+s15+$0x0], $0xffff;
	_ =	sdelay $0x3  }
0x172: {  	[tilespmem:v48+s31+$0x0] =	vst.idx.msk $0xffff, v1  }
0x173: {  	[tilespmem:v49+s31+$0x0] =	vst.idx.msk $0xffff, v3  }
0x174: {  	v1 =	vld [tilespmem:$0x190]  }
0x175: {  	v3 =	vld [tilespmem:$0x390];
	_ =	sdelay $0x3  }
0x176: {  	v1 =	vand.u32 $0x7, v1  }
0x177: {  	v3 =	vand.u32 $0x7, v3;
	v1 =	vor.u32 v50, v1  }
0x178: {  	v3 =	vor.u32 v50, v3;
	_ =	sdelay $0x3  }
0x179: {  	v1 =	vld.idx.msk [tilespmem:v1+s13+$0x0], $0xffff  }
0x17a: {  	v3 =	vld.idx.msk [tilespmem:v3+s15+$0x0], $0xffff;
	_ =	sdelay $0x3  }
0x17b: {  	[tilespmem:v50+s31+$0x0] =	vst.idx.msk $0xffff, v1  }
0x17c: {  	[tilespmem:v51+s31+$0x0] =	vst.idx.msk $0xffff, v3  }
0x17d: {  	v1 =	vld [tilespmem:$0x1A0]  }
0x17e: {  	v3 =	vld [tilespmem:$0x3A0];
	_ =	sdelay $0x3  }
0x17f: {  	v1 =	vand.u32 $0x7, v1  }
0x180: {  	v3 =	vand.u32 $0x7, v3;
	v1 =	vor.u32 v52, v1  }
0x181: {  	v3 =	vor.u32 v52, v3;
	_ =	sdelay $0x3  }
0x182: {  	v1 =	vld.idx.msk [tilespmem:v1+s13+$0x0], $0xffff  }
0x183: {  	v3 =	vld.idx.msk [tilespmem:v3+s15+$0x0], $0xffff;
	_ =	sdelay $0x3  }
0x184: {  	[tilespmem:v52+s31+$0x0] =	vst.idx.msk $0xffff, v1  }
0x185: {  	[tilespmem:v53+s31+$0x0] =	vst.idx.msk $0xffff, v3  }
0x186: {  	v1 =	vld [tilespmem:$0x1B0]  }
0x187: {  	v3 =	vld [tilespmem:$0x3B0];
	_ =	sdelay $0x3  }
0x188: {  	v1 =	vand.u32 $0x7, v1  }
0x189: {  	v3 =	vand.u32 $0x7, v3;
	v1 =	vor.u32 v54, v1  }
0x18a: {  	v3 =	vor.u32 v54, v3;
	_ =	sdelay $0x3  }
0x18b: {  	v1 =	vld.idx.msk [tilespmem:v1+s13+$0x0], $0xffff  }
0x18c: {  	v3 =	vld.idx.msk [tilespmem:v3+s15+$0x0], $0xffff;
	_ =	sdelay $0x3  }
0x18d: {  	[tilespmem:v54+s31+$0x0] =	vst.idx.msk $0xffff, v1  }
0x18e: {  	[tilespmem:v55+s31+$0x0] =	vst.idx.msk $0xffff, v3  }
0x18f: {  	v1 =	vld [tilespmem:$0x1C0]  }
0x190: {  	v3 =	vld [tilespmem:$0x3C0];
	_ =	sdelay $0x3  }
0x191: {  	v1 =	vand.u32 $0x7, v1  }
0x192: {  	v3 =	vand.u32 $0x7, v3;
	v1 =	vor.u32 v56, v1  }
0x193: {  	v3 =	vor.u32 v56, v3;
	_ =	sdelay $0x3  }
0x194: {  	v1 =	vld.idx.msk [tilespmem:v1+s13+$0x0], $0xffff  }
0x195: {  	v3 =	vld.idx.msk [tilespmem:v3+s15+$0x0], $0xffff;
	_ =	sdelay $0x3  }
0x196: {  	[tilespmem:v56+s31+$0x0] =	vst.idx.msk $0xffff, v1  }
0x197: {  	[tilespmem:v57+s31+$0x0] =	vst.idx.msk $0xffff, v3  }
0x198: {  	v1 =	vld [tilespmem:$0x1D0]  }
0x199: {  	v3 =	vld [tilespmem:$0x3D0];
	_ =	sdelay $0x3  }
0x19a: {  	v1 =	vand.u32 $0x7, v1  }
0x19b: {  	v3 =	vand.u32 $0x7, v3;
	v1 =	vor.u32 v58, v1  }
0x19c: {  	v3 =	vor.u32 v58, v3;
	_ =	sdelay $0x3  }
0x19d: {  	v1 =	vld.idx.msk [tilespmem:v1+s13+$0x0], $0xffff  }
0x19e: {  	v3 =	vld.idx.msk [tilespmem:v3+s15+$0x0], $0xffff;
	_ =	sdelay $0x3  }
0x19f: {  	[tilespmem:v58+s31+$0x0] =	vst.idx.msk $0xffff, v1  }
0x1a0: {  	[tilespmem:v59+s31+$0x0] =	vst.idx.msk $0xffff, v3  }
0x1a1: {  	v1 =	vld [tilespmem:$0x1E0]  }
0x1a2: {  	v3 =	vld [tilespmem:$0x3E0];
	_ =	sdelay $0x3  }
0x1a3: {  	v1 =	vand.u32 $0x7, v1  }
0x1a4: {  	v3 =	vand.u32 $0x7, v3;
	v1 =	vor.u32 v60, v1  }
0x1a5: {  	v3 =	vor.u32 v60, v3;
	_ =	sdelay $0x3  }
0x1a6: {  	v1 =	vld.idx.msk [tilespmem:v1+s13+$0x0], $0xffff  }
0x1a7: {  	v3 =	vld.idx.msk [tilespmem:v3+s15+$0x0], $0xffff;
	_ =	sdelay $0x3  }
0x1a8: {  	[tilespmem:v60+s31+$0x0] =	vst.idx.msk $0xffff, v1  }
0x1a9: {  	[tilespmem:v61+s31+$0x0] =	vst.idx.msk $0xffff, v3  }
0x1aa: {  	v1 =	vld [tilespmem:$0x1F0]  }
0x1ab: {  	v3 =	vld [tilespmem:$0x3F0];
	_ =	sdelay $0x3  }
0x1ac: {  	v1 =	vand.u32 $0x7, v1  }
0x1ad: {  	v3 =	vand.u32 $0x7, v3;
	v1 =	vor.u32 v62, v1  }
0x1ae: {  	v3 =	vor.u32 v62, v3;
	_ =	sdelay $0x3  }
0x1af: {  	v1 =	vld.idx.msk [tilespmem:v1+s13+$0x0], $0xffff  }
0x1b0: {  	v3 =	vld.idx.msk [tilespmem:v3+s15+$0x0], $0xffff;
	_ =	sdelay $0x3  }
0x1b1: {  	p0 =	sne.s32 s8, $0x1;
	[tilespmem:v62+s31+$0x0] =	vst.idx.msk $0xffff, v1  }
.Ltmp0:
0x1b2: {  	[tilespmem:v63+s31+$0x0] =	vst.idx.msk $0xffff, v3;
	(pc) =	sbr.rel @p0 .LBB2_1-.Ltmp0, $4  }
0x1b3: {  	[hbm4b:s7+s2] =	stream.linear.scatter [tilespmem:s31], [sflag:$0x3], $0x1000, $0x38;
	[tilespmem:$0x3800] =	vst v63  }
0x1b4: {  	_ =	swait.ge [sflag:s9], $0x1000  }
0x1b5: {  	[sflag:s9] =	ssyncset.done $0x0  }
0x1b6: {  	s8 =	sadd.s32 $0xFFFFFFFF, s8;
	[sflag:s9] =	ssyncadd.s32 $0xFFFFF000  }
0x1b7: {  	_ =	sfence.sel $0x180000  }
0x1b8: {  	[bflag:$0x0] =	sbarrier.arrive $0xFFFF  }
0x1b9: {  	p0 =	sne.s32 s1, $0x0;
	_ =	strace $0x9000004A  }
0x1ba: {  	s0 =	sadd.s32 @!p0 $0x100000, s0;
	[bflag:$0x2] =	sbarrier.arrive $0xFFFF  }
0x1bb: {  	[sflag:s0] =	ssyncadd.tile.s32 @!p0 $0x1;
	_ =	shalt  }
.Lfunc_end2:
_tile_overlayer_lowered:
.L_overlay_start_2:
0x1bc: {  	(tag) =	ssettag $0x2  }
0x1bd: {  	s0 =	rddreg [dreg:$0x0];
	s2 =	stileid.u32  }
0x1be: {  	s1 =	rddreg [dreg:$0x1];
	p0 =	sne.s32 s2, $0x0  }
0x1bf: {  	s3 =	rddreg [dreg:$0x2];
	[bflag:$0x3] =	sbarrier.arrive $0xFFFF;
	s2 =	simm.s32 @!p0 $0x1C03  }
0x1c0: {  	[timem:s3], [sflag:s2] =	dma.local @!p0 [hbm:s0], s1  }
0x1c1: {  	s0 =	simm.s32 @!p0 $0x3  }
0x1c2: {  	_ =	swait.ge @!p0 [sflag:s0], s1  }
0x1c3: {  	s1 =	ssub.s32 @!p0 $0x0, s1;
	[sflag:s0] =	ssyncset.done @!p0 $0x0  }
0x1c4: {  	[sflag:s0] =	ssyncadd.s32 @!p0 s1  }
0x1c5: {  	[bflag:$0x3] =	sbarrier.arrive $0xFFFF  }
0x1c6: {  	_ =	shalt  }

// kernel: kernel.6.cloned.1.call-start
scs
__scs_entry_jumppad:
0x0: {  	(pc) =	sbr.rel $0x88, $3  }
0x1: {  	(tag) =	ssettag $0x0;
	lr =	simm.s32 $0x1  }
0x2: {  	[smem:$0x3F93] =	sst lr;
	_ =	strace $0xD0000000  }
0x3: {  	_ = 	snop  }
0x4: {  	_ = 	snop  }
0x5: {  	_ = 	snop  }
0x6: {  	_ = 	snop  }
0x7: {  	_ = 	snop  }
__scs_overlays_trampoline_lowered:
0x8: {  	[smem:$0x3FA2] =	sst s0  }
0x9: {  	[smem:$0x3FA3] =	sst s1  }
0xa: {  	[smem:$0x3FA4] =	sst s2  }
0xb: {  	[smem:$0x3FA5] =	sst s3  }
0xc: {  	[smem:$0x3FA6] =	sst s4  }
0xd: {  	[smem:$0x3FA7] =	sst s5  }
0xe: {  	[smem:$0x3FA8] =	sst s6  }
0xf: {  	[smem:$0x3FA9] =	sst s7  }
0x10: {  	[smem:$0x3FAA] =	sst s8  }
0x11: {  	[smem:$0x3FAB] =	sst s9;
	s0 =	simm.s32 @!p0 $0x0  }
0x12: {  	s1 =	sld [smem:$0x3F91];
	s0 =	simm.s32 @p0 $0x1  }
0x13: {  	[smem:$0x3FAC] =	sst s0;
	s0 =	simm.s32 @!p1 $0x0  }
0x14: {  	s2 =	sld [smem:$0x3F90];
	s0 =	simm.s32 @p1 $0x1  }
0x15: {  	[smem:$0x3FAD] =	sst s0;
	s0 =	simm.s32 @!p2 $0x0  }
0x16: {  	s3 =	sld [smem:$0x3FDB];
	s0 =	simm.s32 @p2 $0x1  }
0x17: {  	s4 =	simm.s32 $0x1BF5;
	[smem:$0x3FAF] =	sst s0  }
0x18: {  	s0 =	sld [smem:$0x3F92];
	_ =	swait.ge [sflag:s4], $0x0  }
0x19: {  	s7 =	sld [smem:$0x3F93]  }
0x1a: {  	s8 =	sadd.s32 $0xFFFFE003, lr  }
0x1b: {  	s9 =	sadd.s32 $0xFFFFFEF7, lr;
	s5 =	simm.s32 $0xFFFFFFFF;
	p2 =	slt.u32 s8, $0xFFFFF086  }
0x1c: {  	p1 =	slt.u32 s9, $0xF7A;
	s5 =	simm.s32 @!p2 $0x0  }
0x1d: {  	s5 =	simm.s32 @p1 $0x1;
	p0 =	seq.s32 s7, s2  }
0x1e: {  	s7 =	smul.u32 @!p0 $0xF7A, s2;
	p2 =	seq.s32 @!p0 s5, $0x0  }
0x1f: {  	s9 =	smul.u32 $0xF7A, s1;
	s8 =	simm.s32 @!p0 $0x1BF5;
	p2 =	por !p2, p0  }
0x20: {  	[sflag:s8] =	ssyncset.s32 @!p0 $0xFFFFF086;
	s6 =	sadd.s32 @!p0 s3, s7;
	s7 =	simm.s32 @!p0 $0x108  }
0x21: {  	s3 =	sadd.s32 s3, s9;
	s6 =	sadd.s32 @!p0 $0x88, s6;
	s7 =	simm.s32 @p2 $0x1082  }
0x22: {  	[simem:s7], [sflag:s8] =	dma.local @!p0 [hbm:s6], $0xF7A  }
0x23: {  	s9 =	sor.u32 $0xD0000000, s2;
	s6 =	simm.s32 $0x108;
	_ =	swait.ge @!p0 [sflag:s8], $0x0  }
0x24: {  	s3 =	sadd.s32 $0x88, s3;
	s6 =	simm.s32 @!p1 $0x1082;
	[sflag:s4] =	ssyncset.s32 $0xFFFFF086  }
0x25: {  	[simem:s6], [sflag:s4] =	dma.local [hbm:s3], $0xF7A  }
0x26: {  	[smem:$0x3F93] =	sst s1;
	(tag) =	ssettag s2;
	_ =	strace s9  }
0x27: {  	s1 =	sld [smem:$0x3FA3]  }
0x28: {  	s2 =	sld [smem:$0x3FA4]  }
0x29: {  	s4 =	sld [smem:$0x3FA6]  }
0x2a: {  	p0 =	seq.s32 s5, $0x0;
	s5 =	sld [smem:$0x3FA7]  }
0x2b: {  	s6 =	sld [smem:$0x3FA8]  }
0x2c: {  	s7 =	sld [smem:$0x3FA9]  }
0x2d: {  	s3 =	simm.s32 $0x108;
	s8 =	sld [smem:$0x3FAA]  }
0x2e: {  	s3 =	simm.s32 @!p0 $0x1082;
	s9 =	sld [smem:$0x3FAB]  }
0x2f: {  	lr =	sadd.s32 s0, s3;
	s0 =	sld [smem:$0x3FA2]  }
0x30: {  	s3 =	sld [smem:$0x3FA5]  }
0x31: {  	[smem:$0x3FAE] =	sst s10  }
0x32: {  	s10 =	sld [smem:$0x3FAC];
	_ =	sdelay $0x3  }
0x33: {  	p0 =	seq.s32 s10, $0x1;
	s10 =	sld [smem:$0x3FAE];
	_ =	sdelay $0x3  }
0x34: {  	[smem:$0x3FAE] =	sst s10  }
0x35: {  	s10 =	sld [smem:$0x3FAD];
	_ =	sdelay $0x3  }
0x36: {  	p1 =	seq.s32 s10, $0x1;
	s10 =	sld [smem:$0x3FAE];
	_ =	sdelay $0x3  }
0x37: {  	[smem:$0x3FAE] =	sst s10  }
0x38: {  	s10 =	sld [smem:$0x3FAF]  }
0x39: {  	_ = 	snop;
	(pc) =	sbr.ind lr, $3  }
0x3a: {  	_ = 	snop  }
0x3b: {  	_ = 	snop  }
0x3c: {  	p2 =	seq.s32 s10, $0x1;
	s10 =	sld [smem:$0x3FAE]  }
0x3d: {  	_ =	shalt  }
0x3e: {  	_ =	shalt  }
0x3f: {  	_ =	shalt  }
0x40: {  	_ =	shalt  }
0x41: {  	_ =	shalt  }
0x42: {  	_ =	shalt  }
0x43: {  	_ =	shalt  }
0x44: {  	_ =	shalt  }
0x45: {  	_ =	shalt  }
0x46: {  	_ =	shalt  }
0x47: {  	_ =	shalt  }
0x48: {  	_ =	shalt  }
0x49: {  	_ =	shalt  }
0x4a: {  	_ =	shalt  }
0x4b: {  	_ =	shalt  }
0x4c: {  	_ =	shalt  }
0x4d: {  	_ =	shalt  }
0x4e: {  	_ =	shalt  }
0x4f: {  	_ =	shalt  }
0x50: {  	_ =	shalt  }
0x51: {  	_ =	shalt  }
0x52: {  	_ =	shalt  }
0x53: {  	_ =	shalt  }
0x54: {  	_ =	shalt  }
0x55: {  	_ =	shalt  }
0x56: {  	_ =	shalt  }
0x57: {  	_ =	shalt  }
0x58: {  	_ =	shalt  }
0x59: {  	_ =	shalt  }
0x5a: {  	_ =	shalt  }
0x5b: {  	_ =	shalt  }
0x5c: {  	_ =	shalt  }
0x5d: {  	_ =	shalt  }
0x5e: {  	_ =	shalt  }
0x5f: {  	_ =	shalt  }
0x60: {  	_ =	shalt  }
0x61: {  	_ =	shalt  }
0x62: {  	_ =	shalt  }
0x63: {  	_ =	shalt  }
0x64: {  	_ =	shalt  }
0x65: {  	_ =	shalt  }
0x66: {  	_ =	shalt  }
0x67: {  	_ =	shalt  }
0x68: {  	_ =	shalt  }
0x69: {  	_ =	shalt  }
0x6a: {  	_ =	shalt  }
0x6b: {  	_ =	shalt  }
0x6c: {  	_ =	shalt  }
0x6d: {  	_ =	shalt  }
0x6e: {  	_ =	shalt  }
0x6f: {  	_ =	shalt  }
0x70: {  	_ =	shalt  }
0x71: {  	_ =	shalt  }
0x72: {  	_ =	shalt  }
0x73: {  	_ =	shalt  }
0x74: {  	_ =	shalt  }
0x75: {  	_ =	shalt  }
0x76: {  	_ =	shalt  }
0x77: {  	_ =	shalt  }
0x78: {  	_ =	shalt  }
0x79: {  	_ =	shalt  }
0x7a: {  	_ =	shalt  }
0x7b: {  	_ =	shalt  }
0x7c: {  	_ =	shalt  }
0x7d: {  	_ =	shalt  }
0x7e: {  	_ =	shalt  }
0x7f: {  	_ =	shalt  }
0x80: {  	_ =	shalt  }
0x81: {  	_ =	shalt  }
0x82: {  	_ =	shalt  }
0x83: {  	_ =	shalt  }
0x84: {  	_ =	shalt  }
0x85: {  	_ =	shalt  }
0x86: {  	_ =	shalt  }
0x87: {  	_ =	shalt  }
.Lfunc_end0:
.L_simem_size_0:
called_computation_lowered:
.L_overlay_start_0:
0x88: {  	s2 =	sld [smem:$0x3FD9]  }
0x89: {  	s3 =	sld [smem:$0x3FFE];
	_ =	sdelay $0x1  }
0x8a: {  	s1 =	srdreg.scid  }
0x8b: {  	s0 =	sand.u32 $0x1, s1  }
0x8c: {  	s16 =	sshll.u32 s0, $0xA;
	s2 =	sadd.s32 s3, s2  }
0x8d: {  	s2 =	sadd.s32 s2, s16  }
0x8e: {  	[smem:$0x3FBA] =	sst s2  }
0x8f: {  	_ = 	snop  }
0x90: {  	(tm) =	ssettm $0x1  }
0x91: {  	s17 =	sld [smem:$0x3FFB];
	_ =	sdelay $0x3  }
0x92: {  	_ =	strace s17  }
0x93: {  	s2 =	sld [smem:$0x3FFC];
	_ =	sdelay $0x3  }
0x94: {  	_ =	strace s2  }
0x95: {  	s2 =	sld [smem:$0x3FFD];
	_ =	sdelay $0x3  }
0x96: {  	_ =	strace s2  }
0x97: {  	_ =	strace $0x8FFFFFFF  }
0x98: {  	s18 =	sld [smem:$0x3FDB];
	_ =	sdelay $0x1  }
0x99: {  	s19 =	simm.s32 $_scs_section_size  }
0x9a: {  	s4 =	simm.s32 $_size__tile_overlayer_lowered;
	s5 =	simm.s32 $_tile_overlayer_lowered  }
0x9b: {  	s22 =	simm.s32 $0x1BFF;
	s21 =	sshll.u32 s5, $0x1;
	s2 =	sadd.s32 s19, s18  }
0x9c: {  	s6 =	simm.s32 $0x0;
	s20 =	sshll.u32 s4, $0x1;
	s4 =	sadd.s32 s21, s2  }
0x9d: {  	[timem:s6], [sflag:s22] =	dma.local [hbm:s4], s20  }
0x9e: {  	_ =	swait.ge [sflag:s22], s20  }
0x9f: {  	s3 =	ssub.s32 $0x0, s20;
	[sflag:s22] =	ssyncset.done $0x0  }
0xa0: {  	[sflag:s22] =	ssyncadd.s32 s3;
	_ =	sdelay $0x1  }
0xa1: {  	s23 =	simm.s32 $0x1B8B  }
0xa2: {  	_ =	swait.ge [sflag:s23], $0x1  }
0xa3: {  	[sflag:s23] =	ssyncset.done $0x0  }
0xa4: {  	s25 =	simm.s32 $0x1B8E;
	s24 =	sld [smem:$0x3FFE];
	[sflag:s23] =	ssyncadd.s32 $0xFFFFFFFF  }
0xa5: {  	s26 =	simm.s32 $execute0_lowered;
	[smem:$0x3FD2] =	sst s25  }
0xa6: {  	s4 =	sshll.u32 s26, $0x1;
	_ =	strace $0x80000046;
	[dreg:$0x1] =	wrdreg $0xFFFFFFFF  }
0xa7: {  	s28 =	simm.s32 $_size_execute0_lowered;
	s2 =	sadd.s32 s2, s4;
	[dreg:$0x0] =	wrdreg $0x0  }
0xa8: {  	s4 =	sshll.u32 s28, $0x1;
	[dreg:$0x2] =	wrdreg s2  }
0xa9: {  	[dreg:$0x3] =	wrdreg s4  }
0xaa: {  	[dreg:$0x4] =	wrdreg $0xC0  }
0xab: {  	_ =	task [dreg:s6], $0x5FFFF  }
0xac: {  	[dreg:$0x1] =	wrdreg $0xFFFFFFFF  }
0xad: {  	[dreg:$0x0] =	wrdreg $0x60  }
0xae: {  	[dreg:$0x2] =	wrdreg s24  }
0xaf: {  	[dreg:$0x3] =	wrdreg $0x9  }
0xb0: {  	_ =	task.clear_ibuf [dreg:s6], $0x4FFFF;
	_ =	strace $0x90000046  }
0xb1: {  	s29 =	simm.s32 $0x9;
	_ =	strace $0x80000048  }
0xb2: {  	_ =	swait.ge [sflag:s29], $0x1  }
0xb3: {  	[sflag:s29] =	ssyncadd.s32 $0xFFFFFFFF  }
0xb4: {  	_ =	strace $0x90000048  }
0xb5: {  	_ =	sfence  }
0xb6: {  	s30 =	sld [smem:$0x0];
	_ =	sdelay $0x2  }
0xb7: {  	s31 =	sshll.u32 s1, $0xD;
	s1 =	sshrl.u32 s1, $0x2  }
0xb8: {  	s3 =	sand.u32 $0x4000, s31;
	s1 =	sadd.s32 s1, s30  }
0xb9: {  	s0 =	sor.u32 s3, s0;
	s1 =	sshll.u32 s1, $0x11  }
0xba: {  	s0 =	sor.u32 s1, s0  }
0xbb: {  	s0 =	sadd.s32 $0x8F2B, s0  }
0xbc: {  	[sflag:s0] =	ssyncadd.remote.s32 $0x1  }
0xbd: {  	_ =	sfence.sel $0xFFFF  }
0xbe: {  	[dreg:$0x0] =	wrdreg $0xFFFFFFFF;
	(pc) =	sbr.abs _section_cstart, $3  }
0xbf: {  	[dreg:$0x1] =	wrdreg $0xFFFFFFFF  }
0xc0: {  	_ =	task.clear_ibuf [dreg:s6], $0x2FFFF;
	_ =	strace $0x9FFFFFFF  }
0xc1: {  	(tm) =	ssettm $0x7FFFFFFF  }
tec
execute0_lowered:
.L_overlay_start_1:
0x0: {  	(tag) =	ssettag $0x1  }
0x1: {  	s1 =	srdreg.scid;
	s0 =	stileid.u32  }
0x2: {  	s7 =	sand.u32 $0x1, s1;
	s31 =	sshll.u32 s0, $0x1  }
0x3: {  	s1 =	sor.u32 s7, s31  }
0x4: {  	s3 =	rddreg [dreg:$0x0];
	s2 =	simm.s32 $0x0;
	s4 =	smul.u32 $0xC35, s1  }
0x5: {  	[smem:$0x7FF] =	sst s2  }
0x6: {  	s1 =	rddreg [dreg:$0x1];
	s8 =	sadd.s32 s4, s3  }
0x7: {  	_ =	strace $0x80000047;
	s3 =	simm.s32 $0x1;
	s4 =	sadd.s32 $0x1BC00, s8  }
0x8: {  	[tilespmem:s2], [sflag:$0x1] =	stream.linear.gather [hbm4b:s4+s2], $0x61A8, $0x38;
	[tilespmem:$0xC350] =	vst v63  }
0x9: {  	_ =	swait.ge [sflag:s3], $0x61A8  }
0xa: {  	s6 =	simm.s32 $0x61A8;
	[sflag:s3] =	ssyncset.done $0x0  }
0xb: {  	s9 =	ssub.s32 $0x2, s7;
	s5 =	sadd.s32 $0x3400, s8;
	[sflag:s3] =	ssyncadd.s32 $0xFFFF9E58  }
0xc: {  	[tilespmem:s6], [sflag:$0x1] =	stream.linear.gather [hbm4b:s5+s2], $0x61A8, $0x38;
	[tilespmem:$0xC350] =	vst v63  }
0xd: {  	s10 =	sshrl.u32 s9, $0x1;
	_ =	swait.ge [sflag:s3], $0x61A8  }
0xe: {  	s9 =	ssub.s32 s9, s10;
	[sflag:s3] =	ssyncset.done $0x0  }
0xf: {  	s9 =	smax.u32 s9, $0x1;
	s7 =	sadd.s32 $0x4CC00, s8;
	[sflag:s3] =	ssyncadd.s32 $0xFFFF9E58  }
0x10: {  	[hbm4b:s7+s2] =	stream.linear.scatter [tilespmem:s2], [sflag:$0x1], $0x61A8, $0x38;
	[tilespmem:$0xC350] =	vst v63  }
0x11: {  	p0 =	sne.s32 s9, $0x1;
	_ =	swait.ge [sflag:s3], $0x61A8  }
.Ltmp0:
0x12: {  	[sflag:s3] =	ssyncset.done $0x0;
	(pc) =	sbr.rel @!p0 .LBB2_2-.Ltmp0, $4  }
0x13: {  	s8 =	sadd.s32 $0x34400, s8;
	[sflag:s3] =	ssyncadd.s32 $0xFFFF9E58  }
0x14: {  	[hbm4b:s8+s2] =	stream.linear.scatter [tilespmem:s6], [sflag:$0x1], $0x61A8, $0x38;
	[tilespmem:$0xC350] =	vst v63  }
0x15: {  	_ =	swait.ge [sflag:s3], $0x61A8  }
0x16: {  	s9 =	sadd.s32 $0xFFFFFFFF, s9;
	[sflag:s3] =	ssyncset.done $0x0  }
.LBB2_1:
0x17: {  	p0 =	sne.s32 s9, $0x1;
	s9 =	sadd.s32 $0xFFFFFFFF, s9;
	[sflag:s3] =	ssyncadd.s32 $0xFFFF9E58  }
0x18: {  	[tilespmem:s2], [sflag:$0x1] =	stream.linear.gather [hbm4b:s4+s2], $0x61A8, $0x38;
	[tilespmem:$0xC350] =	vst v63  }
0x19: {  	_ =	swait.ge [sflag:s3], $0x61A8  }
0x1a: {  	[sflag:s3] =	ssyncset.done $0x0  }
0x1b: {  	[sflag:s3] =	ssyncadd.s32 $0xFFFF9E58  }
0x1c: {  	[tilespmem:s6], [sflag:$0x1] =	stream.linear.gather [hbm4b:s5+s2], $0x61A8, $0x38;
	[tilespmem:$0xC350] =	vst v63  }
0x1d: {  	_ =	swait.ge [sflag:s3], $0x61A8  }
0x1e: {  	[sflag:s3] =	ssyncset.done $0x0  }
0x1f: {  	[sflag:s3] =	ssyncadd.s32 $0xFFFF9E58  }
0x20: {  	[hbm4b:s7+s2] =	stream.linear.scatter [tilespmem:s2], [sflag:$0x1], $0x61A8, $0x38;
	[tilespmem:$0xC350] =	vst v63  }
0x21: {  	_ =	swait.ge [sflag:s3], $0x61A8  }
.Ltmp1:
0x22: {  	[sflag:s3] =	ssyncset.done $0x0;
	(pc) =	sbr.rel @p0 .LBB2_1-.Ltmp1, $4  }
0x23: {  	[sflag:s3] =	ssyncadd.s32 $0xFFFF9E58  }
0x24: {  	[hbm4b:s8+s2] =	stream.linear.scatter [tilespmem:s6], [sflag:$0x1], $0x61A8, $0x38;
	[tilespmem:$0xC350] =	vst v63  }
0x25: {  	_ =	swait.ge [sflag:s3], $0x61A8  }
0x26: {  	[sflag:s3] =	ssyncset.done $0x0  }
.LBB2_2:
0x27: {  	[sflag:s3] =	ssyncadd.s32 $0xFFFF9E58  }
0x28: {  	_ =	sfence.sel $0x180000  }
0x29: {  	[bflag:$0x0] =	sbarrier.arrive $0xFFFF  }
0x2a: {  	p0 =	sne.s32 s0, $0x0;
	_ =	strace $0x90000047  }
0x2b: {  	s0 =	sadd.s32 @!p0 $0x100000, s1;
	[bflag:$0x2] =	sbarrier.arrive $0xFFFF  }
0x2c: {  	[sflag:s0] =	ssyncadd.tile.s32 @!p0 $0x1;
	_ =	shalt  }
.Lfunc_end2:
_tile_overlayer_lowered:
.L_overlay_start_2:
0x2d: {  	(tag) =	ssettag $0x2  }
0x2e: {  	s0 =	rddreg [dreg:$0x0];
	s2 =	stileid.u32  }
0x2f: {  	s1 =	rddreg [dreg:$0x1];
	p0 =	sne.s32 s2, $0x0  }
0x30: {  	s3 =	rddreg [dreg:$0x2];
	[bflag:$0x3] =	sbarrier.arrive $0xFFFF;
	s2 =	simm.s32 @!p0 $0x1C01  }
0x31: {  	[timem:s3], [sflag:s2] =	dma.local @!p0 [hbm:s0], s1  }
0x32: {  	s0 =	simm.s32 @!p0 $0x1  }
0x33: {  	_ =	swait.ge @!p0 [sflag:s0], s1  }
0x34: {  	s1 =	ssub.s32 @!p0 $0x0, s1;
	[sflag:s0] =	ssyncset.done @!p0 $0x0  }
0x35: {  	[sflag:s0] =	ssyncadd.s32 @!p0 s1  }
0x36: {  	[bflag:$0x3] =	sbarrier.arrive $0xFFFF  }
0x37: {  	_ =	shalt  }

// kernel: kernel.9.cloned.1.call-start
scs
__scs_entry_jumppad:
0x0: {  	(pc) =	sbr.rel $0x88, $3  }
0x1: {  	(tag) =	ssettag $0x0;
	lr =	simm.s32 $0x1  }
0x2: {  	[smem:$0x3F93] =	sst lr;
	_ =	strace $0xD0000000  }
0x3: {  	_ = 	snop  }
0x4: {  	_ = 	snop  }
0x5: {  	_ = 	snop  }
0x6: {  	_ = 	snop  }
0x7: {  	_ = 	snop  }
__scs_overlays_trampoline_lowered:
0x8: {  	[smem:$0x3FA2] =	sst s0  }
0x9: {  	[smem:$0x3FA3] =	sst s1  }
0xa: {  	[smem:$0x3FA4] =	sst s2  }
0xb: {  	[smem:$0x3FA5] =	sst s3  }
0xc: {  	[smem:$0x3FA6] =	sst s4  }
0xd: {  	[smem:$0x3FA7] =	sst s5  }
0xe: {  	[smem:$0x3FA8] =	sst s6  }
0xf: {  	[smem:$0x3FA9] =	sst s7  }
0x10: {  	[smem:$0x3FAA] =	sst s8  }
0x11: {  	[smem:$0x3FAB] =	sst s9;
	s0 =	simm.s32 @!p0 $0x0  }
0x12: {  	s1 =	sld [smem:$0x3F91];
	s0 =	simm.s32 @p0 $0x1  }
0x13: {  	[smem:$0x3FAC] =	sst s0;
	s0 =	simm.s32 @!p1 $0x0  }
0x14: {  	s2 =	sld [smem:$0x3F90];
	s0 =	simm.s32 @p1 $0x1  }
0x15: {  	[smem:$0x3FAD] =	sst s0;
	s0 =	simm.s32 @!p2 $0x0  }
0x16: {  	s3 =	sld [smem:$0x3FDB];
	s0 =	simm.s32 @p2 $0x1  }
0x17: {  	s4 =	simm.s32 $0x1BF5;
	[smem:$0x3FAF] =	sst s0  }
0x18: {  	s0 =	sld [smem:$0x3F92];
	_ =	swait.ge [sflag:s4], $0x0  }
0x19: {  	s7 =	sld [smem:$0x3F93]  }
0x1a: {  	s8 =	sadd.s32 $0xFFFFE003, lr  }
0x1b: {  	s9 =	sadd.s32 $0xFFFFFEF7, lr;
	s5 =	simm.s32 $0xFFFFFFFF;
	p2 =	slt.u32 s8, $0xFFFFF086  }
0x1c: {  	p1 =	slt.u32 s9, $0xF7A;
	s5 =	simm.s32 @!p2 $0x0  }
0x1d: {  	s5 =	simm.s32 @p1 $0x1;
	p0 =	seq.s32 s7, s2  }
0x1e: {  	s7 =	smul.u32 @!p0 $0xF7A, s2;
	p2 =	seq.s32 @!p0 s5, $0x0  }
0x1f: {  	s9 =	smul.u32 $0xF7A, s1;
	s8 =	simm.s32 @!p0 $0x1BF5;
	p2 =	por !p2, p0  }
0x20: {  	[sflag:s8] =	ssyncset.s32 @!p0 $0xFFFFF086;
	s6 =	sadd.s32 @!p0 s3, s7;
	s7 =	simm.s32 @!p0 $0x108  }
0x21: {  	s3 =	sadd.s32 s3, s9;
	s6 =	sadd.s32 @!p0 $0x88, s6;
	s7 =	simm.s32 @p2 $0x1082  }
0x22: {  	[simem:s7], [sflag:s8] =	dma.local @!p0 [hbm:s6], $0xF7A  }
0x23: {  	s9 =	sor.u32 $0xD0000000, s2;
	s6 =	simm.s32 $0x108;
	_ =	swait.ge @!p0 [sflag:s8], $0x0  }
0x24: {  	s3 =	sadd.s32 $0x88, s3;
	s6 =	simm.s32 @!p1 $0x1082;
	[sflag:s4] =	ssyncset.s32 $0xFFFFF086  }
0x25: {  	[simem:s6], [sflag:s4] =	dma.local [hbm:s3], $0xF7A  }
0x26: {  	[smem:$0x3F93] =	sst s1;
	(tag) =	ssettag s2;
	_ =	strace s9  }
0x27: {  	s1 =	sld [smem:$0x3FA3]  }
0x28: {  	s2 =	sld [smem:$0x3FA4]  }
0x29: {  	s4 =	sld [smem:$0x3FA6]  }
0x2a: {  	p0 =	seq.s32 s5, $0x0;
	s5 =	sld [smem:$0x3FA7]  }
0x2b: {  	s6 =	sld [smem:$0x3FA8]  }
0x2c: {  	s7 =	sld [smem:$0x3FA9]  }
0x2d: {  	s3 =	simm.s32 $0x108;
	s8 =	sld [smem:$0x3FAA]  }
0x2e: {  	s3 =	simm.s32 @!p0 $0x1082;
	s9 =	sld [smem:$0x3FAB]  }
0x2f: {  	lr =	sadd.s32 s0, s3;
	s0 =	sld [smem:$0x3FA2]  }
0x30: {  	s3 =	sld [smem:$0x3FA5]  }
0x31: {  	[smem:$0x3FAE] =	sst s10  }
0x32: {  	s10 =	sld [smem:$0x3FAC];
	_ =	sdelay $0x3  }
0x33: {  	p0 =	seq.s32 s10, $0x1;
	s10 =	sld [smem:$0x3FAE];
	_ =	sdelay $0x3  }
0x34: {  	[smem:$0x3FAE] =	sst s10  }
0x35: {  	s10 =	sld [smem:$0x3FAD];
	_ =	sdelay $0x3  }
0x36: {  	p1 =	seq.s32 s10, $0x1;
	s10 =	sld [smem:$0x3FAE];
	_ =	sdelay $0x3  }
0x37: {  	[smem:$0x3FAE] =	sst s10  }
0x38: {  	s10 =	sld [smem:$0x3FAF]  }
0x39: {  	_ = 	snop;
	(pc) =	sbr.ind lr, $3  }
0x3a: {  	_ = 	snop  }
0x3b: {  	_ = 	snop  }
0x3c: {  	p2 =	seq.s32 s10, $0x1;
	s10 =	sld [smem:$0x3FAE]  }
0x3d: {  	_ =	shalt  }
0x3e: {  	_ =	shalt  }
0x3f: {  	_ =	shalt  }
0x40: {  	_ =	shalt  }
0x41: {  	_ =	shalt  }
0x42: {  	_ =	shalt  }
0x43: {  	_ =	shalt  }
0x44: {  	_ =	shalt  }
0x45: {  	_ =	shalt  }
0x46: {  	_ =	shalt  }
0x47: {  	_ =	shalt  }
0x48: {  	_ =	shalt  }
0x49: {  	_ =	shalt  }
0x4a: {  	_ =	shalt  }
0x4b: {  	_ =	shalt  }
0x4c: {  	_ =	shalt  }
0x4d: {  	_ =	shalt  }
0x4e: {  	_ =	shalt  }
0x4f: {  	_ =	shalt  }
0x50: {  	_ =	shalt  }
0x51: {  	_ =	shalt  }
0x52: {  	_ =	shalt  }
0x53: {  	_ =	shalt  }
0x54: {  	_ =	shalt  }
0x55: {  	_ =	shalt  }
0x56: {  	_ =	shalt  }
0x57: {  	_ =	shalt  }
0x58: {  	_ =	shalt  }
0x59: {  	_ =	shalt  }
0x5a: {  	_ =	shalt  }
0x5b: {  	_ =	shalt  }
0x5c: {  	_ =	shalt  }
0x5d: {  	_ =	shalt  }
0x5e: {  	_ =	shalt  }
0x5f: {  	_ =	shalt  }
0x60: {  	_ =	shalt  }
0x61: {  	_ =	shalt  }
0x62: {  	_ =	shalt  }
0x63: {  	_ =	shalt  }
0x64: {  	_ =	shalt  }
0x65: {  	_ =	shalt  }
0x66: {  	_ =	shalt  }
0x67: {  	_ =	shalt  }
0x68: {  	_ =	shalt  }
0x69: {  	_ =	shalt  }
0x6a: {  	_ =	shalt  }
0x6b: {  	_ =	shalt  }
0x6c: {  	_ =	shalt  }
0x6d: {  	_ =	shalt  }
0x6e: {  	_ =	shalt  }
0x6f: {  	_ =	shalt  }
0x70: {  	_ =	shalt  }
0x71: {  	_ =	shalt  }
0x72: {  	_ =	shalt  }
0x73: {  	_ =	shalt  }
0x74: {  	_ =	shalt  }
0x75: {  	_ =	shalt  }
0x76: {  	_ =	shalt  }
0x77: {  	_ =	shalt  }
0x78: {  	_ =	shalt  }
0x79: {  	_ =	shalt  }
0x7a: {  	_ =	shalt  }
0x7b: {  	_ =	shalt  }
0x7c: {  	_ =	shalt  }
0x7d: {  	_ =	shalt  }
0x7e: {  	_ =	shalt  }
0x7f: {  	_ =	shalt  }
0x80: {  	_ =	shalt  }
0x81: {  	_ =	shalt  }
0x82: {  	_ =	shalt  }
0x83: {  	_ =	shalt  }
0x84: {  	_ =	shalt  }
0x85: {  	_ =	shalt  }
0x86: {  	_ =	shalt  }
0x87: {  	_ =	shalt  }
.Lfunc_end0:
.L_simem_size_0:
called_computation.1_lowered:
.L_overlay_start_0:
0x88: {  	s2 =	sld [smem:$0x3FD9]  }
0x89: {  	s3 =	sld [smem:$0x3FFE];
	_ =	sdelay $0x1  }
0x8a: {  	s1 =	srdreg.scid  }
0x8b: {  	s0 =	sand.u32 $0x1, s1  }
0x8c: {  	s17 =	sshll.u32 s0, $0xA;
	s2 =	sadd.s32 s3, s2  }
0x8d: {  	s2 =	sadd.s32 s2, s17  }
0x8e: {  	[smem:$0x3FBA] =	sst s2  }
0x8f: {  	_ = 	snop  }
0x90: {  	s18 =	sld [smem:$0x3FC9]  }
0x91: {  	s4 =	sld [smem:$0x3FC8];
	(tm) =	ssettm $0x1  }
0x92: {  	s19 =	sld [smem:$0x3FFB];
	_ =	sdelay $0x3  }
0x93: {  	_ =	strace s19  }
0x94: {  	s2 =	sld [smem:$0x3FFC];
	_ =	sdelay $0x3  }
0x95: {  	_ =	strace s2  }
0x96: {  	s2 =	sld [smem:$0x3FFD];
	_ =	sdelay $0x3  }
0x97: {  	_ =	strace s2  }
0x98: {  	_ =	strace $0x8FFFFFFF  }
0x99: {  	s20 =	sld [smem:$0x3FDB];
	_ =	sdelay $0x1  }
0x9a: {  	s5 =	simm.s32 $_scs_section_size  }
0x9b: {  	s6 =	simm.s32 $_size__tile_overlayer_lowered;
	s7 =	simm.s32 $_tile_overlayer_lowered  }
0x9c: {  	s8 =	simm.s32 $0x1BFF;
	s21 =	sshll.u32 s7, $0x1;
	s5 =	sadd.s32 s5, s20  }
0x9d: {  	s22 =	simm.s32 $0x0;
	s6 =	sshll.u32 s6, $0x1;
	s7 =	sadd.s32 s21, s5  }
0x9e: {  	[timem:s22], [sflag:s8] =	dma.local [hbm:s7], s6  }
0x9f: {  	_ =	swait.ge [sflag:s8], s6  }
0xa0: {  	s6 =	ssub.s32 $0x0, s6;
	[sflag:s8] =	ssyncset.done $0x0  }
0xa1: {  	[sflag:s8] =	ssyncadd.s32 s6;
	_ =	sdelay $0x1  }
0xa2: {  	s23 =	simm.s32 $0x1B8B  }
0xa3: {  	_ =	swait.ge [sflag:s23], $0x1  }
0xa4: {  	[sflag:s23] =	ssyncset.done $0x0  }
0xa5: {  	[sflag:s23] =	ssyncadd.s32 $0xFFFFFFFF  }
0xa6: {  	s6 =	sld [smem:$0x0]  }
0xa7: {  	s7 =	sand.u32 $0xFFFFFFFE, s1  }
0xa8: {  	p0 =	sne.s32 s1, s7  }
0xa9: {  	s7 =	sshll.u32 @p0 s7, $0xE  }
0xaa: {  	s7 =	sadd.s32 @p0 $0x11B8D, s7;
	s8 =	sshll.u32 @p0 s6, $0x11  }
0xab: {  	s7 =	sor.u32 @p0 s8, s7  }
0xac: {  	[sflag:s7] =	ssyncadd.remote.s32 @p0 $0x1;
	_ =	sdelay $0x1  }
0xad: {  	s7 =	simm.s32 @p0 $0x1B8D  }
0xae: {  	_ =	swait.eq @p0 [sflag:s7], $0x1  }
0xaf: {  	[sflag:s7] =	ssyncadd.s32 @p0 $0xFFFFFFFF  }
0xb0: {  	s8 =	sshll.u32 @!p0 s1, $0xE  }
0xb1: {  	s8 =	sor.u32 @!p0 $0x4000, s8;
	s7 =	simm.s32 @!p0 $0x1B8D  }
0xb2: {  	s6 =	sshll.u32 @!p0 s6, $0x11;
	s8 =	sadd.s32 @!p0 $0x11B8D, s8;
	_ =	swait.eq @!p0 [sflag:s7], $0x1  }
0xb3: {  	s6 =	sor.u32 @!p0 s6, s8;
	[sflag:s7] =	ssyncadd.s32 @!p0 $0xFFFFFFFF  }
0xb4: {  	s25 =	simm.s32 $0x1B8E;
	s24 =	sld [smem:$0x3FFE];
	[sflag:s6] =	ssyncadd.remote.s32 @!p0 $0x1  }
0xb5: {  	s26 =	simm.s32 $execute0_lowered;
	[smem:$0x3FD2] =	sst s25  }
0xb6: {  	s7 =	sshll.u32 s26, $0x1;
	_ =	strace $0x8000004C;
	[dreg:$0x1] =	wrdreg $0xFFFFFFFF  }
0xb7: {  	s28 =	simm.s32 $_size_execute0_lowered;
	s5 =	sadd.s32 s5, s7;
	[dreg:$0x0] =	wrdreg $0x0  }
0xb8: {  	s7 =	sshll.u32 s28, $0x1;
	[dreg:$0x2] =	wrdreg s5  }
0xb9: {  	[dreg:$0x3] =	wrdreg s7  }
0xba: {  	[dreg:$0x4] =	wrdreg $0xC0  }
0xbb: {  	_ =	task [dreg:s22], $0x5FFFF  }
0xbc: {  	[dreg:$0x1] =	wrdreg $0xFFFFFFFF  }
0xbd: {  	[dreg:$0x0] =	wrdreg $0x60  }
0xbe: {  	[dreg:$0x2] =	wrdreg s4  }
0xbf: {  	[dreg:$0x3] =	wrdreg s18  }
0xc0: {  	[dreg:$0x4] =	wrdreg s24  }
0xc1: {  	[dreg:$0x5] =	wrdreg $0x9  }
0xc2: {  	_ =	task.clear_ibuf [dreg:s22], $0x6FFFF;
	_ =	strace $0x9000004C  }
0xc3: {  	s29 =	simm.s32 $0x9;
	_ =	strace $0x8000004E  }
0xc4: {  	_ =	swait.ge [sflag:s29], $0x1  }
0xc5: {  	[sflag:s29] =	ssyncadd.s32 $0xFFFFFFFF  }
0xc6: {  	_ =	strace $0x9000004E  }
0xc7: {  	_ =	sfence  }
0xc8: {  	s30 =	sld [smem:$0x0];
	_ =	sdelay $0x2  }
0xc9: {  	s31 =	sshll.u32 s1, $0xD;
	s1 =	sshrl.u32 s1, $0x2  }
0xca: {  	s4 =	sand.u32 $0x4000, s31;
	s1 =	sadd.s32 s1, s30  }
0xcb: {  	s0 =	sor.u32 s4, s0;
	s1 =	sshll.u32 s1, $0x11  }
0xcc: {  	s0 =	sor.u32 s1, s0  }
0xcd: {  	s0 =	sadd.s32 $0x8F2B, s0  }
0xce: {  	[sflag:s0] =	ssyncadd.remote.s32 $0x1  }
0xcf: {  	_ =	sfence.sel $0xFFFF  }
0xd0: {  	[dreg:$0x0] =	wrdreg $0xFFFFFFFF;
	(pc) =	sbr.abs _section_cstart, $3  }
0xd1: {  	[dreg:$0x1] =	wrdreg $0xFFFFFFFF  }
0xd2: {  	_ =	task.clear_ibuf [dreg:s22], $0x2FFFF;
	_ =	strace $0x9FFFFFFF  }
0xd3: {  	(tm) =	ssettm $0x7FFFFFFF  }
tec
execute0_lowered:
.L_overlay_start_1:
0x0: {  	(tag) =	ssettag $0x1  }
0x1: {  	s3 =	rddreg [dreg:$0x0]  }
0x2: {  	s5 =	rddreg [dreg:$0x1]  }
0x3: {  	s1 =	srdreg.scid;
	s0 =	stileid.u32  }
0x4: {  	s25 =	rddreg [dreg:$0x2];
	s26 =	sand.u32 $0x1, s1;
	s4 =	sshll.u32 s0, $0x1  }
0x5: {  	s2 =	simm.s32 $0x0;
	s1 =	rddreg [dreg:$0x3];
	s28 =	sor.u32 s26, s4  }
0x6: {  	[smem:$0x7FF] =	sst s2;
	s6 =	sshll.u32 s28, $0x6  }
0x7: {  	_ =	strace $0x8000004D;
	s4 =	sadd.s32 s3, s6;
	s3 =	simm.s32 $0x3  }
0x8: {  	[tilespmem:s2], [sflag:$0x3] =	stream.linear.gather [hbm4b:s4+s2], $0x200, $0x38;
	[tilespmem:$0x10400] =	vst v63  }
0x9: {  	_ =	swait.ge [sflag:s3], $0x200  }
0xa: {  	[sflag:s3] =	ssyncset.done $0x0  }
0xb: {  	s5 =	sadd.s32 s5, s6;
	s6 =	simm.s32 $0x200;
	[sflag:s3] =	ssyncadd.s32 $0xFFFFFE00  }
0xc: {  	[tilespmem:s6], [sflag:$0x3] =	stream.linear.gather [hbm4b:s5+s2], $0x200, $0x38;
	[tilespmem:$0x10400] =	vst v63  }
0xd: {  	_ =	swait.ge [sflag:s3], $0x200  }
0xe: {  	s8 =	simm.s32 $0x80;
	[sflag:s3] =	ssyncset.done $0x0  }
0xf: {  	s9 =	simm.s32 $0x400;
	s7 =	sadd.s32 $0x316C00, s25;
	[sflag:s3] =	ssyncadd.s32 $0xFFFFFE00  }
0x10: {  	[tilespmem:s9], [sflag:$0x1] =	stream.indirect.gather [hbm4b:s7+s8], $0x40, s2, s8, $0xb8;
	[tilespmem:$0x10400] =	vst v63  }
0x11: {  	s11 =	simm.s32 $0x8400;
	s10 =	sadd.s32 $0xA600, s25  }
0x12: {  	[tilespmem:s11], [sflag:$0x2] =	stream.indirect.gather [hbm4b:s10+s8], $0x40, s6, s8, $0xb8;
	[tilespmem:$0x10400] =	vst v63  }
0x13: {  	s12 =	simm.s32 $0x2400  }
0x14: {  	[tilespmem:s12], [sflag:$0x1] =	stream.indirect.gather [hbm4b:s7+s8], $0x40, s8, s8, $0xb8;
	[tilespmem:$0x10400] =	vst v63  }
0x15: {  	s13 =	simm.s32 $0x280;
	s14 =	simm.s32 $0xA400  }
0x16: {  	[tilespmem:s14], [sflag:$0x2] =	stream.indirect.gather [hbm4b:s10+s8], $0x40, s13, s8, $0xb8;
	[tilespmem:$0x10400] =	vst v63  }
0x17: {  	s15 =	simm.s32 $0x100;
	s16 =	simm.s32 $0x4400  }
0x18: {  	[tilespmem:s16], [sflag:$0x1] =	stream.indirect.gather [hbm4b:s7+s8], $0x40, s15, s8, $0xb8;
	[tilespmem:$0x10400] =	vst v63  }
0x19: {  	s17 =	simm.s32 $0x300;
	s18 =	simm.s32 $0xC400  }
0x1a: {  	[tilespmem:s18], [sflag:$0x2] =	stream.indirect.gather [hbm4b:s10+s8], $0x40, s17, s8, $0xb8;
	[tilespmem:$0x10400] =	vst v63  }
0x1b: {  	s19 =	simm.s32 $0x180;
	s20 =	simm.s32 $0x6400  }
0x1c: {  	[tilespmem:s20], [sflag:$0x1] =	stream.indirect.gather [hbm4b:s7+s8], $0x40, s19, s8, $0xb8;
	[tilespmem:$0x10400] =	vst v63  }
0x1d: {  	s21 =	simm.s32 $0x380;
	s22 =	simm.s32 $0xE400;
	s23 =	simm.s32 $0x1  }
0x1e: {  	[tilespmem:s22], [sflag:$0x2] =	stream.indirect.gather [hbm4b:s10+s8], $0x40, s21, s8, $0xb8;
	[tilespmem:$0x10400] =	vst v63  }
0x1f: {  	_ =	swait.ge [sflag:s23], $0x2000  }
0x20: {  	[sflag:s23] =	ssyncset.done $0x0  }
0x21: {  	s24 =	simm.s32 $0x2;
	[sflag:s23] =	ssyncadd.s32 $0xFFFFE000  }
0x22: {  	_ =	swait.ge [sflag:s24], $0x2000  }
0x23: {  	[sflag:s24] =	ssyncset.done $0x0  }
0x24: {  	[sflag:s24] =	ssyncadd.s32 $0xFFFFE000  }
0x25: {  	_ =	swait.ge [sflag:s23], $0x2000  }
0x26: {  	[sflag:s23] =	ssyncset.done $0x0  }
0x27: {  	[sflag:s23] =	ssyncadd.s32 $0xFFFFE000  }
0x28: {  	_ =	swait.ge [sflag:s24], $0x2000  }
0x29: {  	[sflag:s24] =	ssyncset.done $0x0  }
0x2a: {  	[sflag:s24] =	ssyncadd.s32 $0xFFFFE000  }
0x2b: {  	_ =	swait.ge [sflag:s23], $0x2000  }
0x2c: {  	[sflag:s23] =	ssyncset.done $0x0  }
0x2d: {  	[sflag:s23] =	ssyncadd.s32 $0xFFFFE000  }
0x2e: {  	_ =	swait.ge [sflag:s24], $0x2000  }
0x2f: {  	[sflag:s24] =	ssyncset.done $0x0  }
0x30: {  	[sflag:s24] =	ssyncadd.s32 $0xFFFFE000  }
0x31: {  	_ =	swait.ge [sflag:s23], $0x2000  }
0x32: {  	[sflag:s23] =	ssyncset.done $0x0  }
0x33: {  	s29 =	ssub.s32 $0x2, s26;
	s26 =	simm.s32 $0x40;
	[sflag:s23] =	ssyncadd.s32 $0xFFFFE000  }
0x34: {  	s28 =	sshll.u32 s28, $0xD;
	s30 =	sshrl.u32 s29, $0x1;
	_ =	swait.ge [sflag:s24], $0x2000  }
0x35: {  	s28 =	sadd.s32 s28, s25;
	s29 =	ssub.s32 s29, s30;
	[sflag:s24] =	ssyncset.done $0x0  }
0x36: {  	s25 =	sadd.s32 $0xCDC00, s28;
	s29 =	smax.u32 s29, $0x1;
	[sflag:s24] =	ssyncadd.s32 $0xFFFFE000  }
0x37: {  	[hbm4b:s25+s26] =	stream.strided.scatter [tilespmem:s9], [sflag:$0x3], $0x8000, s8, s26, $0x38;
	[tilespmem:$0x10400] =	vst v63  }
0x38: {  	p0 =	sne.s32 s29, $0x1;
	_ =	swait.ge [sflag:s3], $0x8000  }
.Ltmp0:
0x39: {  	[sflag:s3] =	ssyncset.done $0x0;
	(pc) =	sbr.rel @!p0 .LBB2_2-.Ltmp0, $4  }
0x3a: {  	s28 =	sadd.s32 $0xCDC08, s28;
	[sflag:s3] =	ssyncadd.s32 $0xFFFF8000  }
0x3b: {  	[hbm4b:s28+s26] =	stream.strided.scatter [tilespmem:s11], [sflag:$0x3], $0x8000, s8, s26, $0x38;
	[tilespmem:$0x10400] =	vst v63  }
0x3c: {  	_ =	swait.ge [sflag:s3], $0x8000  }
0x3d: {  	s29 =	sadd.s32 $0xFFFFFFFF, s29;
	[sflag:s3] =	ssyncset.done $0x0  }
.LBB2_1:
0x3e: {  	p0 =	sne.s32 s29, $0x1;
	s29 =	sadd.s32 $0xFFFFFFFF, s29;
	[sflag:s3] =	ssyncadd.s32 $0xFFFF8000  }
0x3f: {  	[tilespmem:s2], [sflag:$0x3] =	stream.linear.gather [hbm4b:s4+s2], $0x200, $0x38;
	[tilespmem:$0x10400] =	vst v63  }
0x40: {  	_ =	swait.ge [sflag:s3], $0x200  }
0x41: {  	[sflag:s3] =	ssyncset.done $0x0  }
0x42: {  	[sflag:s3] =	ssyncadd.s32 $0xFFFFFE00  }
0x43: {  	[tilespmem:s6], [sflag:$0x3] =	stream.linear.gather [hbm4b:s5+s2], $0x200, $0x38;
	[tilespmem:$0x10400] =	vst v63  }
0x44: {  	_ =	swait.ge [sflag:s3], $0x200  }
0x45: {  	[sflag:s3] =	ssyncset.done $0x0  }
0x46: {  	[sflag:s3] =	ssyncadd.s32 $0xFFFFFE00  }
0x47: {  	[tilespmem:s9], [sflag:$0x1] =	stream.indirect.gather [hbm4b:s7+s8], $0x40, s2, s8, $0xb8;
	[tilespmem:$0x10400] =	vst v63  }
0x48: {  	_ = 	snop  }
0x49: {  	[tilespmem:s11], [sflag:$0x2] =	stream.indirect.gather [hbm4b:s10+s8], $0x40, s6, s8, $0xb8;
	[tilespmem:$0x10400] =	vst v63  }
0x4a: {  	_ = 	snop  }
0x4b: {  	[tilespmem:s12], [sflag:$0x1] =	stream.indirect.gather [hbm4b:s7+s8], $0x40, s8, s8, $0xb8;
	[tilespmem:$0x10400] =	vst v63  }
0x4c: {  	_ = 	snop  }
0x4d: {  	[tilespmem:s14], [sflag:$0x2] =	stream.indirect.gather [hbm4b:s10+s8], $0x40, s13, s8, $0xb8;
	[tilespmem:$0x10400] =	vst v63  }
0x4e: {  	_ = 	snop  }
0x4f: {  	[tilespmem:s16], [sflag:$0x1] =	stream.indirect.gather [hbm4b:s7+s8], $0x40, s15, s8, $0xb8;
	[tilespmem:$0x10400] =	vst v63  }
0x50: {  	_ = 	snop  }
0x51: {  	[tilespmem:s18], [sflag:$0x2] =	stream.indirect.gather [hbm4b:s10+s8], $0x40, s17, s8, $0xb8;
	[tilespmem:$0x10400] =	vst v63  }
0x52: {  	_ = 	snop  }
0x53: {  	[tilespmem:s20], [sflag:$0x1] =	stream.indirect.gather [hbm4b:s7+s8], $0x40, s19, s8, $0xb8;
	[tilespmem:$0x10400] =	vst v63  }
0x54: {  	_ = 	snop  }
0x55: {  	[tilespmem:s22], [sflag:$0x2] =	stream.indirect.gather [hbm4b:s10+s8], $0x40, s21, s8, $0xb8;
	[tilespmem:$0x10400] =	vst v63  }
0x56: {  	_ =	swait.ge [sflag:s23], $0x2000  }
0x57: {  	[sflag:s23] =	ssyncset.done $0x0  }
0x58: {  	[sflag:s23] =	ssyncadd.s32 $0xFFFFE000  }
0x59: {  	_ =	swait.ge [sflag:s24], $0x2000  }
0x5a: {  	[sflag:s24] =	ssyncset.done $0x0  }
0x5b: {  	[sflag:s24] =	ssyncadd.s32 $0xFFFFE000  }
0x5c: {  	_ =	swait.ge [sflag:s23], $0x2000  }
0x5d: {  	[sflag:s23] =	ssyncset.done $0x0  }
0x5e: {  	[sflag:s23] =	ssyncadd.s32 $0xFFFFE000  }
0x5f: {  	_ =	swait.ge [sflag:s24], $0x2000  }
0x60: {  	[sflag:s24] =	ssyncset.done $0x0  }
0x61: {  	[sflag:s24] =	ssyncadd.s32 $0xFFFFE000  }
0x62: {  	_ =	swait.ge [sflag:s23], $0x2000  }
0x63: {  	[sflag:s23] =	ssyncset.done $0x0  }
0x64: {  	[sflag:s23] =	ssyncadd.s32 $0xFFFFE000  }
0x65: {  	_ =	swait.ge [sflag:s24], $0x2000  }
0x66: {  	[sflag:s24] =	ssyncset.done $0x0  }
0x67: {  	[sflag:s24] =	ssyncadd.s32 $0xFFFFE000  }
0x68: {  	_ =	swait.ge [sflag:s23], $0x2000  }
0x69: {  	[sflag:s23] =	ssyncset.done $0x0  }
0x6a: {  	[sflag:s23] =	ssyncadd.s32 $0xFFFFE000  }
0x6b: {  	_ =	swait.ge [sflag:s24], $0x2000  }
0x6c: {  	[sflag:s24] =	ssyncset.done $0x0  }
0x6d: {  	[sflag:s24] =	ssyncadd.s32 $0xFFFFE000  }
0x6e: {  	[hbm4b:s25+s26] =	stream.strided.scatter [tilespmem:s9], [sflag:$0x3], $0x8000, s8, s26, $0x38;
	[tilespmem:$0x10400] =	vst v63  }
0x6f: {  	_ =	swait.ge [sflag:s3], $0x8000  }
.Ltmp1:
0x70: {  	[sflag:s3] =	ssyncset.done $0x0;
	(pc) =	sbr.rel @p0 .LBB2_1-.Ltmp1, $4  }
0x71: {  	[sflag:s3] =	ssyncadd.s32 $0xFFFF8000  }
0x72: {  	[hbm4b:s28+s26] =	stream.strided.scatter [tilespmem:s11], [sflag:$0x3], $0x8000, s8, s26, $0x38;
	[tilespmem:$0x10400] =	vst v63  }
0x73: {  	_ =	swait.ge [sflag:s3], $0x8000  }
0x74: {  	[sflag:s3] =	ssyncset.done $0x0  }
.LBB2_2:
0x75: {  	[sflag:s3] =	ssyncadd.s32 $0xFFFF8000  }
0x76: {  	_ =	sfence.sel $0x180000  }
0x77: {  	[bflag:$0x0] =	sbarrier.arrive $0xFFFF  }
0x78: {  	p0 =	sne.s32 s0, $0x0;
	_ =	strace $0x9000004D  }
0x79: {  	s0 =	sadd.s32 @!p0 $0x100000, s1;
	[bflag:$0x2] =	sbarrier.arrive $0xFFFF  }
0x7a: {  	[sflag:s0] =	ssyncadd.tile.s32 @!p0 $0x1;
	_ =	shalt  }
.Lfunc_end2:
_tile_overlayer_lowered:
.L_overlay_start_2:
0x7b: {  	(tag) =	ssettag $0x2  }
0x7c: {  	s0 =	rddreg [dreg:$0x0];
	s2 =	stileid.u32  }
0x7d: {  	s1 =	rddreg [dreg:$0x1];
	p0 =	sne.s32 s2, $0x0  }
0x7e: {  	s3 =	rddreg [dreg:$0x2];
	[bflag:$0x3] =	sbarrier.arrive $0xFFFF;
	s2 =	simm.s32 @!p0 $0x1C03  }
0x7f: {  	[timem:s3], [sflag:s2] =	dma.local @!p0 [hbm:s0], s1  }
0x80: {  	s0 =	simm.s32 @!p0 $0x3  }
0x81: {  	_ =	swait.ge @!p0 [sflag:s0], s1  }
0x82: {  	s1 =	ssub.s32 @!p0 $0x0, s1;
	[sflag:s0] =	ssyncset.done @!p0 $0x0  }
0x83: {  	[sflag:s0] =	ssyncadd.s32 @!p0 s1  }
0x84: {  	[bflag:$0x3] =	sbarrier.arrive $0xFFFF  }
0x85: {  	_ =	shalt  }

</sc_bundles>
